<compile_context>
chip_gen: v7x
topology: tpu7x:2x2x1
jax: 0.10.2.dev20260603
libtpu: 0.0.44.dev20260713+nightly
codegen_flags: <defaults>
</compile_context>

<pallas_src>
import functools

import jax
import jax.numpy as jnp
from jax import lax
from jax.experimental import pallas as pl
from jax.experimental.pallas import tpu as pltpu
from jax.experimental.pallas import tpu_sc as plsc

DIS = 26
CONT = 13
FEAT = DIS + CONT
VOCAB = 100000
VPAD = 100096
BATCH = 16384
LANES = 16
NW = 32
RPW = BATCH // NW
NSL = RPW // LANES
GS = 8
NG = NSL // GS
CH = GS * DIS * LANES


def _sc_body(xt_hbm, tab_hbm, out_hbm, xbuf, idxbuf, gbuf, obuf, sem):
    nc = plsc.get_sparse_core_info().num_cores
    wid = lax.axis_index("s") * nc + lax.axis_index("c")
    base = wid * RPW

    for i in range(FEAT):
        pltpu.async_copy(
            xt_hbm.at[pl.ds(i * BATCH + base, RPW)],
            xbuf.at[pl.ds(i * RPW, RPW)], sem)
    for i in range(FEAT):
        pltpu.make_async_copy(
            xt_hbm.at[pl.ds(i * BATCH + base, RPW)],
            xbuf.at[pl.ds(i * RPW, RPW)], sem).wait()

    def idx_slice(s, _):
        o = s * LANES
        ib = s * (DIS * LANES)
        for i in range(DIS):
            iv = xbuf[pl.ds(i * RPW + o, LANES)].astype(jnp.int32) + i * VPAD
            idxbuf[pl.ds(ib + i * LANES, LANES)] = iv

        @pl.when(s % GS == GS - 1)
        def _fire():
            g = s // GS
            pltpu.async_copy(
                tab_hbm.at[idxbuf.at[pl.ds(g * CH, CH)]],
                gbuf.at[pl.ds(g * CH, CH)], sem)

        return 0

    lax.fori_loop(0, NSL, idx_slice, 0)

    def cont_slice(s, _):
        o = s * LANES
        acc = xbuf[pl.ds(DIS * RPW + o, LANES)]
        for k in range(1, CONT):
            acc = acc + xbuf[pl.ds((DIS + k) * RPW + o, LANES)]
        obuf[pl.ds(o, LANES)] = acc
        return 0

    lax.fori_loop(0, NSL, cont_slice, 0)

    for g in range(NG):
        pltpu.make_async_copy(
            tab_hbm.at[idxbuf.at[pl.ds(g * CH, CH)]],
            gbuf.at[pl.ds(g * CH, CH)], sem).wait()

        def red_slice(s, _):
            o = s * LANES
            ib = s * (DIS * LANES)
            acc = obuf[pl.ds(o, LANES)]
            for i in range(DIS):
                acc = acc + gbuf[pl.ds(ib + i * LANES, LANES)]
            obuf[pl.ds(o, LANES)] = 1.0 / (1.0 + jnp.exp(-acc))
            return 0

        lax.fori_loop(g * GS, (g + 1) * GS, red_slice, 0)

    pltpu.sync_copy(obuf, out_hbm.at[pl.ds(base, RPW)])


def kernel(X, tables):
    xt = X.T.reshape(FEAT * BATCH)
    tab = jnp.pad(
        tables.reshape(DIS, VOCAB), ((0, 0), (0, VPAD - VOCAB))
    ).reshape(DIS * VPAD)
    mesh = plsc.VectorSubcoreMesh(core_axis_name="c", subcore_axis_name="s")
    run = functools.partial(
        pl.kernel,
        mesh=mesh,
        out_type=jax.ShapeDtypeStruct((BATCH,), jnp.float32),
        compiler_params=pltpu.CompilerParams(needs_layout_passes=False),
        scratch_types=[
            pltpu.VMEM((FEAT * RPW,), jnp.float32),
            pltpu.VMEM((DIS * RPW,), jnp.int32),
            pltpu.VMEM((DIS * RPW,), jnp.float32),
            pltpu.VMEM((RPW,), jnp.float32),
            pltpu.SemaphoreType.DMA,
        ],
    )(_sc_body)
    out = run(xt, tab)
    return out.reshape(BATCH, 1)

# --- scband reference (transcript-rebuilt; emitter-appended) ---
"""Pipeline reference for scband-lr-49478023250599 (READ-ONLY COPY).

The authoritative reference and input builder live on the scoring server;
editing this copy changes nothing except your own understanding.
"""

import jax, jax.numpy as jnp
import numpy as np

DIS_FEA_NUM = 26
VOCAB = 100000
BATCH = 16384
FEATURE_NUM = 39


def setup_inputs(seed: int = 0) -> dict:
    key = jax.random.key(seed)
    kx, kw = jax.random.split(key)
    # X: first 26 cols are discrete feature indices (stored as float, cast to int in forward),
    # remaining 13 cols are continuous features.
    X = jax.random.randint(kx, (BATCH, FEATURE_NUM), 0, VOCAB).astype(jnp.float32)
    # One embedding table of width 1 per discrete field, stacked: [26, VOCAB, 1].
    # Xavier-uniform for nn.Embedding(fea_size, 1): bound = sqrt(6/(fea_size+1)).
    bound = np.sqrt(6.0 / (VOCAB + 1))
    tables = jax.random.uniform(kw, (DIS_FEA_NUM, VOCAB, 1), minval=-bound, maxval=bound, dtype=jnp.float32)
    return {"X": X, "tables": tables}


def reference(X, tables):
    conti_feas = X[:, DIS_FEA_NUM:]
    sample_dis_feas = X[:, :DIS_FEA_NUM]
    batch_feas_embed = []
    for i in range(DIS_FEA_NUM):
        batch_fea_idxs = sample_dis_feas[:, i].astype(jnp.int32)
        emb = jnp.take(tables[i], batch_fea_idxs, axis=0)  # [B, 1]
        batch_feas_embed.append(emb)
    dis_linear_part = jnp.concatenate(batch_feas_embed, axis=1)  # [B, 26]
    linear_part = jnp.concatenate([dis_linear_part, conti_feas], axis=1)  # [B, 39]
    return jax.nn.sigmoid(jnp.sum(linear_part, axis=1, keepdims=True))

if __name__ == "__main__":
    import jax
    _d = setup_inputs()
    print(jax.jit(kernel)(*tuple(_d.values())))

</pallas_src>

<mosaic_0001>
#map = affine_map<(d0, d1) -> (0)>
module attributes {stable_mosaic.version = 14 : i64} {
  func.func @_sc_body(%arg0: i32, %arg1: i32, %arg2: memref<638976xf32, #tpu.memory_space<hbm>>, %arg3: memref<2602496xf32, #tpu.memory_space<hbm>>, %arg4: memref<16384xf32, #tpu.memory_space<hbm>>, %arg5: memref<19968xf32, #tpu.memory_space<vmem>>, %arg6: memref<13312xi32, #tpu.memory_space<vmem>>, %arg7: memref<13312xf32, #tpu.memory_space<vmem>>, %arg8: memref<512xf32, #tpu.memory_space<vmem>>, %arg9: memref<!tpu.dma_semaphore, #tpu.memory_space<semaphore_mem>>) attributes {dimension_semantics = [#tpu.dimension_semantics<core_parallel>, #tpu.dimension_semantics<subcore_parallel>], iteration_bounds = array<i64: 2, 16>, scalar_prefetch = 0 : i64, scratch_operands = 5 : i64, tpu.core_type = #tpu.core_type<sc_vector_subcore>, window_params = [{transform_indices = #map}, {transform_indices = #map}, {transform_indices = #map}]} {
    %mul3A = arith.constant 2 : i32
    %mul3A_0 = arith.muli %arg1, %mul3A : i32
    %add3A = arith.addi %mul3A_0, %arg0 : i32
    %mul3A_1 = arith.constant 512 : i32
    %mul3A_2 = arith.muli %add3A, %mul3A_1 : i32
    %add3A_3 = arith.constant 0 : i32
    %add3A_4 = arith.addi %add3A_3, %mul3A_2 : i32
    %dma_start3A = arith.constant 0 : i32
    %dma_start3A_5 = tpu.memref_slice %arg5[%dma_start3A] : memref<19968xf32, #tpu.memory_space<vmem>> -> memref<512xf32, #tpu.memory_space<vmem>>
    %dma_start3A_6 = tpu.memref_slice %arg2[%add3A_4] : memref<638976xf32, #tpu.memory_space<hbm>> -> memref<512xf32, #tpu.memory_space<hbm>>
    %dma_start3A_7 = arith.constant 0 : i32
    %dma_start3A_8 = tpu.memref_slice %arg5[%dma_start3A_7] : memref<19968xf32, #tpu.memory_space<vmem>> -> memref<512xf32, #tpu.memory_space<vmem>>
    %dma_start3A_9 = tpu.memref_slice %arg2[%add3A_4] : memref<638976xf32, #tpu.memory_space<hbm>> -> memref<512xf32, #tpu.memory_space<hbm>>
    tpu.enqueue_dma source(%dma_start3A_9 : memref<512xf32, #tpu.memory_space<hbm>>) target(%dma_start3A_8 : memref<512xf32, #tpu.memory_space<vmem>>) target_semaphore(%arg9 : memref<!tpu.dma_semaphore, #tpu.memory_space<semaphore_mem>>)
    %add3A_10 = arith.constant 16384 : i32
    %add3A_11 = arith.addi %add3A_10, %mul3A_2 : i32
    %dma_start3A_12 = arith.constant 512 : i32
    %dma_start3A_13 = tpu.memref_slice %arg5[%dma_start3A_12] : memref<19968xf32, #tpu.memory_space<vmem>> -> memref<512xf32, #tpu.memory_space<vmem>>
    %dma_start3A_14 = tpu.memref_slice %arg2[%add3A_11] : memref<638976xf32, #tpu.memory_space<hbm>> -> memref<512xf32, #tpu.memory_space<hbm>>
    %dma_start3A_15 = arith.constant 512 : i32
    %dma_start3A_16 = tpu.memref_slice %arg5[%dma_start3A_15] : memref<19968xf32, #tpu.memory_space<vmem>> -> memref<512xf32, #tpu.memory_space<vmem>>
    %dma_start3A_17 = tpu.memref_slice %arg2[%add3A_11] : memref<638976xf32, #tpu.memory_space<hbm>> -> memref<512xf32, #tpu.memory_space<hbm>>
    tpu.enqueue_dma source(%dma_start3A_17 : memref<512xf32, #tpu.memory_space<hbm>>) target(%dma_start3A_16 : memref<512xf32, #tpu.memory_space<vmem>>) target_semaphore(%arg9 : memref<!tpu.dma_semaphore, #tpu.memory_space<semaphore_mem>>)
    %add3A_18 = arith.constant 32768 : i32
    %add3A_19 = arith.addi %add3A_18, %mul3A_2 : i32
    %dma_start3A_20 = arith.constant 1024 : i32
    %dma_start3A_21 = tpu.memref_slice %arg5[%dma_start3A_20] : memref<19968xf32, #tpu.memory_space<vmem>> -> memref<512xf32, #tpu.memory_space<vmem>>
    %dma_start3A_22 = tpu.memref_slice %arg2[%add3A_19] : memref<638976xf32, #tpu.memory_space<hbm>> -> memref<512xf32, #tpu.memory_space<hbm>>
    %dma_start3A_23 = arith.constant 1024 : i32
    %dma_start3A_24 = tpu.memref_slice %arg5[%dma_start3A_23] : memref<19968xf32, #tpu.memory_space<vmem>> -> memref<512xf32, #tpu.memory_space<vmem>>
    %dma_start3A_25 = tpu.memref_slice %arg2[%add3A_19] : memref<638976xf32, #tpu.memory_space<hbm>> -> memref<512xf32, #tpu.memory_space<hbm>>
    tpu.enqueue_dma source(%dma_start3A_25 : memref<512xf32, #tpu.memory_space<hbm>>) target(%dma_start3A_24 : memref<512xf32, #tpu.memory_space<vmem>>) target_semaphore(%arg9 : memref<!tpu.dma_semaphore, #tpu.memory_space<semaphore_mem>>)
    %add3A_26 = arith.constant 49152 : i32
    %add3A_27 = arith.addi %add3A_26, %mul3A_2 : i32
    %dma_start3A_28 = arith.constant 1536 : i32
    %dma_start3A_29 = tpu.memref_slice %arg5[%dma_start3A_28] : memref<19968xf32, #tpu.memory_space<vmem>> -> memref<512xf32, #tpu.memory_space<vmem>>
    %dma_start3A_30 = tpu.memref_slice %arg2[%add3A_27] : memref<638976xf32, #tpu.memory_space<hbm>> -> memref<512xf32, #tpu.memory_space<hbm>>
    %dma_start3A_31 = arith.constant 1536 : i32
    %dma_start3A_32 = tpu.memref_slice %arg5[%dma_start3A_31] : memref<19968xf32, #tpu.memory_space<vmem>> -> memref<512xf32, #tpu.memory_space<vmem>>
    %dma_start3A_33 = tpu.memref_slice %arg2[%add3A_27] : memref<638976xf32, #tpu.memory_space<hbm>> -> memref<512xf32, #tpu.memory_space<hbm>>
    tpu.enqueue_dma source(%dma_start3A_33 : memref<512xf32, #tpu.memory_space<hbm>>) target(%dma_start3A_32 : memref<512xf32, #tpu.memory_space<vmem>>) target_semaphore(%arg9 : memref<!tpu.dma_semaphore, #tpu.memory_space<semaphore_mem>>)
    %add3A_34 = arith.constant 65536 : i32
    %add3A_35 = arith.addi %add3A_34, %mul3A_2 : i32
    %dma_start3A_36 = arith.constant 2048 : i32
    %dma_start3A_37 = tpu.memref_slice %arg5[%dma_start3A_36] : memref<19968xf32, #tpu.memory_space<vmem>> -> memref<512xf32, #tpu.memory_space<vmem>>
    %dma_start3A_38 = tpu.memref_slice %arg2[%add3A_35] : memref<638976xf32, #tpu.memory_space<hbm>> -> memref<512xf32, #tpu.memory_space<hbm>>
    %dma_start3A_39 = arith.constant 2048 : i32
    %dma_start3A_40 = tpu.memref_slice %arg5[%dma_start3A_39] : memref<19968xf32, #tpu.memory_space<vmem>> -> memref<512xf32, #tpu.memory_space<vmem>>
    %dma_start3A_41 = tpu.memref_slice %arg2[%add3A_35] : memref<638976xf32, #tpu.memory_space<hbm>> -> memref<512xf32, #tpu.memory_space<hbm>>
    tpu.enqueue_dma source(%dma_start3A_41 : memref<512xf32, #tpu.memory_space<hbm>>) target(%dma_start3A_40 : memref<512xf32, #tpu.memory_space<vmem>>) target_semaphore(%arg9 : memref<!tpu.dma_semaphore, #tpu.memory_space<semaphore_mem>>)
    %add3A_42 = arith.constant 81920 : i32
    %add3A_43 = arith.addi %add3A_42, %mul3A_2 : i32
    %dma_start3A_44 = arith.constant 2560 : i32
    %dma_start3A_45 = tpu.memref_slice %arg5[%dma_start3A_44] : memref<19968xf32, #tpu.memory_space<vmem>> -> memref<512xf32, #tpu.memory_space<vmem>>
    %dma_start3A_46 = tpu.memref_slice %arg2[%add3A_43] : memref<638976xf32, #tpu.memory_space<hbm>> -> memref<512xf32, #tpu.memory_space<hbm>>
    %dma_start3A_47 = arith.constant 2560 : i32
    %dma_start3A_48 = tpu.memref_slice %arg5[%dma_start3A_47] : memref<19968xf32, #tpu.memory_space<vmem>> -> memref<512xf32, #tpu.memory_space<vmem>>
    %dma_start3A_49 = tpu.memref_slice %arg2[%add3A_43] : memref<638976xf32, #tpu.memory_space<hbm>> -> memref<512xf32, #tpu.memory_space<hbm>>
    tpu.enqueue_dma source(%dma_start3A_49 : memref<512xf32, #tpu.memory_space<hbm>>) target(%dma_start3A_48 : memref<512xf32, #tpu.memory_space<vmem>>) target_semaphore(%arg9 : memref<!tpu.dma_semaphore, #tpu.memory_space<semaphore_mem>>)
    %add3A_50 = arith.constant 98304 : i32
    %add3A_51 = arith.addi %add3A_50, %mul3A_2 : i32
    %dma_start3A_52 = arith.constant 3072 : i32
    %dma_start3A_53 = tpu.memref_slice %arg5[%dma_start3A_52] : memref<19968xf32, #tpu.memory_space<vmem>> -> memref<512xf32, #tpu.memory_space<vmem>>
    %dma_start3A_54 = tpu.memref_slice %arg2[%add3A_51] : memref<638976xf32, #tpu.memory_space<hbm>> -> memref<512xf32, #tpu.memory_space<hbm>>
    %dma_start3A_55 = arith.constant 3072 : i32
    %dma_start3A_56 = tpu.memref_slice %arg5[%dma_start3A_55] : memref<19968xf32, #tpu.memory_space<vmem>> -> memref<512xf32, #tpu.memory_space<vmem>>
    %dma_start3A_57 = tpu.memref_slice %arg2[%add3A_51] : memref<638976xf32, #tpu.memory_space<hbm>> -> memref<512xf32, #tpu.memory_space<hbm>>
    tpu.enqueue_dma source(%dma_start3A_57 : memref<512xf32, #tpu.memory_space<hbm>>) target(%dma_start3A_56 : memref<512xf32, #tpu.memory_space<vmem>>) target_semaphore(%arg9 : memref<!tpu.dma_semaphore, #tpu.memory_space<semaphore_mem>>)
    %add3A_58 = arith.constant 114688 : i32
    %add3A_59 = arith.addi %add3A_58, %mul3A_2 : i32
    %dma_start3A_60 = arith.constant 3584 : i32
    %dma_start3A_61 = tpu.memref_slice %arg5[%dma_start3A_60] : memref<19968xf32, #tpu.memory_space<vmem>> -> memref<512xf32, #tpu.memory_space<vmem>>
    %dma_start3A_62 = tpu.memref_slice %arg2[%add3A_59] : memref<638976xf32, #tpu.memory_space<hbm>> -> memref<512xf32, #tpu.memory_space<hbm>>
    %dma_start3A_63 = arith.constant 3584 : i32
    %dma_start3A_64 = tpu.memref_slice %arg5[%dma_start3A_63] : memref<19968xf32, #tpu.memory_space<vmem>> -> memref<512xf32, #tpu.memory_space<vmem>>
    %dma_start3A_65 = tpu.memref_slice %arg2[%add3A_59] : memref<638976xf32, #tpu.memory_space<hbm>> -> memref<512xf32, #tpu.memory_space<hbm>>
    tpu.enqueue_dma source(%dma_start3A_65 : memref<512xf32, #tpu.memory_space<hbm>>) target(%dma_start3A_64 : memref<512xf32, #tpu.memory_space<vmem>>) target_semaphore(%arg9 : memref<!tpu.dma_semaphore, #tpu.memory_space<semaphore_mem>>)
    %add3A_66 = arith.constant 131072 : i32
    %add3A_67 = arith.addi %add3A_66, %mul3A_2 : i32
    %dma_start3A_68 = arith.constant 4096 : i32
    %dma_start3A_69 = tpu.memref_slice %arg5[%dma_start3A_68] : memref<19968xf32, #tpu.memory_space<vmem>> -> memref<512xf32, #tpu.memory_space<vmem>>
    %dma_start3A_70 = tpu.memref_slice %arg2[%add3A_67] : memref<638976xf32, #tpu.memory_space<hbm>> -> memref<512xf32, #tpu.memory_space<hbm>>
    %dma_start3A_71 = arith.constant 4096 : i32
    %dma_start3A_72 = tpu.memref_slice %arg5[%dma_start3A_71] : memref<19968xf32, #tpu.memory_space<vmem>> -> memref<512xf32, #tpu.memory_space<vmem>>
    %dma_start3A_73 = tpu.memref_slice %arg2[%add3A_67] : memref<638976xf32, #tpu.memory_space<hbm>> -> memref<512xf32, #tpu.memory_space<hbm>>
    tpu.enqueue_dma source(%dma_start3A_73 : memref<512xf32, #tpu.memory_space<hbm>>) target(%dma_start3A_72 : memref<512xf32, #tpu.memory_space<vmem>>) target_semaphore(%arg9 : memref<!tpu.dma_semaphore, #tpu.memory_space<semaphore_mem>>)
    %add3A_74 = arith.constant 147456 : i32
    %add3A_75 = arith.addi %add3A_74, %mul3A_2 : i32
    %dma_start3A_76 = arith.constant 4608 : i32
    %dma_start3A_77 = tpu.memref_slice %arg5[%dma_start3A_76] : memref<19968xf32, #tpu.memory_space<vmem>> -> memref<512xf32, #tpu.memory_space<vmem>>
    %dma_start3A_78 = tpu.memref_slice %arg2[%add3A_75] : memref<638976xf32, #tpu.memory_space<hbm>> -> memref<512xf32, #tpu.memory_space<hbm>>
    %dma_start3A_79 = arith.constant 4608 : i32
    %dma_start3A_80 = tpu.memref_slice %arg5[%dma_start3A_79] : memref<19968xf32, #tpu.memory_space<vmem>> -> memref<512xf32, #tpu.memory_space<vmem>>
    %dma_start3A_81 = tpu.memref_slice %arg2[%add3A_75] : memref<638976xf32, #tpu.memory_space<hbm>> -> memref<512xf32, #tpu.memory_space<hbm>>
    tpu.enqueue_dma source(%dma_start3A_81 : memref<512xf32, #tpu.memory_space<hbm>>) target(%dma_start3A_80 : memref<512xf32, #tpu.memory_space<vmem>>) target_semaphore(%arg9 : memref<!tpu.dma_semaphore, #tpu.memory_space<semaphore_mem>>)
    %add3A_82 = arith.constant 163840 : i32
    %add3A_83 = arith.addi %add3A_82, %mul3A_2 : i32
    %dma_start3A_84 = arith.constant 5120 : i32
    %dma_start3A_85 = tpu.memref_slice %arg5[%dma_start3A_84] : memref<19968xf32, #tpu.memory_space<vmem>> -> memref<512xf32, #tpu.memory_space<vmem>>
    %dma_start3A_86 = tpu.memref_slice %arg2[%add3A_83] : memref<638976xf32, #tpu.memory_space<hbm>> -> memref<512xf32, #tpu.memory_space<hbm>>
    %dma_start3A_87 = arith.constant 5120 : i32
    %dma_start3A_88 = tpu.memref_slice %arg5[%dma_start3A_87] : memref<19968xf32, #tpu.memory_space<vmem>> -> memref<512xf32, #tpu.memory_space<vmem>>
    %dma_start3A_89 = tpu.memref_slice %arg2[%add3A_83] : memref<638976xf32, #tpu.memory_space<hbm>> -> memref<512xf32, #tpu.memory_space<hbm>>
    tpu.enqueue_dma source(%dma_start3A_89 : memref<512xf32, #tpu.memory_space<hbm>>) target(%dma_start3A_88 : memref<512xf32, #tpu.memory_space<vmem>>) target_semaphore(%arg9 : memref<!tpu.dma_semaphore, #tpu.memory_space<semaphore_mem>>)
    %add3A_90 = arith.constant 180224 : i32
    %add3A_91 = arith.addi %add3A_90, %mul3A_2 : i32
    %dma_start3A_92 = arith.constant 5632 : i32
    %dma_start3A_93 = tpu.memref_slice %arg5[%dma_start3A_92] : memref<19968xf32, #tpu.memory_space<vmem>> -> memref<512xf32, #tpu.memory_space<vmem>>
    %dma_start3A_94 = tpu.memref_slice %arg2[%add3A_91] : memref<638976xf32, #tpu.memory_space<hbm>> -> memref<512xf32, #tpu.memory_space<hbm>>
    %dma_start3A_95 = arith.constant 5632 : i32
    %dma_start3A_96 = tpu.memref_slice %arg5[%dma_start3A_95] : memref<19968xf32, #tpu.memory_space<vmem>> -> memref<512xf32, #tpu.memory_space<vmem>>
    %dma_start3A_97 = tpu.memref_slice %arg2[%add3A_91] : memref<638976xf32, #tpu.memory_space<hbm>> -> memref<512xf32, #tpu.memory_space<hbm>>
    tpu.enqueue_dma source(%dma_start3A_97 : memref<512xf32, #tpu.memory_space<hbm>>) target(%dma_start3A_96 : memref<512xf32, #tpu.memory_space<vmem>>) target_semaphore(%arg9 : memref<!tpu.dma_semaphore, #tpu.memory_space<semaphore_mem>>)
    %add3A_98 = arith.constant 196608 : i32
    %add3A_99 = arith.addi %add3A_98, %mul3A_2 : i32
    %dma_start3A_100 = arith.constant 6144 : i32
    %dma_start3A_101 = tpu.memref_slice %arg5[%dma_start3A_100] : memref<19968xf32, #tpu.memory_space<vmem>> -> memref<512xf32, #tpu.memory_space<vmem>>
    %dma_start3A_102 = tpu.memref_slice %arg2[%add3A_99] : memref<638976xf32, #tpu.memory_space<hbm>> -> memref<512xf32, #tpu.memory_space<hbm>>
    %dma_start3A_103 = arith.constant 6144 : i32
    %dma_start3A_104 = tpu.memref_slice %arg5[%dma_start3A_103] : memref<19968xf32, #tpu.memory_space<vmem>> -> memref<512xf32, #tpu.memory_space<vmem>>
    %dma_start3A_105 = tpu.memref_slice %arg2[%add3A_99] : memref<638976xf32, #tpu.memory_space<hbm>> -> memref<512xf32, #tpu.memory_space<hbm>>
    tpu.enqueue_dma source(%dma_start3A_105 : memref<512xf32, #tpu.memory_space<hbm>>) target(%dma_start3A_104 : memref<512xf32, #tpu.memory_space<vmem>>) target_semaphore(%arg9 : memref<!tpu.dma_semaphore, #tpu.memory_space<semaphore_mem>>)
    %add3A_106 = arith.constant 212992 : i32
    %add3A_107 = arith.addi %add3A_106, %mul3A_2 : i32
    %dma_start3A_108 = arith.constant 6656 : i32
    %dma_start3A_109 = tpu.memref_slice %arg5[%dma_start3A_108] : memref<19968xf32, #tpu.memory_space<vmem>> -> memref<512xf32, #tpu.memory_space<vmem>>
    %dma_start3A_110 = tpu.memref_slice %arg2[%add3A_107] : memref<638976xf32, #tpu.memory_space<hbm>> -> memref<512xf32, #tpu.memory_space<hbm>>
    %dma_start3A_111 = arith.constant 6656 : i32
    %dma_start3A_112 = tpu.memref_slice %arg5[%dma_start3A_111] : memref<19968xf32, #tpu.memory_space<vmem>> -> memref<512xf32, #tpu.memory_space<vmem>>
    %dma_start3A_113 = tpu.memref_slice %arg2[%add3A_107] : memref<638976xf32, #tpu.memory_space<hbm>> -> memref<512xf32, #tpu.memory_space<hbm>>
    tpu.enqueue_dma source(%dma_start3A_113 : memref<512xf32, #tpu.memory_space<hbm>>) target(%dma_start3A_112 : memref<512xf32, #tpu.memory_space<vmem>>) target_semaphore(%arg9 : memref<!tpu.dma_semaphore, #tpu.memory_space<semaphore_mem>>)
    %add3A_114 = arith.constant 229376 : i32
    %add3A_115 = arith.addi %add3A_114, %mul3A_2 : i32
    %dma_start3A_116 = arith.constant 7168 : i32
    %dma_start3A_117 = tpu.memref_slice %arg5[%dma_start3A_116] : memref<19968xf32, #tpu.memory_space<vmem>> -> memref<512xf32, #tpu.memory_space<vmem>>
    %dma_start3A_118 = tpu.memref_slice %arg2[%add3A_115] : memref<638976xf32, #tpu.memory_space<hbm>> -> memref<512xf32, #tpu.memory_space<hbm>>
    %dma_start3A_119 = arith.constant 7168 : i32
    %dma_start3A_120 = tpu.memref_slice %arg5[%dma_start3A_119] : memref<19968xf32, #tpu.memory_space<vmem>> -> memref<512xf32, #tpu.memory_space<vmem>>
    %dma_start3A_121 = tpu.memref_slice %arg2[%add3A_115] : memref<638976xf32, #tpu.memory_space<hbm>> -> memref<512xf32, #tpu.memory_space<hbm>>
    tpu.enqueue_dma source(%dma_start3A_121 : memref<512xf32, #tpu.memory_space<hbm>>) target(%dma_start3A_120 : memref<512xf32, #tpu.memory_space<vmem>>) target_semaphore(%arg9 : memref<!tpu.dma_semaphore, #tpu.memory_space<semaphore_mem>>)
    %add3A_122 = arith.constant 245760 : i32
    %add3A_123 = arith.addi %add3A_122, %mul3A_2 : i32
    %dma_start3A_124 = arith.constant 7680 : i32
    %dma_start3A_125 = tpu.memref_slice %arg5[%dma_start3A_124] : memref<19968xf32, #tpu.memory_space<vmem>> -> memref<512xf32, #tpu.memory_space<vmem>>
    %dma_start3A_126 = tpu.memref_slice %arg2[%add3A_123] : memref<638976xf32, #tpu.memory_space<hbm>> -> memref<512xf32, #tpu.memory_space<hbm>>
    %dma_start3A_127 = arith.constant 7680 : i32
    %dma_start3A_128 = tpu.memref_slice %arg5[%dma_start3A_127] : memref<19968xf32, #tpu.memory_space<vmem>> -> memref<512xf32, #tpu.memory_space<vmem>>
    %dma_start3A_129 = tpu.memref_slice %arg2[%add3A_123] : memref<638976xf32, #tpu.memory_space<hbm>> -> memref<512xf32, #tpu.memory_space<hbm>>
    tpu.enqueue_dma source(%dma_start3A_129 : memref<512xf32, #tpu.memory_space<hbm>>) target(%dma_start3A_128 : memref<512xf32, #tpu.memory_space<vmem>>) target_semaphore(%arg9 : memref<!tpu.dma_semaphore, #tpu.memory_space<semaphore_mem>>)
    %add3A_130 = arith.constant 262144 : i32
    %add3A_131 = arith.addi %add3A_130, %mul3A_2 : i32
    %dma_start3A_132 = arith.constant 8192 : i32
    %dma_start3A_133 = tpu.memref_slice %arg5[%dma_start3A_132] : memref<19968xf32, #tpu.memory_space<vmem>> -> memref<512xf32, #tpu.memory_space<vmem>>
    %dma_start3A_134 = tpu.memref_slice %arg2[%add3A_131] : memref<638976xf32, #tpu.memory_space<hbm>> -> memref<512xf32, #tpu.memory_space<hbm>>
    %dma_start3A_135 = arith.constant 8192 : i32
    %dma_start3A_136 = tpu.memref_slice %arg5[%dma_start3A_135] : memref<19968xf32, #tpu.memory_space<vmem>> -> memref<512xf32, #tpu.memory_space<vmem>>
    %dma_start3A_137 = tpu.memref_slice %arg2[%add3A_131] : memref<638976xf32, #tpu.memory_space<hbm>> -> memref<512xf32, #tpu.memory_space<hbm>>
    tpu.enqueue_dma source(%dma_start3A_137 : memref<512xf32, #tpu.memory_space<hbm>>) target(%dma_start3A_136 : memref<512xf32, #tpu.memory_space<vmem>>) target_semaphore(%arg9 : memref<!tpu.dma_semaphore, #tpu.memory_space<semaphore_mem>>)
    %add3A_138 = arith.constant 278528 : i32
    %add3A_139 = arith.addi %add3A_138, %mul3A_2 : i32
    %dma_start3A_140 = arith.constant 8704 : i32
    %dma_start3A_141 = tpu.memref_slice %arg5[%dma_start3A_140] : memref<19968xf32, #tpu.memory_space<vmem>> -> memref<512xf32, #tpu.memory_space<vmem>>
    %dma_start3A_142 = tpu.memref_slice %arg2[%add3A_139] : memref<638976xf32, #tpu.memory_space<hbm>> -> memref<512xf32, #tpu.memory_space<hbm>>
    %dma_start3A_143 = arith.constant 8704 : i32
    %dma_start3A_144 = tpu.memref_slice %arg5[%dma_start3A_143] : memref<19968xf32, #tpu.memory_space<vmem>> -> memref<512xf32, #tpu.memory_space<vmem>>
    %dma_start3A_145 = tpu.memref_slice %arg2[%add3A_139] : memref<638976xf32, #tpu.memory_space<hbm>> -> memref<512xf32, #tpu.memory_space<hbm>>
    tpu.enqueue_dma source(%dma_start3A_145 : memref<512xf32, #tpu.memory_space<hbm>>) target(%dma_start3A_144 : memref<512xf32, #tpu.memory_space<vmem>>) target_semaphore(%arg9 : memref<!tpu.dma_semaphore, #tpu.memory_space<semaphore_mem>>)
    %add3A_146 = arith.constant 294912 : i32
    %add3A_147 = arith.addi %add3A_146, %mul3A_2 : i32
    %dma_start3A_148 = arith.constant 9216 : i32
    %dma_start3A_149 = tpu.memref_slice %arg5[%dma_start3A_148] : memref<19968xf32, #tpu.memory_space<vmem>> -> memref<512xf32, #tpu.memory_space<vmem>>
    %dma_start3A_150 = tpu.memref_slice %arg2[%add3A_147] : memref<638976xf32, #tpu.memory_space<hbm>> -> memref<512xf32, #tpu.memory_space<hbm>>
    %dma_start3A_151 = arith.constant 9216 : i32
    %dma_start3A_152 = tpu.memref_slice %arg5[%dma_start3A_151] : memref<19968xf32, #tpu.memory_space<vmem>> -> memref<512xf32, #tpu.memory_space<vmem>>
    %dma_start3A_153 = tpu.memref_slice %arg2[%add3A_147] : memref<638976xf32, #tpu.memory_space<hbm>> -> memref<512xf32, #tpu.memory_space<hbm>>
    tpu.enqueue_dma source(%dma_start3A_153 : memref<512xf32, #tpu.memory_space<hbm>>) target(%dma_start3A_152 : memref<512xf32, #tpu.memory_space<vmem>>) target_semaphore(%arg9 : memref<!tpu.dma_semaphore, #tpu.memory_space<semaphore_mem>>)
    %add3A_154 = arith.constant 311296 : i32
    %add3A_155 = arith.addi %add3A_154, %mul3A_2 : i32
    %dma_start3A_156 = arith.constant 9728 : i32
    %dma_start3A_157 = tpu.memref_slice %arg5[%dma_start3A_156] : memref<19968xf32, #tpu.memory_space<vmem>> -> memref<512xf32, #tpu.memory_space<vmem>>
    %dma_start3A_158 = tpu.memref_slice %arg2[%add3A_155] : memref<638976xf32, #tpu.memory_space<hbm>> -> memref<512xf32, #tpu.memory_space<hbm>>
    %dma_start3A_159 = arith.constant 9728 : i32
    %dma_start3A_160 = tpu.memref_slice %arg5[%dma_start3A_159] : memref<19968xf32, #tpu.memory_space<vmem>> -> memref<512xf32, #tpu.memory_space<vmem>>
    %dma_start3A_161 = tpu.memref_slice %arg2[%add3A_155] : memref<638976xf32, #tpu.memory_space<hbm>> -> memref<512xf32, #tpu.memory_space<hbm>>
    tpu.enqueue_dma source(%dma_start3A_161 : memref<512xf32, #tpu.memory_space<hbm>>) target(%dma_start3A_160 : memref<512xf32, #tpu.memory_space<vmem>>) target_semaphore(%arg9 : memref<!tpu.dma_semaphore, #tpu.memory_space<semaphore_mem>>)
    %add3A_162 = arith.constant 327680 : i32
    %add3A_163 = arith.addi %add3A_162, %mul3A_2 : i32
    %dma_start3A_164 = arith.constant 10240 : i32
    %dma_start3A_165 = tpu.memref_slice %arg5[%dma_start3A_164] : memref<19968xf32, #tpu.memory_space<vmem>> -> memref<512xf32, #tpu.memory_space<vmem>>
    %dma_start3A_166 = tpu.memref_slice %arg2[%add3A_163] : memref<638976xf32, #tpu.memory_space<hbm>> -> memref<512xf32, #tpu.memory_space<hbm>>
    %dma_start3A_167 = arith.constant 10240 : i32
    %dma_start3A_168 = tpu.memref_slice %arg5[%dma_start3A_167] : memref<19968xf32, #tpu.memory_space<vmem>> -> memref<512xf32, #tpu.memory_space<vmem>>
    %dma_start3A_169 = tpu.memref_slice %arg2[%add3A_163] : memref<638976xf32, #tpu.memory_space<hbm>> -> memref<512xf32, #tpu.memory_space<hbm>>
    tpu.enqueue_dma source(%dma_start3A_169 : memref<512xf32, #tpu.memory_space<hbm>>) target(%dma_start3A_168 : memref<512xf32, #tpu.memory_space<vmem>>) target_semaphore(%arg9 : memref<!tpu.dma_semaphore, #tpu.memory_space<semaphore_mem>>)
    %add3A_170 = arith.constant 344064 : i32
    %add3A_171 = arith.addi %add3A_170, %mul3A_2 : i32
    %dma_start3A_172 = arith.constant 10752 : i32
    %dma_start3A_173 = tpu.memref_slice %arg5[%dma_start3A_172] : memref<19968xf32, #tpu.memory_space<vmem>> -> memref<512xf32, #tpu.memory_space<vmem>>
    %dma_start3A_174 = tpu.memref_slice %arg2[%add3A_171] : memref<638976xf32, #tpu.memory_space<hbm>> -> memref<512xf32, #tpu.memory_space<hbm>>
    %dma_start3A_175 = arith.constant 10752 : i32
    %dma_start3A_176 = tpu.memref_slice %arg5[%dma_start3A_175] : memref<19968xf32, #tpu.memory_space<vmem>> -> memref<512xf32, #tpu.memory_space<vmem>>
    %dma_start3A_177 = tpu.memref_slice %arg2[%add3A_171] : memref<638976xf32, #tpu.memory_space<hbm>> -> memref<512xf32, #tpu.memory_space<hbm>>
    tpu.enqueue_dma source(%dma_start3A_177 : memref<512xf32, #tpu.memory_space<hbm>>) target(%dma_start3A_176 : memref<512xf32, #tpu.memory_space<vmem>>) target_semaphore(%arg9 : memref<!tpu.dma_semaphore, #tpu.memory_space<semaphore_mem>>)
    %add3A_178 = arith.constant 360448 : i32
    %add3A_179 = arith.addi %add3A_178, %mul3A_2 : i32
    %dma_start3A_180 = arith.constant 11264 : i32
    %dma_start3A_181 = tpu.memref_slice %arg5[%dma_start3A_180] : memref<19968xf32, #tpu.memory_space<vmem>> -> memref<512xf32, #tpu.memory_space<vmem>>
    %dma_start3A_182 = tpu.memref_slice %arg2[%add3A_179] : memref<638976xf32, #tpu.memory_space<hbm>> -> memref<512xf32, #tpu.memory_space<hbm>>
    %dma_start3A_183 = arith.constant 11264 : i32
    %dma_start3A_184 = tpu.memref_slice %arg5[%dma_start3A_183] : memref<19968xf32, #tpu.memory_space<vmem>> -> memref<512xf32, #tpu.memory_space<vmem>>
    %dma_start3A_185 = tpu.memref_slice %arg2[%add3A_179] : memref<638976xf32, #tpu.memory_space<hbm>> -> memref<512xf32, #tpu.memory_space<hbm>>
    tpu.enqueue_dma source(%dma_start3A_185 : memref<512xf32, #tpu.memory_space<hbm>>) target(%dma_start3A_184 : memref<512xf32, #tpu.memory_space<vmem>>) target_semaphore(%arg9 : memref<!tpu.dma_semaphore, #tpu.memory_space<semaphore_mem>>)
    %add3A_186 = arith.constant 376832 : i32
    %add3A_187 = arith.addi %add3A_186, %mul3A_2 : i32
    %dma_start3A_188 = arith.constant 11776 : i32
    %dma_start3A_189 = tpu.memref_slice %arg5[%dma_start3A_188] : memref<19968xf32, #tpu.memory_space<vmem>> -> memref<512xf32, #tpu.memory_space<vmem>>
    %dma_start3A_190 = tpu.memref_slice %arg2[%add3A_187] : memref<638976xf32, #tpu.memory_space<hbm>> -> memref<512xf32, #tpu.memory_space<hbm>>
    %dma_start3A_191 = arith.constant 11776 : i32
    %dma_start3A_192 = tpu.memref_slice %arg5[%dma_start3A_191] : memref<19968xf32, #tpu.memory_space<vmem>> -> memref<512xf32, #tpu.memory_space<vmem>>
    %dma_start3A_193 = tpu.memref_slice %arg2[%add3A_187] : memref<638976xf32, #tpu.memory_space<hbm>> -> memref<512xf32, #tpu.memory_space<hbm>>
    tpu.enqueue_dma source(%dma_start3A_193 : memref<512xf32, #tpu.memory_space<hbm>>) target(%dma_start3A_192 : memref<512xf32, #tpu.memory_space<vmem>>) target_semaphore(%arg9 : memref<!tpu.dma_semaphore, #tpu.memory_space<semaphore_mem>>)
    %add3A_194 = arith.constant 393216 : i32
    %add3A_195 = arith.addi %add3A_194, %mul3A_2 : i32
    %dma_start3A_196 = arith.constant 12288 : i32
    %dma_start3A_197 = tpu.memref_slice %arg5[%dma_start3A_196] : memref<19968xf32, #tpu.memory_space<vmem>> -> memref<512xf32, #tpu.memory_space<vmem>>
    %dma_start3A_198 = tpu.memref_slice %arg2[%add3A_195] : memref<638976xf32, #tpu.memory_space<hbm>> -> memref<512xf32, #tpu.memory_space<hbm>>
    %dma_start3A_199 = arith.constant 12288 : i32
    %dma_start3A_200 = tpu.memref_slice %arg5[%dma_start3A_199] : memref<19968xf32, #tpu.memory_space<vmem>> -> memref<512xf32, #tpu.memory_space<vmem>>
    %dma_start3A_201 = tpu.memref_slice %arg2[%add3A_195] : memref<638976xf32, #tpu.memory_space<hbm>> -> memref<512xf32, #tpu.memory_space<hbm>>
    tpu.enqueue_dma source(%dma_start3A_201 : memref<512xf32, #tpu.memory_space<hbm>>) target(%dma_start3A_200 : memref<512xf32, #tpu.memory_space<vmem>>) target_semaphore(%arg9 : memref<!tpu.dma_semaphore, #tpu.memory_space<semaphore_mem>>)
    %add3A_202 = arith.constant 409600 : i32
    %add3A_203 = arith.addi %add3A_202, %mul3A_2 : i32
    %dma_start3A_204 = arith.constant 12800 : i32
    %dma_start3A_205 = tpu.memref_slice %arg5[%dma_start3A_204] : memref<19968xf32, #tpu.memory_space<vmem>> -> memref<512xf32, #tpu.memory_space<vmem>>
    %dma_start3A_206 = tpu.memref_slice %arg2[%add3A_203] : memref<638976xf32, #tpu.memory_space<hbm>> -> memref<512xf32, #tpu.memory_space<hbm>>
    %dma_start3A_207 = arith.constant 12800 : i32
    %dma_start3A_208 = tpu.memref_slice %arg5[%dma_start3A_207] : memref<19968xf32, #tpu.memory_space<vmem>> -> memref<512xf32, #tpu.memory_space<vmem>>
    %dma_start3A_209 = tpu.memref_slice %arg2[%add3A_203] : memref<638976xf32, #tpu.memory_space<hbm>> -> memref<512xf32, #tpu.memory_space<hbm>>
    tpu.enqueue_dma source(%dma_start3A_209 : memref<512xf32, #tpu.memory_space<hbm>>) target(%dma_start3A_208 : memref<512xf32, #tpu.memory_space<vmem>>) target_semaphore(%arg9 : memref<!tpu.dma_semaphore, #tpu.memory_space<semaphore_mem>>)
    %add3A_210 = arith.constant 425984 : i32
    %add3A_211 = arith.addi %add3A_210, %mul3A_2 : i32
    %dma_start3A_212 = arith.constant 13312 : i32
    %dma_start3A_213 = tpu.memref_slice %arg5[%dma_start3A_212] : memref<19968xf32, #tpu.memory_space<vmem>> -> memref<512xf32, #tpu.memory_space<vmem>>
    %dma_start3A_214 = tpu.memref_slice %arg2[%add3A_211] : memref<638976xf32, #tpu.memory_space<hbm>> -> memref<512xf32, #tpu.memory_space<hbm>>
    %dma_start3A_215 = arith.constant 13312 : i32
    %dma_start3A_216 = tpu.memref_slice %arg5[%dma_start3A_215] : memref<19968xf32, #tpu.memory_space<vmem>> -> memref<512xf32, #tpu.memory_space<vmem>>
    %dma_start3A_217 = tpu.memref_slice %arg2[%add3A_211] : memref<638976xf32, #tpu.memory_space<hbm>> -> memref<512xf32, #tpu.memory_space<hbm>>
    tpu.enqueue_dma source(%dma_start3A_217 : memref<512xf32, #tpu.memory_space<hbm>>) target(%dma_start3A_216 : memref<512xf32, #tpu.memory_space<vmem>>) target_semaphore(%arg9 : memref<!tpu.dma_semaphore, #tpu.memory_space<semaphore_mem>>)
    %add3A_218 = arith.constant 442368 : i32
    %add3A_219 = arith.addi %add3A_218, %mul3A_2 : i32
    %dma_start3A_220 = arith.constant 13824 : i32
    %dma_start3A_221 = tpu.memref_slice %arg5[%dma_start3A_220] : memref<19968xf32, #tpu.memory_space<vmem>> -> memref<512xf32, #tpu.memory_space<vmem>>
    %dma_start3A_222 = tpu.memref_slice %arg2[%add3A_219] : memref<638976xf32, #tpu.memory_space<hbm>> -> memref<512xf32, #tpu.memory_space<hbm>>
    %dma_start3A_223 = arith.constant 13824 : i32
    %dma_start3A_224 = tpu.memref_slice %arg5[%dma_start3A_223] : memref<19968xf32, #tpu.memory_space<vmem>> -> memref<512xf32, #tpu.memory_space<vmem>>
    %dma_start3A_225 = tpu.memref_slice %arg2[%add3A_219] : memref<638976xf32, #tpu.memory_space<hbm>> -> memref<512xf32, #tpu.memory_space<hbm>>
    tpu.enqueue_dma source(%dma_start3A_225 : memref<512xf32, #tpu.memory_space<hbm>>) target(%dma_start3A_224 : memref<512xf32, #tpu.memory_space<vmem>>) target_semaphore(%arg9 : memref<!tpu.dma_semaphore, #tpu.memory_space<semaphore_mem>>)
    %add3A_226 = arith.constant 458752 : i32
    %add3A_227 = arith.addi %add3A_226, %mul3A_2 : i32
    %dma_start3A_228 = arith.constant 14336 : i32
    %dma_start3A_229 = tpu.memref_slice %arg5[%dma_start3A_228] : memref<19968xf32, #tpu.memory_space<vmem>> -> memref<512xf32, #tpu.memory_space<vmem>>
    %dma_start3A_230 = tpu.memref_slice %arg2[%add3A_227] : memref<638976xf32, #tpu.memory_space<hbm>> -> memref<512xf32, #tpu.memory_space<hbm>>
    %dma_start3A_231 = arith.constant 14336 : i32
    %dma_start3A_232 = tpu.memref_slice %arg5[%dma_start3A_231] : memref<19968xf32, #tpu.memory_space<vmem>> -> memref<512xf32, #tpu.memory_space<vmem>>
    %dma_start3A_233 = tpu.memref_slice %arg2[%add3A_227] : memref<638976xf32, #tpu.memory_space<hbm>> -> memref<512xf32, #tpu.memory_space<hbm>>
    tpu.enqueue_dma source(%dma_start3A_233 : memref<512xf32, #tpu.memory_space<hbm>>) target(%dma_start3A_232 : memref<512xf32, #tpu.memory_space<vmem>>) target_semaphore(%arg9 : memref<!tpu.dma_semaphore, #tpu.memory_space<semaphore_mem>>)
    %add3A_234 = arith.constant 475136 : i32
    %add3A_235 = arith.addi %add3A_234, %mul3A_2 : i32
    %dma_start3A_236 = arith.constant 14848 : i32
    %dma_start3A_237 = tpu.memref_slice %arg5[%dma_start3A_236] : memref<19968xf32, #tpu.memory_space<vmem>> -> memref<512xf32, #tpu.memory_space<vmem>>
    %dma_start3A_238 = tpu.memref_slice %arg2[%add3A_235] : memref<638976xf32, #tpu.memory_space<hbm>> -> memref<512xf32, #tpu.memory_space<hbm>>
    %dma_start3A_239 = arith.constant 14848 : i32
    %dma_start3A_240 = tpu.memref_slice %arg5[%dma_start3A_239] : memref<19968xf32, #tpu.memory_space<vmem>> -> memref<512xf32, #tpu.memory_space<vmem>>
    %dma_start3A_241 = tpu.memref_slice %arg2[%add3A_235] : memref<638976xf32, #tpu.memory_space<hbm>> -> memref<512xf32, #tpu.memory_space<hbm>>
    tpu.enqueue_dma source(%dma_start3A_241 : memref<512xf32, #tpu.memory_space<hbm>>) target(%dma_start3A_240 : memref<512xf32, #tpu.memory_space<vmem>>) target_semaphore(%arg9 : memref<!tpu.dma_semaphore, #tpu.memory_space<semaphore_mem>>)
    %add3A_242 = arith.constant 491520 : i32
    %add3A_243 = arith.addi %add3A_242, %mul3A_2 : i32
    %dma_start3A_244 = arith.constant 15360 : i32
    %dma_start3A_245 = tpu.memref_slice %arg5[%dma_start3A_244] : memref<19968xf32, #tpu.memory_space<vmem>> -> memref<512xf32, #tpu.memory_space<vmem>>
    %dma_start3A_246 = tpu.memref_slice %arg2[%add3A_243] : memref<638976xf32, #tpu.memory_space<hbm>> -> memref<512xf32, #tpu.memory_space<hbm>>
    %dma_start3A_247 = arith.constant 15360 : i32
    %dma_start3A_248 = tpu.memref_slice %arg5[%dma_start3A_247] : memref<19968xf32, #tpu.memory_space<vmem>> -> memref<512xf32, #tpu.memory_space<vmem>>
    %dma_start3A_249 = tpu.memref_slice %arg2[%add3A_243] : memref<638976xf32, #tpu.memory_space<hbm>> -> memref<512xf32, #tpu.memory_space<hbm>>
    tpu.enqueue_dma source(%dma_start3A_249 : memref<512xf32, #tpu.memory_space<hbm>>) target(%dma_start3A_248 : memref<512xf32, #tpu.memory_space<vmem>>) target_semaphore(%arg9 : memref<!tpu.dma_semaphore, #tpu.memory_space<semaphore_mem>>)
    %add3A_250 = arith.constant 507904 : i32
    %add3A_251 = arith.addi %add3A_250, %mul3A_2 : i32
    %dma_start3A_252 = arith.constant 15872 : i32
    %dma_start3A_253 = tpu.memref_slice %arg5[%dma_start3A_252] : memref<19968xf32, #tpu.memory_space<vmem>> -> memref<512xf32, #tpu.memory_space<vmem>>
    %dma_start3A_254 = tpu.memref_slice %arg2[%add3A_251] : memref<638976xf32, #tpu.memory_space<hbm>> -> memref<512xf32, #tpu.memory_space<hbm>>
    %dma_start3A_255 = arith.constant 15872 : i32
    %dma_start3A_256 = tpu.memref_slice %arg5[%dma_start3A_255] : memref<19968xf32, #tpu.memory_space<vmem>> -> memref<512xf32, #tpu.memory_space<vmem>>
    %dma_start3A_257 = tpu.memref_slice %arg2[%add3A_251] : memref<638976xf32, #tpu.memory_space<hbm>> -> memref<512xf32, #tpu.memory_space<hbm>>
    tpu.enqueue_dma source(%dma_start3A_257 : memref<512xf32, #tpu.memory_space<hbm>>) target(%dma_start3A_256 : memref<512xf32, #tpu.memory_space<vmem>>) target_semaphore(%arg9 : memref<!tpu.dma_semaphore, #tpu.memory_space<semaphore_mem>>)
    %add3A_258 = arith.constant 524288 : i32
    %add3A_259 = arith.addi %add3A_258, %mul3A_2 : i32
    %dma_start3A_260 = arith.constant 16384 : i32
    %dma_start3A_261 = tpu.memref_slice %arg5[%dma_start3A_260] : memref<19968xf32, #tpu.memory_space<vmem>> -> memref<512xf32, #tpu.memory_space<vmem>>
    %dma_start3A_262 = tpu.memref_slice %arg2[%add3A_259] : memref<638976xf32, #tpu.memory_space<hbm>> -> memref<512xf32, #tpu.memory_space<hbm>>
    %dma_start3A_263 = arith.constant 16384 : i32
    %dma_start3A_264 = tpu.memref_slice %arg5[%dma_start3A_263] : memref<19968xf32, #tpu.memory_space<vmem>> -> memref<512xf32, #tpu.memory_space<vmem>>
    %dma_start3A_265 = tpu.memref_slice %arg2[%add3A_259] : memref<638976xf32, #tpu.memory_space<hbm>> -> memref<512xf32, #tpu.memory_space<hbm>>
    tpu.enqueue_dma source(%dma_start3A_265 : memref<512xf32, #tpu.memory_space<hbm>>) target(%dma_start3A_264 : memref<512xf32, #tpu.memory_space<vmem>>) target_semaphore(%arg9 : memref<!tpu.dma_semaphore, #tpu.memory_space<semaphore_mem>>)
    %add3A_266 = arith.constant 540672 : i32
    %add3A_267 = arith.addi %add3A_266, %mul3A_2 : i32
    %dma_start3A_268 = arith.constant 16896 : i32
    %dma_start3A_269 = tpu.memref_slice %arg5[%dma_start3A_268] : memref<19968xf32, #tpu.memory_space<vmem>> -> memref<512xf32, #tpu.memory_space<vmem>>
    %dma_start3A_270 = tpu.memref_slice %arg2[%add3A_267] : memref<638976xf32, #tpu.memory_space<hbm>> -> memref<512xf32, #tpu.memory_space<hbm>>
    %dma_start3A_271 = arith.constant 16896 : i32
    %dma_start3A_272 = tpu.memref_slice %arg5[%dma_start3A_271] : memref<19968xf32, #tpu.memory_space<vmem>> -> memref<512xf32, #tpu.memory_space<vmem>>
    %dma_start3A_273 = tpu.memref_slice %arg2[%add3A_267] : memref<638976xf32, #tpu.memory_space<hbm>> -> memref<512xf32, #tpu.memory_space<hbm>>
    tpu.enqueue_dma source(%dma_start3A_273 : memref<512xf32, #tpu.memory_space<hbm>>) target(%dma_start3A_272 : memref<512xf32, #tpu.memory_space<vmem>>) target_semaphore(%arg9 : memref<!tpu.dma_semaphore, #tpu.memory_space<semaphore_mem>>)
    %add3A_274 = arith.constant 557056 : i32
    %add3A_275 = arith.addi %add3A_274, %mul3A_2 : i32
    %dma_start3A_276 = arith.constant 17408 : i32
    %dma_start3A_277 = tpu.memref_slice %arg5[%dma_start3A_276] : memref<19968xf32, #tpu.memory_space<vmem>> -> memref<512xf32, #tpu.memory_space<vmem>>
    %dma_start3A_278 = tpu.memref_slice %arg2[%add3A_275] : memref<638976xf32, #tpu.memory_space<hbm>> -> memref<512xf32, #tpu.memory_space<hbm>>
    %dma_start3A_279 = arith.constant 17408 : i32
    %dma_start3A_280 = tpu.memref_slice %arg5[%dma_start3A_279] : memref<19968xf32, #tpu.memory_space<vmem>> -> memref<512xf32, #tpu.memory_space<vmem>>
    %dma_start3A_281 = tpu.memref_slice %arg2[%add3A_275] : memref<638976xf32, #tpu.memory_space<hbm>> -> memref<512xf32, #tpu.memory_space<hbm>>
    tpu.enqueue_dma source(%dma_start3A_281 : memref<512xf32, #tpu.memory_space<hbm>>) target(%dma_start3A_280 : memref<512xf32, #tpu.memory_space<vmem>>) target_semaphore(%arg9 : memref<!tpu.dma_semaphore, #tpu.memory_space<semaphore_mem>>)
    %add3A_282 = arith.constant 573440 : i32
    %add3A_283 = arith.addi %add3A_282, %mul3A_2 : i32
    %dma_start3A_284 = arith.constant 17920 : i32
    %dma_start3A_285 = tpu.memref_slice %arg5[%dma_start3A_284] : memref<19968xf32, #tpu.memory_space<vmem>> -> memref<512xf32, #tpu.memory_space<vmem>>
    %dma_start3A_286 = tpu.memref_slice %arg2[%add3A_283] : memref<638976xf32, #tpu.memory_space<hbm>> -> memref<512xf32, #tpu.memory_space<hbm>>
    %dma_start3A_287 = arith.constant 17920 : i32
    %dma_start3A_288 = tpu.memref_slice %arg5[%dma_start3A_287] : memref<19968xf32, #tpu.memory_space<vmem>> -> memref<512xf32, #tpu.memory_space<vmem>>
    %dma_start3A_289 = tpu.memref_slice %arg2[%add3A_283] : memref<638976xf32, #tpu.memory_space<hbm>> -> memref<512xf32, #tpu.memory_space<hbm>>
    tpu.enqueue_dma source(%dma_start3A_289 : memref<512xf32, #tpu.memory_space<hbm>>) target(%dma_start3A_288 : memref<512xf32, #tpu.memory_space<vmem>>) target_semaphore(%arg9 : memref<!tpu.dma_semaphore, #tpu.memory_space<semaphore_mem>>)
    %add3A_290 = arith.constant 589824 : i32
    %add3A_291 = arith.addi %add3A_290, %mul3A_2 : i32
    %dma_start3A_292 = arith.constant 18432 : i32
    %dma_start3A_293 = tpu.memref_slice %arg5[%dma_start3A_292] : memref<19968xf32, #tpu.memory_space<vmem>> -> memref<512xf32, #tpu.memory_space<vmem>>
    %dma_start3A_294 = tpu.memref_slice %arg2[%add3A_291] : memref<638976xf32, #tpu.memory_space<hbm>> -> memref<512xf32, #tpu.memory_space<hbm>>
    %dma_start3A_295 = arith.constant 18432 : i32
    %dma_start3A_296 = tpu.memref_slice %arg5[%dma_start3A_295] : memref<19968xf32, #tpu.memory_space<vmem>> -> memref<512xf32, #tpu.memory_space<vmem>>
    %dma_start3A_297 = tpu.memref_slice %arg2[%add3A_291] : memref<638976xf32, #tpu.memory_space<hbm>> -> memref<512xf32, #tpu.memory_space<hbm>>
    tpu.enqueue_dma source(%dma_start3A_297 : memref<512xf32, #tpu.memory_space<hbm>>) target(%dma_start3A_296 : memref<512xf32, #tpu.memory_space<vmem>>) target_semaphore(%arg9 : memref<!tpu.dma_semaphore, #tpu.memory_space<semaphore_mem>>)
    %add3A_298 = arith.constant 606208 : i32
    %add3A_299 = arith.addi %add3A_298, %mul3A_2 : i32
    %dma_start3A_300 = arith.constant 18944 : i32
    %dma_start3A_301 = tpu.memref_slice %arg5[%dma_start3A_300] : memref<19968xf32, #tpu.memory_space<vmem>> -> memref<512xf32, #tpu.memory_space<vmem>>
    %dma_start3A_302 = tpu.memref_slice %arg2[%add3A_299] : memref<638976xf32, #tpu.memory_space<hbm>> -> memref<512xf32, #tpu.memory_space<hbm>>
    %dma_start3A_303 = arith.constant 18944 : i32
    %dma_start3A_304 = tpu.memref_slice %arg5[%dma_start3A_303] : memref<19968xf32, #tpu.memory_space<vmem>> -> memref<512xf32, #tpu.memory_space<vmem>>
    %dma_start3A_305 = tpu.memref_slice %arg2[%add3A_299] : memref<638976xf32, #tpu.memory_space<hbm>> -> memref<512xf32, #tpu.memory_space<hbm>>
    tpu.enqueue_dma source(%dma_start3A_305 : memref<512xf32, #tpu.memory_space<hbm>>) target(%dma_start3A_304 : memref<512xf32, #tpu.memory_space<vmem>>) target_semaphore(%arg9 : memref<!tpu.dma_semaphore, #tpu.memory_space<semaphore_mem>>)
    %add3A_306 = arith.constant 622592 : i32
    %add3A_307 = arith.addi %add3A_306, %mul3A_2 : i32
    %dma_start3A_308 = arith.constant 19456 : i32
    %dma_start3A_309 = tpu.memref_slice %arg5[%dma_start3A_308] : memref<19968xf32, #tpu.memory_space<vmem>> -> memref<512xf32, #tpu.memory_space<vmem>>
    %dma_start3A_310 = tpu.memref_slice %arg2[%add3A_307] : memref<638976xf32, #tpu.memory_space<hbm>> -> memref<512xf32, #tpu.memory_space<hbm>>
    %dma_start3A_311 = arith.constant 19456 : i32
    %dma_start3A_312 = tpu.memref_slice %arg5[%dma_start3A_311] : memref<19968xf32, #tpu.memory_space<vmem>> -> memref<512xf32, #tpu.memory_space<vmem>>
    %dma_start3A_313 = tpu.memref_slice %arg2[%add3A_307] : memref<638976xf32, #tpu.memory_space<hbm>> -> memref<512xf32, #tpu.memory_space<hbm>>
    tpu.enqueue_dma source(%dma_start3A_313 : memref<512xf32, #tpu.memory_space<hbm>>) target(%dma_start3A_312 : memref<512xf32, #tpu.memory_space<vmem>>) target_semaphore(%arg9 : memref<!tpu.dma_semaphore, #tpu.memory_space<semaphore_mem>>)
    %add3A_314 = arith.constant 0 : i32
    %add3A_315 = arith.addi %add3A_314, %mul3A_2 : i32
    %dma_wait3A = arith.constant 0 : i32
    %dma_wait3A_316 = tpu.memref_slice %arg5[%dma_wait3A] : memref<19968xf32, #tpu.memory_space<vmem>> -> memref<512xf32, #tpu.memory_space<vmem>>
    %dma_wait3A_317 = tpu.memref_slice %arg2[%add3A_315] : memref<638976xf32, #tpu.memory_space<hbm>> -> memref<512xf32, #tpu.memory_space<hbm>>
    %dma_wait3A_318 = arith.constant 0 : i32
    %dma_wait3A_319 = tpu.memref_slice %arg5[%dma_wait3A_318] : memref<19968xf32, #tpu.memory_space<vmem>> -> memref<512xf32, #tpu.memory_space<vmem>>
    %dma_wait3A_320 = tpu.memref_slice %arg2[%add3A_315] : memref<638976xf32, #tpu.memory_space<hbm>> -> memref<512xf32, #tpu.memory_space<hbm>>
    tpu.wait_dma2 semaphore(%arg9 : memref<!tpu.dma_semaphore, #tpu.memory_space<semaphore_mem>>) src(%dma_wait3A_320 : memref<512xf32, #tpu.memory_space<hbm>>) dst(%dma_wait3A_319 : memref<512xf32, #tpu.memory_space<vmem>>)
    %add3A_321 = arith.constant 16384 : i32
    %add3A_322 = arith.addi %add3A_321, %mul3A_2 : i32
    %dma_wait3A_323 = arith.constant 512 : i32
    %dma_wait3A_324 = tpu.memref_slice %arg5[%dma_wait3A_323] : memref<19968xf32, #tpu.memory_space<vmem>> -> memref<512xf32, #tpu.memory_space<vmem>>
    %dma_wait3A_325 = tpu.memref_slice %arg2[%add3A_322] : memref<638976xf32, #tpu.memory_space<hbm>> -> memref<512xf32, #tpu.memory_space<hbm>>
    %dma_wait3A_326 = arith.constant 512 : i32
    %dma_wait3A_327 = tpu.memref_slice %arg5[%dma_wait3A_326] : memref<19968xf32, #tpu.memory_space<vmem>> -> memref<512xf32, #tpu.memory_space<vmem>>
    %dma_wait3A_328 = tpu.memref_slice %arg2[%add3A_322] : memref<638976xf32, #tpu.memory_space<hbm>> -> memref<512xf32, #tpu.memory_space<hbm>>
    tpu.wait_dma2 semaphore(%arg9 : memref<!tpu.dma_semaphore, #tpu.memory_space<semaphore_mem>>) src(%dma_wait3A_328 : memref<512xf32, #tpu.memory_space<hbm>>) dst(%dma_wait3A_327 : memref<512xf32, #tpu.memory_space<vmem>>)
    %add3A_329 = arith.constant 32768 : i32
    %add3A_330 = arith.addi %add3A_329, %mul3A_2 : i32
    %dma_wait3A_331 = arith.constant 1024 : i32
    %dma_wait3A_332 = tpu.memref_slice %arg5[%dma_wait3A_331] : memref<19968xf32, #tpu.memory_space<vmem>> -> memref<512xf32, #tpu.memory_space<vmem>>
    %dma_wait3A_333 = tpu.memref_slice %arg2[%add3A_330] : memref<638976xf32, #tpu.memory_space<hbm>> -> memref<512xf32, #tpu.memory_space<hbm>>
    %dma_wait3A_334 = arith.constant 1024 : i32
    %dma_wait3A_335 = tpu.memref_slice %arg5[%dma_wait3A_334] : memref<19968xf32, #tpu.memory_space<vmem>> -> memref<512xf32, #tpu.memory_space<vmem>>
    %dma_wait3A_336 = tpu.memref_slice %arg2[%add3A_330] : memref<638976xf32, #tpu.memory_space<hbm>> -> memref<512xf32, #tpu.memory_space<hbm>>
    tpu.wait_dma2 semaphore(%arg9 : memref<!tpu.dma_semaphore, #tpu.memory_space<semaphore_mem>>) src(%dma_wait3A_336 : memref<512xf32, #tpu.memory_space<hbm>>) dst(%dma_wait3A_335 : memref<512xf32, #tpu.memory_space<vmem>>)
    %add3A_337 = arith.constant 49152 : i32
    %add3A_338 = arith.addi %add3A_337, %mul3A_2 : i32
    %dma_wait3A_339 = arith.constant 1536 : i32
    %dma_wait3A_340 = tpu.memref_slice %arg5[%dma_wait3A_339] : memref<19968xf32, #tpu.memory_space<vmem>> -> memref<512xf32, #tpu.memory_space<vmem>>
    %dma_wait3A_341 = tpu.memref_slice %arg2[%add3A_338] : memref<638976xf32, #tpu.memory_space<hbm>> -> memref<512xf32, #tpu.memory_space<hbm>>
    %dma_wait3A_342 = arith.constant 1536 : i32
    %dma_wait3A_343 = tpu.memref_slice %arg5[%dma_wait3A_342] : memref<19968xf32, #tpu.memory_space<vmem>> -> memref<512xf32, #tpu.memory_space<vmem>>
    %dma_wait3A_344 = tpu.memref_slice %arg2[%add3A_338] : memref<638976xf32, #tpu.memory_space<hbm>> -> memref<512xf32, #tpu.memory_space<hbm>>
    tpu.wait_dma2 semaphore(%arg9 : memref<!tpu.dma_semaphore, #tpu.memory_space<semaphore_mem>>) src(%dma_wait3A_344 : memref<512xf32, #tpu.memory_space<hbm>>) dst(%dma_wait3A_343 : memref<512xf32, #tpu.memory_space<vmem>>)
    %add3A_345 = arith.constant 65536 : i32
    %add3A_346 = arith.addi %add3A_345, %mul3A_2 : i32
    %dma_wait3A_347 = arith.constant 2048 : i32
    %dma_wait3A_348 = tpu.memref_slice %arg5[%dma_wait3A_347] : memref<19968xf32, #tpu.memory_space<vmem>> -> memref<512xf32, #tpu.memory_space<vmem>>
    %dma_wait3A_349 = tpu.memref_slice %arg2[%add3A_346] : memref<638976xf32, #tpu.memory_space<hbm>> -> memref<512xf32, #tpu.memory_space<hbm>>
    %dma_wait3A_350 = arith.constant 2048 : i32
    %dma_wait3A_351 = tpu.memref_slice %arg5[%dma_wait3A_350] : memref<19968xf32, #tpu.memory_space<vmem>> -> memref<512xf32, #tpu.memory_space<vmem>>
    %dma_wait3A_352 = tpu.memref_slice %arg2[%add3A_346] : memref<638976xf32, #tpu.memory_space<hbm>> -> memref<512xf32, #tpu.memory_space<hbm>>
    tpu.wait_dma2 semaphore(%arg9 : memref<!tpu.dma_semaphore, #tpu.memory_space<semaphore_mem>>) src(%dma_wait3A_352 : memref<512xf32, #tpu.memory_space<hbm>>) dst(%dma_wait3A_351 : memref<512xf32, #tpu.memory_space<vmem>>)
    %add3A_353 = arith.constant 81920 : i32
    %add3A_354 = arith.addi %add3A_353, %mul3A_2 : i32
    %dma_wait3A_355 = arith.constant 2560 : i32
    %dma_wait3A_356 = tpu.memref_slice %arg5[%dma_wait3A_355] : memref<19968xf32, #tpu.memory_space<vmem>> -> memref<512xf32, #tpu.memory_space<vmem>>
    %dma_wait3A_357 = tpu.memref_slice %arg2[%add3A_354] : memref<638976xf32, #tpu.memory_space<hbm>> -> memref<512xf32, #tpu.memory_space<hbm>>
    %dma_wait3A_358 = arith.constant 2560 : i32
    %dma_wait3A_359 = tpu.memref_slice %arg5[%dma_wait3A_358] : memref<19968xf32, #tpu.memory_space<vmem>> -> memref<512xf32, #tpu.memory_space<vmem>>
    %dma_wait3A_360 = tpu.memref_slice %arg2[%add3A_354] : memref<638976xf32, #tpu.memory_space<hbm>> -> memref<512xf32, #tpu.memory_space<hbm>>
    tpu.wait_dma2 semaphore(%arg9 : memref<!tpu.dma_semaphore, #tpu.memory_space<semaphore_mem>>) src(%dma_wait3A_360 : memref<512xf32, #tpu.memory_space<hbm>>) dst(%dma_wait3A_359 : memref<512xf32, #tpu.memory_space<vmem>>)
    %add3A_361 = arith.constant 98304 : i32
    %add3A_362 = arith.addi %add3A_361, %mul3A_2 : i32
    %dma_wait3A_363 = arith.constant 3072 : i32
    %dma_wait3A_364 = tpu.memref_slice %arg5[%dma_wait3A_363] : memref<19968xf32, #tpu.memory_space<vmem>> -> memref<512xf32, #tpu.memory_space<vmem>>
    %dma_wait3A_365 = tpu.memref_slice %arg2[%add3A_362] : memref<638976xf32, #tpu.memory_space<hbm>> -> memref<512xf32, #tpu.memory_space<hbm>>
    %dma_wait3A_366 = arith.constant 3072 : i32
    %dma_wait3A_367 = tpu.memref_slice %arg5[%dma_wait3A_366] : memref<19968xf32, #tpu.memory_space<vmem>> -> memref<512xf32, #tpu.memory_space<vmem>>
    %dma_wait3A_368 = tpu.memref_slice %arg2[%add3A_362] : memref<638976xf32, #tpu.memory_space<hbm>> -> memref<512xf32, #tpu.memory_space<hbm>>
    tpu.wait_dma2 semaphore(%arg9 : memref<!tpu.dma_semaphore, #tpu.memory_space<semaphore_mem>>) src(%dma_wait3A_368 : memref<512xf32, #tpu.memory_space<hbm>>) dst(%dma_wait3A_367 : memref<512xf32, #tpu.memory_space<vmem>>)
    %add3A_369 = arith.constant 114688 : i32
    %add3A_370 = arith.addi %add3A_369, %mul3A_2 : i32
    %dma_wait3A_371 = arith.constant 3584 : i32
    %dma_wait3A_372 = tpu.memref_slice %arg5[%dma_wait3A_371] : memref<19968xf32, #tpu.memory_space<vmem>> -> memref<512xf32, #tpu.memory_space<vmem>>
    %dma_wait3A_373 = tpu.memref_slice %arg2[%add3A_370] : memref<638976xf32, #tpu.memory_space<hbm>> -> memref<512xf32, #tpu.memory_space<hbm>>
    %dma_wait3A_374 = arith.constant 3584 : i32
    %dma_wait3A_375 = tpu.memref_slice %arg5[%dma_wait3A_374] : memref<19968xf32, #tpu.memory_space<vmem>> -> memref<512xf32, #tpu.memory_space<vmem>>
    %dma_wait3A_376 = tpu.memref_slice %arg2[%add3A_370] : memref<638976xf32, #tpu.memory_space<hbm>> -> memref<512xf32, #tpu.memory_space<hbm>>
    tpu.wait_dma2 semaphore(%arg9 : memref<!tpu.dma_semaphore, #tpu.memory_space<semaphore_mem>>) src(%dma_wait3A_376 : memref<512xf32, #tpu.memory_space<hbm>>) dst(%dma_wait3A_375 : memref<512xf32, #tpu.memory_space<vmem>>)
    %add3A_377 = arith.constant 131072 : i32
    %add3A_378 = arith.addi %add3A_377, %mul3A_2 : i32
    %dma_wait3A_379 = arith.constant 4096 : i32
    %dma_wait3A_380 = tpu.memref_slice %arg5[%dma_wait3A_379] : memref<19968xf32, #tpu.memory_space<vmem>> -> memref<512xf32, #tpu.memory_space<vmem>>
    %dma_wait3A_381 = tpu.memref_slice %arg2[%add3A_378] : memref<638976xf32, #tpu.memory_space<hbm>> -> memref<512xf32, #tpu.memory_space<hbm>>
    %dma_wait3A_382 = arith.constant 4096 : i32
    %dma_wait3A_383 = tpu.memref_slice %arg5[%dma_wait3A_382] : memref<19968xf32, #tpu.memory_space<vmem>> -> memref<512xf32, #tpu.memory_space<vmem>>
    %dma_wait3A_384 = tpu.memref_slice %arg2[%add3A_378] : memref<638976xf32, #tpu.memory_space<hbm>> -> memref<512xf32, #tpu.memory_space<hbm>>
    tpu.wait_dma2 semaphore(%arg9 : memref<!tpu.dma_semaphore, #tpu.memory_space<semaphore_mem>>) src(%dma_wait3A_384 : memref<512xf32, #tpu.memory_space<hbm>>) dst(%dma_wait3A_383 : memref<512xf32, #tpu.memory_space<vmem>>)
    %add3A_385 = arith.constant 147456 : i32
    %add3A_386 = arith.addi %add3A_385, %mul3A_2 : i32
    %dma_wait3A_387 = arith.constant 4608 : i32
    %dma_wait3A_388 = tpu.memref_slice %arg5[%dma_wait3A_387] : memref<19968xf32, #tpu.memory_space<vmem>> -> memref<512xf32, #tpu.memory_space<vmem>>
    %dma_wait3A_389 = tpu.memref_slice %arg2[%add3A_386] : memref<638976xf32, #tpu.memory_space<hbm>> -> memref<512xf32, #tpu.memory_space<hbm>>
    %dma_wait3A_390 = arith.constant 4608 : i32
    %dma_wait3A_391 = tpu.memref_slice %arg5[%dma_wait3A_390] : memref<19968xf32, #tpu.memory_space<vmem>> -> memref<512xf32, #tpu.memory_space<vmem>>
    %dma_wait3A_392 = tpu.memref_slice %arg2[%add3A_386] : memref<638976xf32, #tpu.memory_space<hbm>> -> memref<512xf32, #tpu.memory_space<hbm>>
    tpu.wait_dma2 semaphore(%arg9 : memref<!tpu.dma_semaphore, #tpu.memory_space<semaphore_mem>>) src(%dma_wait3A_392 : memref<512xf32, #tpu.memory_space<hbm>>) dst(%dma_wait3A_391 : memref<512xf32, #tpu.memory_space<vmem>>)
    %add3A_393 = arith.constant 163840 : i32
    %add3A_394 = arith.addi %add3A_393, %mul3A_2 : i32
    %dma_wait3A_395 = arith.constant 5120 : i32
    %dma_wait3A_396 = tpu.memref_slice %arg5[%dma_wait3A_395] : memref<19968xf32, #tpu.memory_space<vmem>> -> memref<512xf32, #tpu.memory_space<vmem>>
    %dma_wait3A_397 = tpu.memref_slice %arg2[%add3A_394] : memref<638976xf32, #tpu.memory_space<hbm>> -> memref<512xf32, #tpu.memory_space<hbm>>
    %dma_wait3A_398 = arith.constant 5120 : i32
    %dma_wait3A_399 = tpu.memref_slice %arg5[%dma_wait3A_398] : memref<19968xf32, #tpu.memory_space<vmem>> -> memref<512xf32, #tpu.memory_space<vmem>>
    %dma_wait3A_400 = tpu.memref_slice %arg2[%add3A_394] : memref<638976xf32, #tpu.memory_space<hbm>> -> memref<512xf32, #tpu.memory_space<hbm>>
    tpu.wait_dma2 semaphore(%arg9 : memref<!tpu.dma_semaphore, #tpu.memory_space<semaphore_mem>>) src(%dma_wait3A_400 : memref<512xf32, #tpu.memory_space<hbm>>) dst(%dma_wait3A_399 : memref<512xf32, #tpu.memory_space<vmem>>)
    %add3A_401 = arith.constant 180224 : i32
    %add3A_402 = arith.addi %add3A_401, %mul3A_2 : i32
    %dma_wait3A_403 = arith.constant 5632 : i32
    %dma_wait3A_404 = tpu.memref_slice %arg5[%dma_wait3A_403] : memref<19968xf32, #tpu.memory_space<vmem>> -> memref<512xf32, #tpu.memory_space<vmem>>
    %dma_wait3A_405 = tpu.memref_slice %arg2[%add3A_402] : memref<638976xf32, #tpu.memory_space<hbm>> -> memref<512xf32, #tpu.memory_space<hbm>>
    %dma_wait3A_406 = arith.constant 5632 : i32
    %dma_wait3A_407 = tpu.memref_slice %arg5[%dma_wait3A_406] : memref<19968xf32, #tpu.memory_space<vmem>> -> memref<512xf32, #tpu.memory_space<vmem>>
    %dma_wait3A_408 = tpu.memref_slice %arg2[%add3A_402] : memref<638976xf32, #tpu.memory_space<hbm>> -> memref<512xf32, #tpu.memory_space<hbm>>
    tpu.wait_dma2 semaphore(%arg9 : memref<!tpu.dma_semaphore, #tpu.memory_space<semaphore_mem>>) src(%dma_wait3A_408 : memref<512xf32, #tpu.memory_space<hbm>>) dst(%dma_wait3A_407 : memref<512xf32, #tpu.memory_space<vmem>>)
    %add3A_409 = arith.constant 196608 : i32
    %add3A_410 = arith.addi %add3A_409, %mul3A_2 : i32
    %dma_wait3A_411 = arith.constant 6144 : i32
    %dma_wait3A_412 = tpu.memref_slice %arg5[%dma_wait3A_411] : memref<19968xf32, #tpu.memory_space<vmem>> -> memref<512xf32, #tpu.memory_space<vmem>>
    %dma_wait3A_413 = tpu.memref_slice %arg2[%add3A_410] : memref<638976xf32, #tpu.memory_space<hbm>> -> memref<512xf32, #tpu.memory_space<hbm>>
    %dma_wait3A_414 = arith.constant 6144 : i32
    %dma_wait3A_415 = tpu.memref_slice %arg5[%dma_wait3A_414] : memref<19968xf32, #tpu.memory_space<vmem>> -> memref<512xf32, #tpu.memory_space<vmem>>
    %dma_wait3A_416 = tpu.memref_slice %arg2[%add3A_410] : memref<638976xf32, #tpu.memory_space<hbm>> -> memref<512xf32, #tpu.memory_space<hbm>>
    tpu.wait_dma2 semaphore(%arg9 : memref<!tpu.dma_semaphore, #tpu.memory_space<semaphore_mem>>) src(%dma_wait3A_416 : memref<512xf32, #tpu.memory_space<hbm>>) dst(%dma_wait3A_415 : memref<512xf32, #tpu.memory_space<vmem>>)
    %add3A_417 = arith.constant 212992 : i32
    %add3A_418 = arith.addi %add3A_417, %mul3A_2 : i32
    %dma_wait3A_419 = arith.constant 6656 : i32
    %dma_wait3A_420 = tpu.memref_slice %arg5[%dma_wait3A_419] : memref<19968xf32, #tpu.memory_space<vmem>> -> memref<512xf32, #tpu.memory_space<vmem>>
    %dma_wait3A_421 = tpu.memref_slice %arg2[%add3A_418] : memref<638976xf32, #tpu.memory_space<hbm>> -> memref<512xf32, #tpu.memory_space<hbm>>
    %dma_wait3A_422 = arith.constant 6656 : i32
    %dma_wait3A_423 = tpu.memref_slice %arg5[%dma_wait3A_422] : memref<19968xf32, #tpu.memory_space<vmem>> -> memref<512xf32, #tpu.memory_space<vmem>>
    %dma_wait3A_424 = tpu.memref_slice %arg2[%add3A_418] : memref<638976xf32, #tpu.memory_space<hbm>> -> memref<512xf32, #tpu.memory_space<hbm>>
    tpu.wait_dma2 semaphore(%arg9 : memref<!tpu.dma_semaphore, #tpu.memory_space<semaphore_mem>>) src(%dma_wait3A_424 : memref<512xf32, #tpu.memory_space<hbm>>) dst(%dma_wait3A_423 : memref<512xf32, #tpu.memory_space<vmem>>)
    %add3A_425 = arith.constant 229376 : i32
    %add3A_426 = arith.addi %add3A_425, %mul3A_2 : i32
    %dma_wait3A_427 = arith.constant 7168 : i32
    %dma_wait3A_428 = tpu.memref_slice %arg5[%dma_wait3A_427] : memref<19968xf32, #tpu.memory_space<vmem>> -> memref<512xf32, #tpu.memory_space<vmem>>
    %dma_wait3A_429 = tpu.memref_slice %arg2[%add3A_426] : memref<638976xf32, #tpu.memory_space<hbm>> -> memref<512xf32, #tpu.memory_space<hbm>>
    %dma_wait3A_430 = arith.constant 7168 : i32
    %dma_wait3A_431 = tpu.memref_slice %arg5[%dma_wait3A_430] : memref<19968xf32, #tpu.memory_space<vmem>> -> memref<512xf32, #tpu.memory_space<vmem>>
    %dma_wait3A_432 = tpu.memref_slice %arg2[%add3A_426] : memref<638976xf32, #tpu.memory_space<hbm>> -> memref<512xf32, #tpu.memory_space<hbm>>
    tpu.wait_dma2 semaphore(%arg9 : memref<!tpu.dma_semaphore, #tpu.memory_space<semaphore_mem>>) src(%dma_wait3A_432 : memref<512xf32, #tpu.memory_space<hbm>>) dst(%dma_wait3A_431 : memref<512xf32, #tpu.memory_space<vmem>>)
    %add3A_433 = arith.constant 245760 : i32
    %add3A_434 = arith.addi %add3A_433, %mul3A_2 : i32
    %dma_wait3A_435 = arith.constant 7680 : i32
    %dma_wait3A_436 = tpu.memref_slice %arg5[%dma_wait3A_435] : memref<19968xf32, #tpu.memory_space<vmem>> -> memref<512xf32, #tpu.memory_space<vmem>>
    %dma_wait3A_437 = tpu.memref_slice %arg2[%add3A_434] : memref<638976xf32, #tpu.memory_space<hbm>> -> memref<512xf32, #tpu.memory_space<hbm>>
    %dma_wait3A_438 = arith.constant 7680 : i32
    %dma_wait3A_439 = tpu.memref_slice %arg5[%dma_wait3A_438] : memref<19968xf32, #tpu.memory_space<vmem>> -> memref<512xf32, #tpu.memory_space<vmem>>
    %dma_wait3A_440 = tpu.memref_slice %arg2[%add3A_434] : memref<638976xf32, #tpu.memory_space<hbm>> -> memref<512xf32, #tpu.memory_space<hbm>>
    tpu.wait_dma2 semaphore(%arg9 : memref<!tpu.dma_semaphore, #tpu.memory_space<semaphore_mem>>) src(%dma_wait3A_440 : memref<512xf32, #tpu.memory_space<hbm>>) dst(%dma_wait3A_439 : memref<512xf32, #tpu.memory_space<vmem>>)
    %add3A_441 = arith.constant 262144 : i32
    %add3A_442 = arith.addi %add3A_441, %mul3A_2 : i32
    %dma_wait3A_443 = arith.constant 8192 : i32
    %dma_wait3A_444 = tpu.memref_slice %arg5[%dma_wait3A_443] : memref<19968xf32, #tpu.memory_space<vmem>> -> memref<512xf32, #tpu.memory_space<vmem>>
    %dma_wait3A_445 = tpu.memref_slice %arg2[%add3A_442] : memref<638976xf32, #tpu.memory_space<hbm>> -> memref<512xf32, #tpu.memory_space<hbm>>
    %dma_wait3A_446 = arith.constant 8192 : i32
    %dma_wait3A_447 = tpu.memref_slice %arg5[%dma_wait3A_446] : memref<19968xf32, #tpu.memory_space<vmem>> -> memref<512xf32, #tpu.memory_space<vmem>>
    %dma_wait3A_448 = tpu.memref_slice %arg2[%add3A_442] : memref<638976xf32, #tpu.memory_space<hbm>> -> memref<512xf32, #tpu.memory_space<hbm>>
    tpu.wait_dma2 semaphore(%arg9 : memref<!tpu.dma_semaphore, #tpu.memory_space<semaphore_mem>>) src(%dma_wait3A_448 : memref<512xf32, #tpu.memory_space<hbm>>) dst(%dma_wait3A_447 : memref<512xf32, #tpu.memory_space<vmem>>)
    %add3A_449 = arith.constant 278528 : i32
    %add3A_450 = arith.addi %add3A_449, %mul3A_2 : i32
    %dma_wait3A_451 = arith.constant 8704 : i32
    %dma_wait3A_452 = tpu.memref_slice %arg5[%dma_wait3A_451] : memref<19968xf32, #tpu.memory_space<vmem>> -> memref<512xf32, #tpu.memory_space<vmem>>
    %dma_wait3A_453 = tpu.memref_slice %arg2[%add3A_450] : memref<638976xf32, #tpu.memory_space<hbm>> -> memref<512xf32, #tpu.memory_space<hbm>>
    %dma_wait3A_454 = arith.constant 8704 : i32
    %dma_wait3A_455 = tpu.memref_slice %arg5[%dma_wait3A_454] : memref<19968xf32, #tpu.memory_space<vmem>> -> memref<512xf32, #tpu.memory_space<vmem>>
    %dma_wait3A_456 = tpu.memref_slice %arg2[%add3A_450] : memref<638976xf32, #tpu.memory_space<hbm>> -> memref<512xf32, #tpu.memory_space<hbm>>
    tpu.wait_dma2 semaphore(%arg9 : memref<!tpu.dma_semaphore, #tpu.memory_space<semaphore_mem>>) src(%dma_wait3A_456 : memref<512xf32, #tpu.memory_space<hbm>>) dst(%dma_wait3A_455 : memref<512xf32, #tpu.memory_space<vmem>>)
    %add3A_457 = arith.constant 294912 : i32
    %add3A_458 = arith.addi %add3A_457, %mul3A_2 : i32
    %dma_wait3A_459 = arith.constant 9216 : i32
    %dma_wait3A_460 = tpu.memref_slice %arg5[%dma_wait3A_459] : memref<19968xf32, #tpu.memory_space<vmem>> -> memref<512xf32, #tpu.memory_space<vmem>>
    %dma_wait3A_461 = tpu.memref_slice %arg2[%add3A_458] : memref<638976xf32, #tpu.memory_space<hbm>> -> memref<512xf32, #tpu.memory_space<hbm>>
    %dma_wait3A_462 = arith.constant 9216 : i32
    %dma_wait3A_463 = tpu.memref_slice %arg5[%dma_wait3A_462] : memref<19968xf32, #tpu.memory_space<vmem>> -> memref<512xf32, #tpu.memory_space<vmem>>
    %dma_wait3A_464 = tpu.memref_slice %arg2[%add3A_458] : memref<638976xf32, #tpu.memory_space<hbm>> -> memref<512xf32, #tpu.memory_space<hbm>>
    tpu.wait_dma2 semaphore(%arg9 : memref<!tpu.dma_semaphore, #tpu.memory_space<semaphore_mem>>) src(%dma_wait3A_464 : memref<512xf32, #tpu.memory_space<hbm>>) dst(%dma_wait3A_463 : memref<512xf32, #tpu.memory_space<vmem>>)
    %add3A_465 = arith.constant 311296 : i32
    %add3A_466 = arith.addi %add3A_465, %mul3A_2 : i32
    %dma_wait3A_467 = arith.constant 9728 : i32
    %dma_wait3A_468 = tpu.memref_slice %arg5[%dma_wait3A_467] : memref<19968xf32, #tpu.memory_space<vmem>> -> memref<512xf32, #tpu.memory_space<vmem>>
    %dma_wait3A_469 = tpu.memref_slice %arg2[%add3A_466] : memref<638976xf32, #tpu.memory_space<hbm>> -> memref<512xf32, #tpu.memory_space<hbm>>
    %dma_wait3A_470 = arith.constant 9728 : i32
    %dma_wait3A_471 = tpu.memref_slice %arg5[%dma_wait3A_470] : memref<19968xf32, #tpu.memory_space<vmem>> -> memref<512xf32, #tpu.memory_space<vmem>>
    %dma_wait3A_472 = tpu.memref_slice %arg2[%add3A_466] : memref<638976xf32, #tpu.memory_space<hbm>> -> memref<512xf32, #tpu.memory_space<hbm>>
    tpu.wait_dma2 semaphore(%arg9 : memref<!tpu.dma_semaphore, #tpu.memory_space<semaphore_mem>>) src(%dma_wait3A_472 : memref<512xf32, #tpu.memory_space<hbm>>) dst(%dma_wait3A_471 : memref<512xf32, #tpu.memory_space<vmem>>)
    %add3A_473 = arith.constant 327680 : i32
    %add3A_474 = arith.addi %add3A_473, %mul3A_2 : i32
    %dma_wait3A_475 = arith.constant 10240 : i32
    %dma_wait3A_476 = tpu.memref_slice %arg5[%dma_wait3A_475] : memref<19968xf32, #tpu.memory_space<vmem>> -> memref<512xf32, #tpu.memory_space<vmem>>
    %dma_wait3A_477 = tpu.memref_slice %arg2[%add3A_474] : memref<638976xf32, #tpu.memory_space<hbm>> -> memref<512xf32, #tpu.memory_space<hbm>>
    %dma_wait3A_478 = arith.constant 10240 : i32
    %dma_wait3A_479 = tpu.memref_slice %arg5[%dma_wait3A_478] : memref<19968xf32, #tpu.memory_space<vmem>> -> memref<512xf32, #tpu.memory_space<vmem>>
    %dma_wait3A_480 = tpu.memref_slice %arg2[%add3A_474] : memref<638976xf32, #tpu.memory_space<hbm>> -> memref<512xf32, #tpu.memory_space<hbm>>
    tpu.wait_dma2 semaphore(%arg9 : memref<!tpu.dma_semaphore, #tpu.memory_space<semaphore_mem>>) src(%dma_wait3A_480 : memref<512xf32, #tpu.memory_space<hbm>>) dst(%dma_wait3A_479 : memref<512xf32, #tpu.memory_space<vmem>>)
    %add3A_481 = arith.constant 344064 : i32
    %add3A_482 = arith.addi %add3A_481, %mul3A_2 : i32
    %dma_wait3A_483 = arith.constant 10752 : i32
    %dma_wait3A_484 = tpu.memref_slice %arg5[%dma_wait3A_483] : memref<19968xf32, #tpu.memory_space<vmem>> -> memref<512xf32, #tpu.memory_space<vmem>>
    %dma_wait3A_485 = tpu.memref_slice %arg2[%add3A_482] : memref<638976xf32, #tpu.memory_space<hbm>> -> memref<512xf32, #tpu.memory_space<hbm>>
    %dma_wait3A_486 = arith.constant 10752 : i32
    %dma_wait3A_487 = tpu.memref_slice %arg5[%dma_wait3A_486] : memref<19968xf32, #tpu.memory_space<vmem>> -> memref<512xf32, #tpu.memory_space<vmem>>
    %dma_wait3A_488 = tpu.memref_slice %arg2[%add3A_482] : memref<638976xf32, #tpu.memory_space<hbm>> -> memref<512xf32, #tpu.memory_space<hbm>>
    tpu.wait_dma2 semaphore(%arg9 : memref<!tpu.dma_semaphore, #tpu.memory_space<semaphore_mem>>) src(%dma_wait3A_488 : memref<512xf32, #tpu.memory_space<hbm>>) dst(%dma_wait3A_487 : memref<512xf32, #tpu.memory_space<vmem>>)
    %add3A_489 = arith.constant 360448 : i32
    %add3A_490 = arith.addi %add3A_489, %mul3A_2 : i32
    %dma_wait3A_491 = arith.constant 11264 : i32
    %dma_wait3A_492 = tpu.memref_slice %arg5[%dma_wait3A_491] : memref<19968xf32, #tpu.memory_space<vmem>> -> memref<512xf32, #tpu.memory_space<vmem>>
    %dma_wait3A_493 = tpu.memref_slice %arg2[%add3A_490] : memref<638976xf32, #tpu.memory_space<hbm>> -> memref<512xf32, #tpu.memory_space<hbm>>
    %dma_wait3A_494 = arith.constant 11264 : i32
    %dma_wait3A_495 = tpu.memref_slice %arg5[%dma_wait3A_494] : memref<19968xf32, #tpu.memory_space<vmem>> -> memref<512xf32, #tpu.memory_space<vmem>>
    %dma_wait3A_496 = tpu.memref_slice %arg2[%add3A_490] : memref<638976xf32, #tpu.memory_space<hbm>> -> memref<512xf32, #tpu.memory_space<hbm>>
    tpu.wait_dma2 semaphore(%arg9 : memref<!tpu.dma_semaphore, #tpu.memory_space<semaphore_mem>>) src(%dma_wait3A_496 : memref<512xf32, #tpu.memory_space<hbm>>) dst(%dma_wait3A_495 : memref<512xf32, #tpu.memory_space<vmem>>)
    %add3A_497 = arith.constant 376832 : i32
    %add3A_498 = arith.addi %add3A_497, %mul3A_2 : i32
    %dma_wait3A_499 = arith.constant 11776 : i32
    %dma_wait3A_500 = tpu.memref_slice %arg5[%dma_wait3A_499] : memref<19968xf32, #tpu.memory_space<vmem>> -> memref<512xf32, #tpu.memory_space<vmem>>
    %dma_wait3A_501 = tpu.memref_slice %arg2[%add3A_498] : memref<638976xf32, #tpu.memory_space<hbm>> -> memref<512xf32, #tpu.memory_space<hbm>>
    %dma_wait3A_502 = arith.constant 11776 : i32
    %dma_wait3A_503 = tpu.memref_slice %arg5[%dma_wait3A_502] : memref<19968xf32, #tpu.memory_space<vmem>> -> memref<512xf32, #tpu.memory_space<vmem>>
    %dma_wait3A_504 = tpu.memref_slice %arg2[%add3A_498] : memref<638976xf32, #tpu.memory_space<hbm>> -> memref<512xf32, #tpu.memory_space<hbm>>
    tpu.wait_dma2 semaphore(%arg9 : memref<!tpu.dma_semaphore, #tpu.memory_space<semaphore_mem>>) src(%dma_wait3A_504 : memref<512xf32, #tpu.memory_space<hbm>>) dst(%dma_wait3A_503 : memref<512xf32, #tpu.memory_space<vmem>>)
    %add3A_505 = arith.constant 393216 : i32
    %add3A_506 = arith.addi %add3A_505, %mul3A_2 : i32
    %dma_wait3A_507 = arith.constant 12288 : i32
    %dma_wait3A_508 = tpu.memref_slice %arg5[%dma_wait3A_507] : memref<19968xf32, #tpu.memory_space<vmem>> -> memref<512xf32, #tpu.memory_space<vmem>>
    %dma_wait3A_509 = tpu.memref_slice %arg2[%add3A_506] : memref<638976xf32, #tpu.memory_space<hbm>> -> memref<512xf32, #tpu.memory_space<hbm>>
    %dma_wait3A_510 = arith.constant 12288 : i32
    %dma_wait3A_511 = tpu.memref_slice %arg5[%dma_wait3A_510] : memref<19968xf32, #tpu.memory_space<vmem>> -> memref<512xf32, #tpu.memory_space<vmem>>
    %dma_wait3A_512 = tpu.memref_slice %arg2[%add3A_506] : memref<638976xf32, #tpu.memory_space<hbm>> -> memref<512xf32, #tpu.memory_space<hbm>>
    tpu.wait_dma2 semaphore(%arg9 : memref<!tpu.dma_semaphore, #tpu.memory_space<semaphore_mem>>) src(%dma_wait3A_512 : memref<512xf32, #tpu.memory_space<hbm>>) dst(%dma_wait3A_511 : memref<512xf32, #tpu.memory_space<vmem>>)
    %add3A_513 = arith.constant 409600 : i32
    %add3A_514 = arith.addi %add3A_513, %mul3A_2 : i32
    %dma_wait3A_515 = arith.constant 12800 : i32
    %dma_wait3A_516 = tpu.memref_slice %arg5[%dma_wait3A_515] : memref<19968xf32, #tpu.memory_space<vmem>> -> memref<512xf32, #tpu.memory_space<vmem>>
    %dma_wait3A_517 = tpu.memref_slice %arg2[%add3A_514] : memref<638976xf32, #tpu.memory_space<hbm>> -> memref<512xf32, #tpu.memory_space<hbm>>
    %dma_wait3A_518 = arith.constant 12800 : i32
    %dma_wait3A_519 = tpu.memref_slice %arg5[%dma_wait3A_518] : memref<19968xf32, #tpu.memory_space<vmem>> -> memref<512xf32, #tpu.memory_space<vmem>>
    %dma_wait3A_520 = tpu.memref_slice %arg2[%add3A_514] : memref<638976xf32, #tpu.memory_space<hbm>> -> memref<512xf32, #tpu.memory_space<hbm>>
    tpu.wait_dma2 semaphore(%arg9 : memref<!tpu.dma_semaphore, #tpu.memory_space<semaphore_mem>>) src(%dma_wait3A_520 : memref<512xf32, #tpu.memory_space<hbm>>) dst(%dma_wait3A_519 : memref<512xf32, #tpu.memory_space<vmem>>)
    %add3A_521 = arith.constant 425984 : i32
    %add3A_522 = arith.addi %add3A_521, %mul3A_2 : i32
    %dma_wait3A_523 = arith.constant 13312 : i32
    %dma_wait3A_524 = tpu.memref_slice %arg5[%dma_wait3A_523] : memref<19968xf32, #tpu.memory_space<vmem>> -> memref<512xf32, #tpu.memory_space<vmem>>
    %dma_wait3A_525 = tpu.memref_slice %arg2[%add3A_522] : memref<638976xf32, #tpu.memory_space<hbm>> -> memref<512xf32, #tpu.memory_space<hbm>>
    %dma_wait3A_526 = arith.constant 13312 : i32
    %dma_wait3A_527 = tpu.memref_slice %arg5[%dma_wait3A_526] : memref<19968xf32, #tpu.memory_space<vmem>> -> memref<512xf32, #tpu.memory_space<vmem>>
    %dma_wait3A_528 = tpu.memref_slice %arg2[%add3A_522] : memref<638976xf32, #tpu.memory_space<hbm>> -> memref<512xf32, #tpu.memory_space<hbm>>
    tpu.wait_dma2 semaphore(%arg9 : memref<!tpu.dma_semaphore, #tpu.memory_space<semaphore_mem>>) src(%dma_wait3A_528 : memref<512xf32, #tpu.memory_space<hbm>>) dst(%dma_wait3A_527 : memref<512xf32, #tpu.memory_space<vmem>>)
    %add3A_529 = arith.constant 442368 : i32
    %add3A_530 = arith.addi %add3A_529, %mul3A_2 : i32
    %dma_wait3A_531 = arith.constant 13824 : i32
    %dma_wait3A_532 = tpu.memref_slice %arg5[%dma_wait3A_531] : memref<19968xf32, #tpu.memory_space<vmem>> -> memref<512xf32, #tpu.memory_space<vmem>>
    %dma_wait3A_533 = tpu.memref_slice %arg2[%add3A_530] : memref<638976xf32, #tpu.memory_space<hbm>> -> memref<512xf32, #tpu.memory_space<hbm>>
    %dma_wait3A_534 = arith.constant 13824 : i32
    %dma_wait3A_535 = tpu.memref_slice %arg5[%dma_wait3A_534] : memref<19968xf32, #tpu.memory_space<vmem>> -> memref<512xf32, #tpu.memory_space<vmem>>
    %dma_wait3A_536 = tpu.memref_slice %arg2[%add3A_530] : memref<638976xf32, #tpu.memory_space<hbm>> -> memref<512xf32, #tpu.memory_space<hbm>>
    tpu.wait_dma2 semaphore(%arg9 : memref<!tpu.dma_semaphore, #tpu.memory_space<semaphore_mem>>) src(%dma_wait3A_536 : memref<512xf32, #tpu.memory_space<hbm>>) dst(%dma_wait3A_535 : memref<512xf32, #tpu.memory_space<vmem>>)
    %add3A_537 = arith.constant 458752 : i32
    %add3A_538 = arith.addi %add3A_537, %mul3A_2 : i32
    %dma_wait3A_539 = arith.constant 14336 : i32
    %dma_wait3A_540 = tpu.memref_slice %arg5[%dma_wait3A_539] : memref<19968xf32, #tpu.memory_space<vmem>> -> memref<512xf32, #tpu.memory_space<vmem>>
    %dma_wait3A_541 = tpu.memref_slice %arg2[%add3A_538] : memref<638976xf32, #tpu.memory_space<hbm>> -> memref<512xf32, #tpu.memory_space<hbm>>
    %dma_wait3A_542 = arith.constant 14336 : i32
    %dma_wait3A_543 = tpu.memref_slice %arg5[%dma_wait3A_542] : memref<19968xf32, #tpu.memory_space<vmem>> -> memref<512xf32, #tpu.memory_space<vmem>>
    %dma_wait3A_544 = tpu.memref_slice %arg2[%add3A_538] : memref<638976xf32, #tpu.memory_space<hbm>> -> memref<512xf32, #tpu.memory_space<hbm>>
    tpu.wait_dma2 semaphore(%arg9 : memref<!tpu.dma_semaphore, #tpu.memory_space<semaphore_mem>>) src(%dma_wait3A_544 : memref<512xf32, #tpu.memory_space<hbm>>) dst(%dma_wait3A_543 : memref<512xf32, #tpu.memory_space<vmem>>)
    %add3A_545 = arith.constant 475136 : i32
    %add3A_546 = arith.addi %add3A_545, %mul3A_2 : i32
    %dma_wait3A_547 = arith.constant 14848 : i32
    %dma_wait3A_548 = tpu.memref_slice %arg5[%dma_wait3A_547] : memref<19968xf32, #tpu.memory_space<vmem>> -> memref<512xf32, #tpu.memory_space<vmem>>
    %dma_wait3A_549 = tpu.memref_slice %arg2[%add3A_546] : memref<638976xf32, #tpu.memory_space<hbm>> -> memref<512xf32, #tpu.memory_space<hbm>>
    %dma_wait3A_550 = arith.constant 14848 : i32
    %dma_wait3A_551 = tpu.memref_slice %arg5[%dma_wait3A_550] : memref<19968xf32, #tpu.memory_space<vmem>> -> memref<512xf32, #tpu.memory_space<vmem>>
    %dma_wait3A_552 = tpu.memref_slice %arg2[%add3A_546] : memref<638976xf32, #tpu.memory_space<hbm>> -> memref<512xf32, #tpu.memory_space<hbm>>
    tpu.wait_dma2 semaphore(%arg9 : memref<!tpu.dma_semaphore, #tpu.memory_space<semaphore_mem>>) src(%dma_wait3A_552 : memref<512xf32, #tpu.memory_space<hbm>>) dst(%dma_wait3A_551 : memref<512xf32, #tpu.memory_space<vmem>>)
    %add3A_553 = arith.constant 491520 : i32
    %add3A_554 = arith.addi %add3A_553, %mul3A_2 : i32
    %dma_wait3A_555 = arith.constant 15360 : i32
    %dma_wait3A_556 = tpu.memref_slice %arg5[%dma_wait3A_555] : memref<19968xf32, #tpu.memory_space<vmem>> -> memref<512xf32, #tpu.memory_space<vmem>>
    %dma_wait3A_557 = tpu.memref_slice %arg2[%add3A_554] : memref<638976xf32, #tpu.memory_space<hbm>> -> memref<512xf32, #tpu.memory_space<hbm>>
    %dma_wait3A_558 = arith.constant 15360 : i32
    %dma_wait3A_559 = tpu.memref_slice %arg5[%dma_wait3A_558] : memref<19968xf32, #tpu.memory_space<vmem>> -> memref<512xf32, #tpu.memory_space<vmem>>
    %dma_wait3A_560 = tpu.memref_slice %arg2[%add3A_554] : memref<638976xf32, #tpu.memory_space<hbm>> -> memref<512xf32, #tpu.memory_space<hbm>>
    tpu.wait_dma2 semaphore(%arg9 : memref<!tpu.dma_semaphore, #tpu.memory_space<semaphore_mem>>) src(%dma_wait3A_560 : memref<512xf32, #tpu.memory_space<hbm>>) dst(%dma_wait3A_559 : memref<512xf32, #tpu.memory_space<vmem>>)
    %add3A_561 = arith.constant 507904 : i32
    %add3A_562 = arith.addi %add3A_561, %mul3A_2 : i32
    %dma_wait3A_563 = arith.constant 15872 : i32
    %dma_wait3A_564 = tpu.memref_slice %arg5[%dma_wait3A_563] : memref<19968xf32, #tpu.memory_space<vmem>> -> memref<512xf32, #tpu.memory_space<vmem>>
    %dma_wait3A_565 = tpu.memref_slice %arg2[%add3A_562] : memref<638976xf32, #tpu.memory_space<hbm>> -> memref<512xf32, #tpu.memory_space<hbm>>
    %dma_wait3A_566 = arith.constant 15872 : i32
    %dma_wait3A_567 = tpu.memref_slice %arg5[%dma_wait3A_566] : memref<19968xf32, #tpu.memory_space<vmem>> -> memref<512xf32, #tpu.memory_space<vmem>>
    %dma_wait3A_568 = tpu.memref_slice %arg2[%add3A_562] : memref<638976xf32, #tpu.memory_space<hbm>> -> memref<512xf32, #tpu.memory_space<hbm>>
    tpu.wait_dma2 semaphore(%arg9 : memref<!tpu.dma_semaphore, #tpu.memory_space<semaphore_mem>>) src(%dma_wait3A_568 : memref<512xf32, #tpu.memory_space<hbm>>) dst(%dma_wait3A_567 : memref<512xf32, #tpu.memory_space<vmem>>)
    %add3A_569 = arith.constant 524288 : i32
    %add3A_570 = arith.addi %add3A_569, %mul3A_2 : i32
    %dma_wait3A_571 = arith.constant 16384 : i32
    %dma_wait3A_572 = tpu.memref_slice %arg5[%dma_wait3A_571] : memref<19968xf32, #tpu.memory_space<vmem>> -> memref<512xf32, #tpu.memory_space<vmem>>
    %dma_wait3A_573 = tpu.memref_slice %arg2[%add3A_570] : memref<638976xf32, #tpu.memory_space<hbm>> -> memref<512xf32, #tpu.memory_space<hbm>>
    %dma_wait3A_574 = arith.constant 16384 : i32
    %dma_wait3A_575 = tpu.memref_slice %arg5[%dma_wait3A_574] : memref<19968xf32, #tpu.memory_space<vmem>> -> memref<512xf32, #tpu.memory_space<vmem>>
    %dma_wait3A_576 = tpu.memref_slice %arg2[%add3A_570] : memref<638976xf32, #tpu.memory_space<hbm>> -> memref<512xf32, #tpu.memory_space<hbm>>
    tpu.wait_dma2 semaphore(%arg9 : memref<!tpu.dma_semaphore, #tpu.memory_space<semaphore_mem>>) src(%dma_wait3A_576 : memref<512xf32, #tpu.memory_space<hbm>>) dst(%dma_wait3A_575 : memref<512xf32, #tpu.memory_space<vmem>>)
    %add3A_577 = arith.constant 540672 : i32
    %add3A_578 = arith.addi %add3A_577, %mul3A_2 : i32
    %dma_wait3A_579 = arith.constant 16896 : i32
    %dma_wait3A_580 = tpu.memref_slice %arg5[%dma_wait3A_579] : memref<19968xf32, #tpu.memory_space<vmem>> -> memref<512xf32, #tpu.memory_space<vmem>>
    %dma_wait3A_581 = tpu.memref_slice %arg2[%add3A_578] : memref<638976xf32, #tpu.memory_space<hbm>> -> memref<512xf32, #tpu.memory_space<hbm>>
    %dma_wait3A_582 = arith.constant 16896 : i32
    %dma_wait3A_583 = tpu.memref_slice %arg5[%dma_wait3A_582] : memref<19968xf32, #tpu.memory_space<vmem>> -> memref<512xf32, #tpu.memory_space<vmem>>
    %dma_wait3A_584 = tpu.memref_slice %arg2[%add3A_578] : memref<638976xf32, #tpu.memory_space<hbm>> -> memref<512xf32, #tpu.memory_space<hbm>>
    tpu.wait_dma2 semaphore(%arg9 : memref<!tpu.dma_semaphore, #tpu.memory_space<semaphore_mem>>) src(%dma_wait3A_584 : memref<512xf32, #tpu.memory_space<hbm>>) dst(%dma_wait3A_583 : memref<512xf32, #tpu.memory_space<vmem>>)
    %add3A_585 = arith.constant 557056 : i32
    %add3A_586 = arith.addi %add3A_585, %mul3A_2 : i32
    %dma_wait3A_587 = arith.constant 17408 : i32
    %dma_wait3A_588 = tpu.memref_slice %arg5[%dma_wait3A_587] : memref<19968xf32, #tpu.memory_space<vmem>> -> memref<512xf32, #tpu.memory_space<vmem>>
    %dma_wait3A_589 = tpu.memref_slice %arg2[%add3A_586] : memref<638976xf32, #tpu.memory_space<hbm>> -> memref<512xf32, #tpu.memory_space<hbm>>
    %dma_wait3A_590 = arith.constant 17408 : i32
    %dma_wait3A_591 = tpu.memref_slice %arg5[%dma_wait3A_590] : memref<19968xf32, #tpu.memory_space<vmem>> -> memref<512xf32, #tpu.memory_space<vmem>>
    %dma_wait3A_592 = tpu.memref_slice %arg2[%add3A_586] : memref<638976xf32, #tpu.memory_space<hbm>> -> memref<512xf32, #tpu.memory_space<hbm>>
    tpu.wait_dma2 semaphore(%arg9 : memref<!tpu.dma_semaphore, #tpu.memory_space<semaphore_mem>>) src(%dma_wait3A_592 : memref<512xf32, #tpu.memory_space<hbm>>) dst(%dma_wait3A_591 : memref<512xf32, #tpu.memory_space<vmem>>)
    %add3A_593 = arith.constant 573440 : i32
    %add3A_594 = arith.addi %add3A_593, %mul3A_2 : i32
    %dma_wait3A_595 = arith.constant 17920 : i32
    %dma_wait3A_596 = tpu.memref_slice %arg5[%dma_wait3A_595] : memref<19968xf32, #tpu.memory_space<vmem>> -> memref<512xf32, #tpu.memory_space<vmem>>
    %dma_wait3A_597 = tpu.memref_slice %arg2[%add3A_594] : memref<638976xf32, #tpu.memory_space<hbm>> -> memref<512xf32, #tpu.memory_space<hbm>>
    %dma_wait3A_598 = arith.constant 17920 : i32
    %dma_wait3A_599 = tpu.memref_slice %arg5[%dma_wait3A_598] : memref<19968xf32, #tpu.memory_space<vmem>> -> memref<512xf32, #tpu.memory_space<vmem>>
    %dma_wait3A_600 = tpu.memref_slice %arg2[%add3A_594] : memref<638976xf32, #tpu.memory_space<hbm>> -> memref<512xf32, #tpu.memory_space<hbm>>
    tpu.wait_dma2 semaphore(%arg9 : memref<!tpu.dma_semaphore, #tpu.memory_space<semaphore_mem>>) src(%dma_wait3A_600 : memref<512xf32, #tpu.memory_space<hbm>>) dst(%dma_wait3A_599 : memref<512xf32, #tpu.memory_space<vmem>>)
    %add3A_601 = arith.constant 589824 : i32
    %add3A_602 = arith.addi %add3A_601, %mul3A_2 : i32
    %dma_wait3A_603 = arith.constant 18432 : i32
    %dma_wait3A_604 = tpu.memref_slice %arg5[%dma_wait3A_603] : memref<19968xf32, #tpu.memory_space<vmem>> -> memref<512xf32, #tpu.memory_space<vmem>>
    %dma_wait3A_605 = tpu.memref_slice %arg2[%add3A_602] : memref<638976xf32, #tpu.memory_space<hbm>> -> memref<512xf32, #tpu.memory_space<hbm>>
    %dma_wait3A_606 = arith.constant 18432 : i32
    %dma_wait3A_607 = tpu.memref_slice %arg5[%dma_wait3A_606] : memref<19968xf32, #tpu.memory_space<vmem>> -> memref<512xf32, #tpu.memory_space<vmem>>
    %dma_wait3A_608 = tpu.memref_slice %arg2[%add3A_602] : memref<638976xf32, #tpu.memory_space<hbm>> -> memref<512xf32, #tpu.memory_space<hbm>>
    tpu.wait_dma2 semaphore(%arg9 : memref<!tpu.dma_semaphore, #tpu.memory_space<semaphore_mem>>) src(%dma_wait3A_608 : memref<512xf32, #tpu.memory_space<hbm>>) dst(%dma_wait3A_607 : memref<512xf32, #tpu.memory_space<vmem>>)
    %add3A_609 = arith.constant 606208 : i32
    %add3A_610 = arith.addi %add3A_609, %mul3A_2 : i32
    %dma_wait3A_611 = arith.constant 18944 : i32
    %dma_wait3A_612 = tpu.memref_slice %arg5[%dma_wait3A_611] : memref<19968xf32, #tpu.memory_space<vmem>> -> memref<512xf32, #tpu.memory_space<vmem>>
    %dma_wait3A_613 = tpu.memref_slice %arg2[%add3A_610] : memref<638976xf32, #tpu.memory_space<hbm>> -> memref<512xf32, #tpu.memory_space<hbm>>
    %dma_wait3A_614 = arith.constant 18944 : i32
    %dma_wait3A_615 = tpu.memref_slice %arg5[%dma_wait3A_614] : memref<19968xf32, #tpu.memory_space<vmem>> -> memref<512xf32, #tpu.memory_space<vmem>>
    %dma_wait3A_616 = tpu.memref_slice %arg2[%add3A_610] : memref<638976xf32, #tpu.memory_space<hbm>> -> memref<512xf32, #tpu.memory_space<hbm>>
    tpu.wait_dma2 semaphore(%arg9 : memref<!tpu.dma_semaphore, #tpu.memory_space<semaphore_mem>>) src(%dma_wait3A_616 : memref<512xf32, #tpu.memory_space<hbm>>) dst(%dma_wait3A_615 : memref<512xf32, #tpu.memory_space<vmem>>)
    %add3A_617 = arith.constant 622592 : i32
    %add3A_618 = arith.addi %add3A_617, %mul3A_2 : i32
    %dma_wait3A_619 = arith.constant 19456 : i32
    %dma_wait3A_620 = tpu.memref_slice %arg5[%dma_wait3A_619] : memref<19968xf32, #tpu.memory_space<vmem>> -> memref<512xf32, #tpu.memory_space<vmem>>
    %dma_wait3A_621 = tpu.memref_slice %arg2[%add3A_618] : memref<638976xf32, #tpu.memory_space<hbm>> -> memref<512xf32, #tpu.memory_space<hbm>>
    %dma_wait3A_622 = arith.constant 19456 : i32
    %dma_wait3A_623 = tpu.memref_slice %arg5[%dma_wait3A_622] : memref<19968xf32, #tpu.memory_space<vmem>> -> memref<512xf32, #tpu.memory_space<vmem>>
    %dma_wait3A_624 = tpu.memref_slice %arg2[%add3A_618] : memref<638976xf32, #tpu.memory_space<hbm>> -> memref<512xf32, #tpu.memory_space<hbm>>
    tpu.wait_dma2 semaphore(%arg9 : memref<!tpu.dma_semaphore, #tpu.memory_space<semaphore_mem>>) src(%dma_wait3A_624 : memref<512xf32, #tpu.memory_space<hbm>>) dst(%dma_wait3A_623 : memref<512xf32, #tpu.memory_space<vmem>>)
    %scan3A = arith.constant 0 : i32
    %scan3A_625 = arith.constant 0 : i32
    %scan3A_626 = arith.constant 32 : i32
    %scan3A_627 = arith.addi %scan3A_625, %scan3A_626 : i32
    %scan3A_628 = arith.constant 1 : i32
    %scan3A_629 = scf.for %scan3A_690 = %scan3A_625 to %scan3A_627 step %scan3A_628 iter_args(%scan3A_691 = %scan3A) -> (i32)  : i32 {
      %mul3A_692 = arith.constant 16 : i32
      %mul3A_693 = arith.muli %scan3A_690, %mul3A_692 : i32
      %mul3A_694 = arith.constant 416 : i32
      %mul3A_695 = arith.muli %scan3A_690, %mul3A_694 : i32
      %add3A_696 = arith.constant 0 : i32
      %add3A_697 = arith.addi %add3A_696, %mul3A_693 : i32
      %get3A = arith.index_cast %add3A_697 : i32 to index
      %get3A_698 = tpu.vector_load %arg5[%get3A] {strides = array<i32>} : memref<19968xf32, #tpu.memory_space<vmem>>, vector<16xf32>,
      %convert_element_type3A = arith.fptosi %get3A_698 : vector<16xf32> to vector<16xi32>
      %add3A_699 = arith.constant 0 : i32
      %add3A_700 = vector.broadcast %add3A_699 : i32 to vector<16xi32>
      %add3A_701 = arith.addi %convert_element_type3A, %add3A_700 : vector<16xi32>
      %add3A_702 = arith.constant 0 : i32
      %add3A_703 = arith.addi %mul3A_695, %add3A_702 : i32
      %swap3A = arith.index_cast %add3A_703 : i32 to index
      %swap3A_704 = tpu.vector_load %arg6[%swap3A] {strides = array<i32>} : memref<13312xi32, #tpu.memory_space<vmem>>, vector<16xi32>,
      tpu.vector_store %arg6[%swap3A], %add3A_701 {strides = array<i32>} : memref<13312xi32, #tpu.memory_space<vmem>>, vector<16xi32>,
      %add3A_705 = arith.constant 512 : i32
      %add3A_706 = arith.addi %add3A_705, %mul3A_693 : i32
      %get3A_707 = arith.index_cast %add3A_706 : i32 to index
      %get3A_708 = tpu.vector_load %arg5[%get3A_707] {strides = array<i32>} : memref<19968xf32, #tpu.memory_space<vmem>>, vector<16xf32>,
      %convert_element_type3A_709 = arith.fptosi %get3A_708 : vector<16xf32> to vector<16xi32>
      %add3A_710 = arith.constant 100096 : i32
      %add3A_711 = vector.broadcast %add3A_710 : i32 to vector<16xi32>
      %add3A_712 = arith.addi %convert_element_type3A_709, %add3A_711 : vector<16xi32>
      %add3A_713 = arith.constant 16 : i32
      %add3A_714 = arith.addi %mul3A_695, %add3A_713 : i32
      %swap3A_715 = arith.index_cast %add3A_714 : i32 to index
      %swap3A_716 = tpu.vector_load %arg6[%swap3A_715] {strides = array<i32>} : memref<13312xi32, #tpu.memory_space<vmem>>, vector<16xi32>,
      tpu.vector_store %arg6[%swap3A_715], %add3A_712 {strides = array<i32>} : memref<13312xi32, #tpu.memory_space<vmem>>, vector<16xi32>,
      %add3A_717 = arith.constant 1024 : i32
      %add3A_718 = arith.addi %add3A_717, %mul3A_693 : i32
      %get3A_719 = arith.index_cast %add3A_718 : i32 to index
      %get3A_720 = tpu.vector_load %arg5[%get3A_719] {strides = array<i32>} : memref<19968xf32, #tpu.memory_space<vmem>>, vector<16xf32>,
      %convert_element_type3A_721 = arith.fptosi %get3A_720 : vector<16xf32> to vector<16xi32>
      %add3A_722 = arith.constant 200192 : i32
      %add3A_723 = vector.broadcast %add3A_722 : i32 to vector<16xi32>
      %add3A_724 = arith.addi %convert_element_type3A_721, %add3A_723 : vector<16xi32>
      %add3A_725 = arith.constant 32 : i32
      %add3A_726 = arith.addi %mul3A_695, %add3A_725 : i32
      %swap3A_727 = arith.index_cast %add3A_726 : i32 to index
      %swap3A_728 = tpu.vector_load %arg6[%swap3A_727] {strides = array<i32>} : memref<13312xi32, #tpu.memory_space<vmem>>, vector<16xi32>,
      tpu.vector_store %arg6[%swap3A_727], %add3A_724 {strides = array<i32>} : memref<13312xi32, #tpu.memory_space<vmem>>, vector<16xi32>,
      %add3A_729 = arith.constant 1536 : i32
      %add3A_730 = arith.addi %add3A_729, %mul3A_693 : i32
      %get3A_731 = arith.index_cast %add3A_730 : i32 to index
      %get3A_732 = tpu.vector_load %arg5[%get3A_731] {strides = array<i32>} : memref<19968xf32, #tpu.memory_space<vmem>>, vector<16xf32>,
      %convert_element_type3A_733 = arith.fptosi %get3A_732 : vector<16xf32> to vector<16xi32>
      %add3A_734 = arith.constant 300288 : i32
      %add3A_735 = vector.broadcast %add3A_734 : i32 to vector<16xi32>
      %add3A_736 = arith.addi %convert_element_type3A_733, %add3A_735 : vector<16xi32>
      %add3A_737 = arith.constant 48 : i32
      %add3A_738 = arith.addi %mul3A_695, %add3A_737 : i32
      %swap3A_739 = arith.index_cast %add3A_738 : i32 to index
      %swap3A_740 = tpu.vector_load %arg6[%swap3A_739] {strides = array<i32>} : memref<13312xi32, #tpu.memory_space<vmem>>, vector<16xi32>,
      tpu.vector_store %arg6[%swap3A_739], %add3A_736 {strides = array<i32>} : memref<13312xi32, #tpu.memory_space<vmem>>, vector<16xi32>,
      %add3A_741 = arith.constant 2048 : i32
      %add3A_742 = arith.addi %add3A_741, %mul3A_693 : i32
      %get3A_743 = arith.index_cast %add3A_742 : i32 to index
      %get3A_744 = tpu.vector_load %arg5[%get3A_743] {strides = array<i32>} : memref<19968xf32, #tpu.memory_space<vmem>>, vector<16xf32>,
      %convert_element_type3A_745 = arith.fptosi %get3A_744 : vector<16xf32> to vector<16xi32>
      %add3A_746 = arith.constant 400384 : i32
      %add3A_747 = vector.broadcast %add3A_746 : i32 to vector<16xi32>
      %add3A_748 = arith.addi %convert_element_type3A_745, %add3A_747 : vector<16xi32>
      %add3A_749 = arith.constant 64 : i32
      %add3A_750 = arith.addi %mul3A_695, %add3A_749 : i32
      %swap3A_751 = arith.index_cast %add3A_750 : i32 to index
      %swap3A_752 = tpu.vector_load %arg6[%swap3A_751] {strides = array<i32>} : memref<13312xi32, #tpu.memory_space<vmem>>, vector<16xi32>,
      tpu.vector_store %arg6[%swap3A_751], %add3A_748 {strides = array<i32>} : memref<13312xi32, #tpu.memory_space<vmem>>, vector<16xi32>,
      %add3A_753 = arith.constant 2560 : i32
      %add3A_754 = arith.addi %add3A_753, %mul3A_693 : i32
      %get3A_755 = arith.index_cast %add3A_754 : i32 to index
      %get3A_756 = tpu.vector_load %arg5[%get3A_755] {strides = array<i32>} : memref<19968xf32, #tpu.memory_space<vmem>>, vector<16xf32>,
      %convert_element_type3A_757 = arith.fptosi %get3A_756 : vector<16xf32> to vector<16xi32>
      %add3A_758 = arith.constant 500480 : i32
      %add3A_759 = vector.broadcast %add3A_758 : i32 to vector<16xi32>
      %add3A_760 = arith.addi %convert_element_type3A_757, %add3A_759 : vector<16xi32>
      %add3A_761 = arith.constant 80 : i32
      %add3A_762 = arith.addi %mul3A_695, %add3A_761 : i32
      %swap3A_763 = arith.index_cast %add3A_762 : i32 to index
      %swap3A_764 = tpu.vector_load %arg6[%swap3A_763] {strides = array<i32>} : memref<13312xi32, #tpu.memory_space<vmem>>, vector<16xi32>,
      tpu.vector_store %arg6[%swap3A_763], %add3A_760 {strides = array<i32>} : memref<13312xi32, #tpu.memory_space<vmem>>, vector<16xi32>,
      %add3A_765 = arith.constant 3072 : i32
      %add3A_766 = arith.addi %add3A_765, %mul3A_693 : i32
      %get3A_767 = arith.index_cast %add3A_766 : i32 to index
      %get3A_768 = tpu.vector_load %arg5[%get3A_767] {strides = array<i32>} : memref<19968xf32, #tpu.memory_space<vmem>>, vector<16xf32>,
      %convert_element_type3A_769 = arith.fptosi %get3A_768 : vector<16xf32> to vector<16xi32>
      %add3A_770 = arith.constant 600576 : i32
      %add3A_771 = vector.broadcast %add3A_770 : i32 to vector<16xi32>
      %add3A_772 = arith.addi %convert_element_type3A_769, %add3A_771 : vector<16xi32>
      %add3A_773 = arith.constant 96 : i32
      %add3A_774 = arith.addi %mul3A_695, %add3A_773 : i32
      %swap3A_775 = arith.index_cast %add3A_774 : i32 to index
      %swap3A_776 = tpu.vector_load %arg6[%swap3A_775] {strides = array<i32>} : memref<13312xi32, #tpu.memory_space<vmem>>, vector<16xi32>,
      tpu.vector_store %arg6[%swap3A_775], %add3A_772 {strides = array<i32>} : memref<13312xi32, #tpu.memory_space<vmem>>, vector<16xi32>,
      %add3A_777 = arith.constant 3584 : i32
      %add3A_778 = arith.addi %add3A_777, %mul3A_693 : i32
      %get3A_779 = arith.index_cast %add3A_778 : i32 to index
      %get3A_780 = tpu.vector_load %arg5[%get3A_779] {strides = array<i32>} : memref<19968xf32, #tpu.memory_space<vmem>>, vector<16xf32>,
      %convert_element_type3A_781 = arith.fptosi %get3A_780 : vector<16xf32> to vector<16xi32>
      %add3A_782 = arith.constant 700672 : i32
      %add3A_783 = vector.broadcast %add3A_782 : i32 to vector<16xi32>
      %add3A_784 = arith.addi %convert_element_type3A_781, %add3A_783 : vector<16xi32>
      %add3A_785 = arith.constant 112 : i32
      %add3A_786 = arith.addi %mul3A_695, %add3A_785 : i32
      %swap3A_787 = arith.index_cast %add3A_786 : i32 to index
      %swap3A_788 = tpu.vector_load %arg6[%swap3A_787] {strides = array<i32>} : memref<13312xi32, #tpu.memory_space<vmem>>, vector<16xi32>,
      tpu.vector_store %arg6[%swap3A_787], %add3A_784 {strides = array<i32>} : memref<13312xi32, #tpu.memory_space<vmem>>, vector<16xi32>,
      %add3A_789 = arith.constant 4096 : i32
      %add3A_790 = arith.addi %add3A_789, %mul3A_693 : i32
      %get3A_791 = arith.index_cast %add3A_790 : i32 to index
      %get3A_792 = tpu.vector_load %arg5[%get3A_791] {strides = array<i32>} : memref<19968xf32, #tpu.memory_space<vmem>>, vector<16xf32>,
      %convert_element_type3A_793 = arith.fptosi %get3A_792 : vector<16xf32> to vector<16xi32>
      %add3A_794 = arith.constant 800768 : i32
      %add3A_795 = vector.broadcast %add3A_794 : i32 to vector<16xi32>
      %add3A_796 = arith.addi %convert_element_type3A_793, %add3A_795 : vector<16xi32>
      %add3A_797 = arith.constant 128 : i32
      %add3A_798 = arith.addi %mul3A_695, %add3A_797 : i32
      %swap3A_799 = arith.index_cast %add3A_798 : i32 to index
      %swap3A_800 = tpu.vector_load %arg6[%swap3A_799] {strides = array<i32>} : memref<13312xi32, #tpu.memory_space<vmem>>, vector<16xi32>,
      tpu.vector_store %arg6[%swap3A_799], %add3A_796 {strides = array<i32>} : memref<13312xi32, #tpu.memory_space<vmem>>, vector<16xi32>,
      %add3A_801 = arith.constant 4608 : i32
      %add3A_802 = arith.addi %add3A_801, %mul3A_693 : i32
      %get3A_803 = arith.index_cast %add3A_802 : i32 to index
      %get3A_804 = tpu.vector_load %arg5[%get3A_803] {strides = array<i32>} : memref<19968xf32, #tpu.memory_space<vmem>>, vector<16xf32>,
      %convert_element_type3A_805 = arith.fptosi %get3A_804 : vector<16xf32> to vector<16xi32>
      %add3A_806 = arith.constant 900864 : i32
      %add3A_807 = vector.broadcast %add3A_806 : i32 to vector<16xi32>
      %add3A_808 = arith.addi %convert_element_type3A_805, %add3A_807 : vector<16xi32>
      %add3A_809 = arith.constant 144 : i32
      %add3A_810 = arith.addi %mul3A_695, %add3A_809 : i32
      %swap3A_811 = arith.index_cast %add3A_810 : i32 to index
      %swap3A_812 = tpu.vector_load %arg6[%swap3A_811] {strides = array<i32>} : memref<13312xi32, #tpu.memory_space<vmem>>, vector<16xi32>,
      tpu.vector_store %arg6[%swap3A_811], %add3A_808 {strides = array<i32>} : memref<13312xi32, #tpu.memory_space<vmem>>, vector<16xi32>,
      %add3A_813 = arith.constant 5120 : i32
      %add3A_814 = arith.addi %add3A_813, %mul3A_693 : i32
      %get3A_815 = arith.index_cast %add3A_814 : i32 to index
      %get3A_816 = tpu.vector_load %arg5[%get3A_815] {strides = array<i32>} : memref<19968xf32, #tpu.memory_space<vmem>>, vector<16xf32>,
      %convert_element_type3A_817 = arith.fptosi %get3A_816 : vector<16xf32> to vector<16xi32>
      %add3A_818 = arith.constant 1000960 : i32
      %add3A_819 = vector.broadcast %add3A_818 : i32 to vector<16xi32>
      %add3A_820 = arith.addi %convert_element_type3A_817, %add3A_819 : vector<16xi32>
      %add3A_821 = arith.constant 160 : i32
      %add3A_822 = arith.addi %mul3A_695, %add3A_821 : i32
      %swap3A_823 = arith.index_cast %add3A_822 : i32 to index
      %swap3A_824 = tpu.vector_load %arg6[%swap3A_823] {strides = array<i32>} : memref<13312xi32, #tpu.memory_space<vmem>>, vector<16xi32>,
      tpu.vector_store %arg6[%swap3A_823], %add3A_820 {strides = array<i32>} : memref<13312xi32, #tpu.memory_space<vmem>>, vector<16xi32>,
      %add3A_825 = arith.constant 5632 : i32
      %add3A_826 = arith.addi %add3A_825, %mul3A_693 : i32
      %get3A_827 = arith.index_cast %add3A_826 : i32 to index
      %get3A_828 = tpu.vector_load %arg5[%get3A_827] {strides = array<i32>} : memref<19968xf32, #tpu.memory_space<vmem>>, vector<16xf32>,
      %convert_element_type3A_829 = arith.fptosi %get3A_828 : vector<16xf32> to vector<16xi32>
      %add3A_830 = arith.constant 1101056 : i32
      %add3A_831 = vector.broadcast %add3A_830 : i32 to vector<16xi32>
      %add3A_832 = arith.addi %convert_element_type3A_829, %add3A_831 : vector<16xi32>
      %add3A_833 = arith.constant 176 : i32
      %add3A_834 = arith.addi %mul3A_695, %add3A_833 : i32
      %swap3A_835 = arith.index_cast %add3A_834 : i32 to index
      %swap3A_836 = tpu.vector_load %arg6[%swap3A_835] {strides = array<i32>} : memref<13312xi32, #tpu.memory_space<vmem>>, vector<16xi32>,
      tpu.vector_store %arg6[%swap3A_835], %add3A_832 {strides = array<i32>} : memref<13312xi32, #tpu.memory_space<vmem>>, vector<16xi32>,
      %add3A_837 = arith.constant 6144 : i32
      %add3A_838 = arith.addi %add3A_837, %mul3A_693 : i32
      %get3A_839 = arith.index_cast %add3A_838 : i32 to index
      %get3A_840 = tpu.vector_load %arg5[%get3A_839] {strides = array<i32>} : memref<19968xf32, #tpu.memory_space<vmem>>, vector<16xf32>,
      %convert_element_type3A_841 = arith.fptosi %get3A_840 : vector<16xf32> to vector<16xi32>
      %add3A_842 = arith.constant 1201152 : i32
      %add3A_843 = vector.broadcast %add3A_842 : i32 to vector<16xi32>
      %add3A_844 = arith.addi %convert_element_type3A_841, %add3A_843 : vector<16xi32>
      %add3A_845 = arith.constant 192 : i32
      %add3A_846 = arith.addi %mul3A_695, %add3A_845 : i32
      %swap3A_847 = arith.index_cast %add3A_846 : i32 to index
      %swap3A_848 = tpu.vector_load %arg6[%swap3A_847] {strides = array<i32>} : memref<13312xi32, #tpu.memory_space<vmem>>, vector<16xi32>,
      tpu.vector_store %arg6[%swap3A_847], %add3A_844 {strides = array<i32>} : memref<13312xi32, #tpu.memory_space<vmem>>, vector<16xi32>,
      %add3A_849 = arith.constant 6656 : i32
      %add3A_850 = arith.addi %add3A_849, %mul3A_693 : i32
      %get3A_851 = arith.index_cast %add3A_850 : i32 to index
      %get3A_852 = tpu.vector_load %arg5[%get3A_851] {strides = array<i32>} : memref<19968xf32, #tpu.memory_space<vmem>>, vector<16xf32>,
      %convert_element_type3A_853 = arith.fptosi %get3A_852 : vector<16xf32> to vector<16xi32>
      %add3A_854 = arith.constant 1301248 : i32
      %add3A_855 = vector.broadcast %add3A_854 : i32 to vector<16xi32>
      %add3A_856 = arith.addi %convert_element_type3A_853, %add3A_855 : vector<16xi32>
      %add3A_857 = arith.constant 208 : i32
      %add3A_858 = arith.addi %mul3A_695, %add3A_857 : i32
      %swap3A_859 = arith.index_cast %add3A_858 : i32 to index
      %swap3A_860 = tpu.vector_load %arg6[%swap3A_859] {strides = array<i32>} : memref<13312xi32, #tpu.memory_space<vmem>>, vector<16xi32>,
      tpu.vector_store %arg6[%swap3A_859], %add3A_856 {strides = array<i32>} : memref<13312xi32, #tpu.memory_space<vmem>>, vector<16xi32>,
      %add3A_861 = arith.constant 7168 : i32
      %add3A_862 = arith.addi %add3A_861, %mul3A_693 : i32
      %get3A_863 = arith.index_cast %add3A_862 : i32 to index
      %get3A_864 = tpu.vector_load %arg5[%get3A_863] {strides = array<i32>} : memref<19968xf32, #tpu.memory_space<vmem>>, vector<16xf32>,
      %convert_element_type3A_865 = arith.fptosi %get3A_864 : vector<16xf32> to vector<16xi32>
      %add3A_866 = arith.constant 1401344 : i32
      %add3A_867 = vector.broadcast %add3A_866 : i32 to vector<16xi32>
      %add3A_868 = arith.addi %convert_element_type3A_865, %add3A_867 : vector<16xi32>
      %add3A_869 = arith.constant 224 : i32
      %add3A_870 = arith.addi %mul3A_695, %add3A_869 : i32
      %swap3A_871 = arith.index_cast %add3A_870 : i32 to index
      %swap3A_872 = tpu.vector_load %arg6[%swap3A_871] {strides = array<i32>} : memref<13312xi32, #tpu.memory_space<vmem>>, vector<16xi32>,
      tpu.vector_store %arg6[%swap3A_871], %add3A_868 {strides = array<i32>} : memref<13312xi32, #tpu.memory_space<vmem>>, vector<16xi32>,
      %add3A_873 = arith.constant 7680 : i32
      %add3A_874 = arith.addi %add3A_873, %mul3A_693 : i32
      %get3A_875 = arith.index_cast %add3A_874 : i32 to index
      %get3A_876 = tpu.vector_load %arg5[%get3A_875] {strides = array<i32>} : memref<19968xf32, #tpu.memory_space<vmem>>, vector<16xf32>,
      %convert_element_type3A_877 = arith.fptosi %get3A_876 : vector<16xf32> to vector<16xi32>
      %add3A_878 = arith.constant 1501440 : i32
      %add3A_879 = vector.broadcast %add3A_878 : i32 to vector<16xi32>
      %add3A_880 = arith.addi %convert_element_type3A_877, %add3A_879 : vector<16xi32>
      %add3A_881 = arith.constant 240 : i32
      %add3A_882 = arith.addi %mul3A_695, %add3A_881 : i32
      %swap3A_883 = arith.index_cast %add3A_882 : i32 to index
      %swap3A_884 = tpu.vector_load %arg6[%swap3A_883] {strides = array<i32>} : memref<13312xi32, #tpu.memory_space<vmem>>, vector<16xi32>,
      tpu.vector_store %arg6[%swap3A_883], %add3A_880 {strides = array<i32>} : memref<13312xi32, #tpu.memory_space<vmem>>, vector<16xi32>,
      %add3A_885 = arith.constant 8192 : i32
      %add3A_886 = arith.addi %add3A_885, %mul3A_693 : i32
      %get3A_887 = arith.index_cast %add3A_886 : i32 to index
      %get3A_888 = tpu.vector_load %arg5[%get3A_887] {strides = array<i32>} : memref<19968xf32, #tpu.memory_space<vmem>>, vector<16xf32>,
      %convert_element_type3A_889 = arith.fptosi %get3A_888 : vector<16xf32> to vector<16xi32>
      %add3A_890 = arith.constant 1601536 : i32
      %add3A_891 = vector.broadcast %add3A_890 : i32 to vector<16xi32>
      %add3A_892 = arith.addi %convert_element_type3A_889, %add3A_891 : vector<16xi32>
      %add3A_893 = arith.constant 256 : i32
      %add3A_894 = arith.addi %mul3A_695, %add3A_893 : i32
      %swap3A_895 = arith.index_cast %add3A_894 : i32 to index
      %swap3A_896 = tpu.vector_load %arg6[%swap3A_895] {strides = array<i32>} : memref<13312xi32, #tpu.memory_space<vmem>>, vector<16xi32>,
      tpu.vector_store %arg6[%swap3A_895], %add3A_892 {strides = array<i32>} : memref<13312xi32, #tpu.memory_space<vmem>>, vector<16xi32>,
      %add3A_897 = arith.constant 8704 : i32
      %add3A_898 = arith.addi %add3A_897, %mul3A_693 : i32
      %get3A_899 = arith.index_cast %add3A_898 : i32 to index
      %get3A_900 = tpu.vector_load %arg5[%get3A_899] {strides = array<i32>} : memref<19968xf32, #tpu.memory_space<vmem>>, vector<16xf32>,
      %convert_element_type3A_901 = arith.fptosi %get3A_900 : vector<16xf32> to vector<16xi32>
      %add3A_902 = arith.constant 1701632 : i32
      %add3A_903 = vector.broadcast %add3A_902 : i32 to vector<16xi32>
      %add3A_904 = arith.addi %convert_element_type3A_901, %add3A_903 : vector<16xi32>
      %add3A_905 = arith.constant 272 : i32
      %add3A_906 = arith.addi %mul3A_695, %add3A_905 : i32
      %swap3A_907 = arith.index_cast %add3A_906 : i32 to index
      %swap3A_908 = tpu.vector_load %arg6[%swap3A_907] {strides = array<i32>} : memref<13312xi32, #tpu.memory_space<vmem>>, vector<16xi32>,
      tpu.vector_store %arg6[%swap3A_907], %add3A_904 {strides = array<i32>} : memref<13312xi32, #tpu.memory_space<vmem>>, vector<16xi32>,
      %add3A_909 = arith.constant 9216 : i32
      %add3A_910 = arith.addi %add3A_909, %mul3A_693 : i32
      %get3A_911 = arith.index_cast %add3A_910 : i32 to index
      %get3A_912 = tpu.vector_load %arg5[%get3A_911] {strides = array<i32>} : memref<19968xf32, #tpu.memory_space<vmem>>, vector<16xf32>,
      %convert_element_type3A_913 = arith.fptosi %get3A_912 : vector<16xf32> to vector<16xi32>
      %add3A_914 = arith.constant 1801728 : i32
      %add3A_915 = vector.broadcast %add3A_914 : i32 to vector<16xi32>
      %add3A_916 = arith.addi %convert_element_type3A_913, %add3A_915 : vector<16xi32>
      %add3A_917 = arith.constant 288 : i32
      %add3A_918 = arith.addi %mul3A_695, %add3A_917 : i32
      %swap3A_919 = arith.index_cast %add3A_918 : i32 to index
      %swap3A_920 = tpu.vector_load %arg6[%swap3A_919] {strides = array<i32>} : memref<13312xi32, #tpu.memory_space<vmem>>, vector<16xi32>,
      tpu.vector_store %arg6[%swap3A_919], %add3A_916 {strides = array<i32>} : memref<13312xi32, #tpu.memory_space<vmem>>, vector<16xi32>,
      %add3A_921 = arith.constant 9728 : i32
      %add3A_922 = arith.addi %add3A_921, %mul3A_693 : i32
      %get3A_923 = arith.index_cast %add3A_922 : i32 to index
      %get3A_924 = tpu.vector_load %arg5[%get3A_923] {strides = array<i32>} : memref<19968xf32, #tpu.memory_space<vmem>>, vector<16xf32>,
      %convert_element_type3A_925 = arith.fptosi %get3A_924 : vector<16xf32> to vector<16xi32>
      %add3A_926 = arith.constant 1901824 : i32
      %add3A_927 = vector.broadcast %add3A_926 : i32 to vector<16xi32>
      %add3A_928 = arith.addi %convert_element_type3A_925, %add3A_927 : vector<16xi32>
      %add3A_929 = arith.constant 304 : i32
      %add3A_930 = arith.addi %mul3A_695, %add3A_929 : i32
      %swap3A_931 = arith.index_cast %add3A_930 : i32 to index
      %swap3A_932 = tpu.vector_load %arg6[%swap3A_931] {strides = array<i32>} : memref<13312xi32, #tpu.memory_space<vmem>>, vector<16xi32>,
      tpu.vector_store %arg6[%swap3A_931], %add3A_928 {strides = array<i32>} : memref<13312xi32, #tpu.memory_space<vmem>>, vector<16xi32>,
      %add3A_933 = arith.constant 10240 : i32
      %add3A_934 = arith.addi %add3A_933, %mul3A_693 : i32
      %get3A_935 = arith.index_cast %add3A_934 : i32 to index
      %get3A_936 = tpu.vector_load %arg5[%get3A_935] {strides = array<i32>} : memref<19968xf32, #tpu.memory_space<vmem>>, vector<16xf32>,
      %convert_element_type3A_937 = arith.fptosi %get3A_936 : vector<16xf32> to vector<16xi32>
      %add3A_938 = arith.constant 2001920 : i32
      %add3A_939 = vector.broadcast %add3A_938 : i32 to vector<16xi32>
      %add3A_940 = arith.addi %convert_element_type3A_937, %add3A_939 : vector<16xi32>
      %add3A_941 = arith.constant 320 : i32
      %add3A_942 = arith.addi %mul3A_695, %add3A_941 : i32
      %swap3A_943 = arith.index_cast %add3A_942 : i32 to index
      %swap3A_944 = tpu.vector_load %arg6[%swap3A_943] {strides = array<i32>} : memref<13312xi32, #tpu.memory_space<vmem>>, vector<16xi32>,
      tpu.vector_store %arg6[%swap3A_943], %add3A_940 {strides = array<i32>} : memref<13312xi32, #tpu.memory_space<vmem>>, vector<16xi32>,
      %add3A_945 = arith.constant 10752 : i32
      %add3A_946 = arith.addi %add3A_945, %mul3A_693 : i32
      %get3A_947 = arith.index_cast %add3A_946 : i32 to index
      %get3A_948 = tpu.vector_load %arg5[%get3A_947] {strides = array<i32>} : memref<19968xf32, #tpu.memory_space<vmem>>, vector<16xf32>,
      %convert_element_type3A_949 = arith.fptosi %get3A_948 : vector<16xf32> to vector<16xi32>
      %add3A_950 = arith.constant 2102016 : i32
      %add3A_951 = vector.broadcast %add3A_950 : i32 to vector<16xi32>
      %add3A_952 = arith.addi %convert_element_type3A_949, %add3A_951 : vector<16xi32>
      %add3A_953 = arith.constant 336 : i32
      %add3A_954 = arith.addi %mul3A_695, %add3A_953 : i32
      %swap3A_955 = arith.index_cast %add3A_954 : i32 to index
      %swap3A_956 = tpu.vector_load %arg6[%swap3A_955] {strides = array<i32>} : memref<13312xi32, #tpu.memory_space<vmem>>, vector<16xi32>,
      tpu.vector_store %arg6[%swap3A_955], %add3A_952 {strides = array<i32>} : memref<13312xi32, #tpu.memory_space<vmem>>, vector<16xi32>,
      %add3A_957 = arith.constant 11264 : i32
      %add3A_958 = arith.addi %add3A_957, %mul3A_693 : i32
      %get3A_959 = arith.index_cast %add3A_958 : i32 to index
      %get3A_960 = tpu.vector_load %arg5[%get3A_959] {strides = array<i32>} : memref<19968xf32, #tpu.memory_space<vmem>>, vector<16xf32>,
      %convert_element_type3A_961 = arith.fptosi %get3A_960 : vector<16xf32> to vector<16xi32>
      %add3A_962 = arith.constant 2202112 : i32
      %add3A_963 = vector.broadcast %add3A_962 : i32 to vector<16xi32>
      %add3A_964 = arith.addi %convert_element_type3A_961, %add3A_963 : vector<16xi32>
      %add3A_965 = arith.constant 352 : i32
      %add3A_966 = arith.addi %mul3A_695, %add3A_965 : i32
      %swap3A_967 = arith.index_cast %add3A_966 : i32 to index
      %swap3A_968 = tpu.vector_load %arg6[%swap3A_967] {strides = array<i32>} : memref<13312xi32, #tpu.memory_space<vmem>>, vector<16xi32>,
      tpu.vector_store %arg6[%swap3A_967], %add3A_964 {strides = array<i32>} : memref<13312xi32, #tpu.memory_space<vmem>>, vector<16xi32>,
      %add3A_969 = arith.constant 11776 : i32
      %add3A_970 = arith.addi %add3A_969, %mul3A_693 : i32
      %get3A_971 = arith.index_cast %add3A_970 : i32 to index
      %get3A_972 = tpu.vector_load %arg5[%get3A_971] {strides = array<i32>} : memref<19968xf32, #tpu.memory_space<vmem>>, vector<16xf32>,
      %convert_element_type3A_973 = arith.fptosi %get3A_972 : vector<16xf32> to vector<16xi32>
      %add3A_974 = arith.constant 2302208 : i32
      %add3A_975 = vector.broadcast %add3A_974 : i32 to vector<16xi32>
      %add3A_976 = arith.addi %convert_element_type3A_973, %add3A_975 : vector<16xi32>
      %add3A_977 = arith.constant 368 : i32
      %add3A_978 = arith.addi %mul3A_695, %add3A_977 : i32
      %swap3A_979 = arith.index_cast %add3A_978 : i32 to index
      %swap3A_980 = tpu.vector_load %arg6[%swap3A_979] {strides = array<i32>} : memref<13312xi32, #tpu.memory_space<vmem>>, vector<16xi32>,
      tpu.vector_store %arg6[%swap3A_979], %add3A_976 {strides = array<i32>} : memref<13312xi32, #tpu.memory_space<vmem>>, vector<16xi32>,
      %add3A_981 = arith.constant 12288 : i32
      %add3A_982 = arith.addi %add3A_981, %mul3A_693 : i32
      %get3A_983 = arith.index_cast %add3A_982 : i32 to index
      %get3A_984 = tpu.vector_load %arg5[%get3A_983] {strides = array<i32>} : memref<19968xf32, #tpu.memory_space<vmem>>, vector<16xf32>,
      %convert_element_type3A_985 = arith.fptosi %get3A_984 : vector<16xf32> to vector<16xi32>
      %add3A_986 = arith.constant 2402304 : i32
      %add3A_987 = vector.broadcast %add3A_986 : i32 to vector<16xi32>
      %add3A_988 = arith.addi %convert_element_type3A_985, %add3A_987 : vector<16xi32>
      %add3A_989 = arith.constant 384 : i32
      %add3A_990 = arith.addi %mul3A_695, %add3A_989 : i32
      %swap3A_991 = arith.index_cast %add3A_990 : i32 to index
      %swap3A_992 = tpu.vector_load %arg6[%swap3A_991] {strides = array<i32>} : memref<13312xi32, #tpu.memory_space<vmem>>, vector<16xi32>,
      tpu.vector_store %arg6[%swap3A_991], %add3A_988 {strides = array<i32>} : memref<13312xi32, #tpu.memory_space<vmem>>, vector<16xi32>,
      %add3A_993 = arith.constant 12800 : i32
      %add3A_994 = arith.addi %add3A_993, %mul3A_693 : i32
      %get3A_995 = arith.index_cast %add3A_994 : i32 to index
      %get3A_996 = tpu.vector_load %arg5[%get3A_995] {strides = array<i32>} : memref<19968xf32, #tpu.memory_space<vmem>>, vector<16xf32>,
      %convert_element_type3A_997 = arith.fptosi %get3A_996 : vector<16xf32> to vector<16xi32>
      %add3A_998 = arith.constant 2502400 : i32
      %add3A_999 = vector.broadcast %add3A_998 : i32 to vector<16xi32>
      %add3A_1000 = arith.addi %convert_element_type3A_997, %add3A_999 : vector<16xi32>
      %add3A_1001 = arith.constant 400 : i32
      %add3A_1002 = arith.addi %mul3A_695, %add3A_1001 : i32
      %swap3A_1003 = arith.index_cast %add3A_1002 : i32 to index
      %swap3A_1004 = tpu.vector_load %arg6[%swap3A_1003] {strides = array<i32>} : memref<13312xi32, #tpu.memory_space<vmem>>, vector<16xi32>,
      tpu.vector_store %arg6[%swap3A_1003], %add3A_1000 {strides = array<i32>} : memref<13312xi32, #tpu.memory_space<vmem>>, vector<16xi32>,
      %jit3A = arith.constant 8 : i32
      %eq3A = arith.constant 0 : i32
      %eq3A_1005 = arith.cmpi eq, %jit3A, %eq3A : i32
      %jit3A_1006 = arith.constant 1 : i32
      %select_n3A = arith.select %eq3A_1005, %jit3A_1006, %jit3A : i32
      %rem3A = arith.remsi %scan3A_690, %select_n3A : i32
      %ne3A = arith.constant 0 : i32
      %ne3A_1007 = arith.cmpi ne, %rem3A, %ne3A : i32
      %lt3A = arith.constant 0 : i32
      %lt3A_1008 = arith.cmpi slt, %rem3A, %lt3A : i32
      %lt3A_1009 = arith.constant 0 : i32
      %lt3A_1010 = arith.cmpi slt, %select_n3A, %lt3A_1009 : i32
      %ne3A_1011 = arith.xori %lt3A_1008, %lt3A_1010 : i1
      %and3A = arith.andi %ne3A_1011, %ne3A_1007 : i1
      %add3A_1012 = arith.addi %rem3A, %select_n3A : i32
      %select_n3A_1013 = arith.select %and3A, %add3A_1012, %rem3A : i32
      %eq3A_1014 = arith.constant 7 : i32
      %eq3A_1015 = arith.cmpi eq, %select_n3A_1013, %eq3A_1014 : i32
      %convert_element_type3A_1016 = arith.extui %eq3A_1015 : i1 to i32
      %cond3A = arith.constant 0 : i32
      %cond3A_1017 = arith.cmpi ne, %convert_element_type3A_1016, %cond3A : i32
      scf.if %cond3A_1017 {
        %jit3A_1019 = arith.constant 8 : i32
        %div3A = arith.divsi %scan3A_690, %jit3A_1019 : i32
        %sign3A = arith.constant 0 : i32
        %sign3A_1020 = arith.cmpi sgt, %scan3A_690, %sign3A : i32
        %sign3A_1021 = arith.extui %sign3A_1020 : i1 to i32
        %sign3A_1022 = arith.constant 0 : i32
        %sign3A_1023 = arith.cmpi slt, %scan3A_690, %sign3A_1022 : i32
        %sign3A_1024 = arith.extui %sign3A_1023 : i1 to i32
        %sign3A_1025 = arith.subi %sign3A_1021, %sign3A_1024 : i32
        %sign3A_1026 = arith.constant 0 : i32
        %sign3A_1027 = arith.cmpi sgt, %jit3A_1019, %sign3A_1026 : i32
        %sign3A_1028 = arith.extui %sign3A_1027 : i1 to i32
        %sign3A_1029 = arith.constant 0 : i32
        %sign3A_1030 = arith.cmpi slt, %jit3A_1019, %sign3A_1029 : i32
        %sign3A_1031 = arith.extui %sign3A_1030 : i1 to i32
        %sign3A_1032 = arith.subi %sign3A_1028, %sign3A_1031 : i32
        %ne3A_1033 = arith.cmpi ne, %sign3A_1025, %sign3A_1032 : i32
        %rem3A_1034 = arith.remsi %scan3A_690, %jit3A_1019 : i32
        %ne3A_1035 = arith.constant 0 : i32
        %ne3A_1036 = arith.cmpi ne, %rem3A_1034, %ne3A_1035 : i32
        %and3A_1037 = arith.andi %ne3A_1033, %ne3A_1036 : i1
        %sub3A = arith.constant 1 : i32
        %sub3A_1038 = arith.subi %div3A, %sub3A : i32
        %select_n3A_1039 = arith.select %and3A_1037, %sub3A_1038, %div3A : i32
        %mul3A_1040 = arith.constant 3328 : i32
        %mul3A_1041 = arith.muli %select_n3A_1039, %mul3A_1040 : i32
        %mul3A_1042 = arith.constant 3328 : i32
        %mul3A_1043 = arith.muli %select_n3A_1039, %mul3A_1042 : i32
        %dma_start3A_1044 = tpu.memref_slice %arg7[%mul3A_1043] : memref<13312xf32, #tpu.memory_space<vmem>> -> memref<3328xf32, #tpu.memory_space<vmem>>
        %dma_start3A_1045 = tpu.memref_slice %arg6[%mul3A_1041] : memref<13312xi32, #tpu.memory_space<vmem>> -> memref<3328xi32, #tpu.memory_space<vmem>>
        %dma_start3A_1046 = arith.constant 0 : i32
        %dma_start3A_1047 = tpu.memref_slice %arg3[%dma_start3A_1046] : memref<2602496xf32, #tpu.memory_space<hbm>> -> memref<2602496xf32, #tpu.memory_space<hbm>>
        tpu.enqueue_indirect_dma source(%dma_start3A_1047 : memref<2602496xf32, #tpu.memory_space<hbm>>) target(%dma_start3A_1044 : memref<3328xf32, #tpu.memory_space<vmem>>) offsets(%dma_start3A_1045 : memref<3328xi32, #tpu.memory_space<vmem>>) semaphore(%arg9 : memref<!tpu.dma_semaphore, #tpu.memory_space<semaphore_mem>>)
      } else {
      }
      %scan3A_1018 = arith.constant 0 : i32
      scf.yield %scan3A_1018 : i32
    }
    %scan3A_630 = arith.constant 32 : i32
    %scan3A_631 = arith.constant 0 : i32
    %scan3A_632 = arith.constant 0 : i32
    %scan3A_633 = arith.constant 32 : i32
    %scan3A_634 = arith.addi %scan3A_632, %scan3A_633 : i32
    %scan3A_635 = arith.constant 1 : i32
    %scan3A_636 = scf.for %scan3A_690 = %scan3A_632 to %scan3A_634 step %scan3A_635 iter_args(%scan3A_691 = %scan3A_631) -> (i32)  : i32 {
      %mul3A_692 = arith.constant 16 : i32
      %mul3A_693 = arith.muli %scan3A_690, %mul3A_692 : i32
      %add3A_694 = arith.constant 13312 : i32
      %add3A_695 = arith.addi %add3A_694, %mul3A_693 : i32
      %get3A = arith.index_cast %add3A_695 : i32 to index
      %get3A_696 = tpu.vector_load %arg5[%get3A] {strides = array<i32>} : memref<19968xf32, #tpu.memory_space<vmem>>, vector<16xf32>,
      %add3A_697 = arith.constant 13824 : i32
      %add3A_698 = arith.addi %add3A_697, %mul3A_693 : i32
      %get3A_699 = arith.index_cast %add3A_698 : i32 to index
      %get3A_700 = tpu.vector_load %arg5[%get3A_699] {strides = array<i32>} : memref<19968xf32, #tpu.memory_space<vmem>>, vector<16xf32>,
      %add3A_701 = arith.addf %get3A_696, %get3A_700 : vector<16xf32>
      %add3A_702 = arith.constant 14336 : i32
      %add3A_703 = arith.addi %add3A_702, %mul3A_693 : i32
      %get3A_704 = arith.index_cast %add3A_703 : i32 to index
      %get3A_705 = tpu.vector_load %arg5[%get3A_704] {strides = array<i32>} : memref<19968xf32, #tpu.memory_space<vmem>>, vector<16xf32>,
      %add3A_706 = arith.addf %add3A_701, %get3A_705 : vector<16xf32>
      %add3A_707 = arith.constant 14848 : i32
      %add3A_708 = arith.addi %add3A_707, %mul3A_693 : i32
      %get3A_709 = arith.index_cast %add3A_708 : i32 to index
      %get3A_710 = tpu.vector_load %arg5[%get3A_709] {strides = array<i32>} : memref<19968xf32, #tpu.memory_space<vmem>>, vector<16xf32>,
      %add3A_711 = arith.addf %add3A_706, %get3A_710 : vector<16xf32>
      %add3A_712 = arith.constant 15360 : i32
      %add3A_713 = arith.addi %add3A_712, %mul3A_693 : i32
      %get3A_714 = arith.index_cast %add3A_713 : i32 to index
      %get3A_715 = tpu.vector_load %arg5[%get3A_714] {strides = array<i32>} : memref<19968xf32, #tpu.memory_space<vmem>>, vector<16xf32>,
      %add3A_716 = arith.addf %add3A_711, %get3A_715 : vector<16xf32>
      %add3A_717 = arith.constant 15872 : i32
      %add3A_718 = arith.addi %add3A_717, %mul3A_693 : i32
      %get3A_719 = arith.index_cast %add3A_718 : i32 to index
      %get3A_720 = tpu.vector_load %arg5[%get3A_719] {strides = array<i32>} : memref<19968xf32, #tpu.memory_space<vmem>>, vector<16xf32>,
      %add3A_721 = arith.addf %add3A_716, %get3A_720 : vector<16xf32>
      %add3A_722 = arith.constant 16384 : i32
      %add3A_723 = arith.addi %add3A_722, %mul3A_693 : i32
      %get3A_724 = arith.index_cast %add3A_723 : i32 to index
      %get3A_725 = tpu.vector_load %arg5[%get3A_724] {strides = array<i32>} : memref<19968xf32, #tpu.memory_space<vmem>>, vector<16xf32>,
      %add3A_726 = arith.addf %add3A_721, %get3A_725 : vector<16xf32>
      %add3A_727 = arith.constant 16896 : i32
      %add3A_728 = arith.addi %add3A_727, %mul3A_693 : i32
      %get3A_729 = arith.index_cast %add3A_728 : i32 to index
      %get3A_730 = tpu.vector_load %arg5[%get3A_729] {strides = array<i32>} : memref<19968xf32, #tpu.memory_space<vmem>>, vector<16xf32>,
      %add3A_731 = arith.addf %add3A_726, %get3A_730 : vector<16xf32>
      %add3A_732 = arith.constant 17408 : i32
      %add3A_733 = arith.addi %add3A_732, %mul3A_693 : i32
      %get3A_734 = arith.index_cast %add3A_733 : i32 to index
      %get3A_735 = tpu.vector_load %arg5[%get3A_734] {strides = array<i32>} : memref<19968xf32, #tpu.memory_space<vmem>>, vector<16xf32>,
      %add3A_736 = arith.addf %add3A_731, %get3A_735 : vector<16xf32>
      %add3A_737 = arith.constant 17920 : i32
      %add3A_738 = arith.addi %add3A_737, %mul3A_693 : i32
      %get3A_739 = arith.index_cast %add3A_738 : i32 to index
      %get3A_740 = tpu.vector_load %arg5[%get3A_739] {strides = array<i32>} : memref<19968xf32, #tpu.memory_space<vmem>>, vector<16xf32>,
      %add3A_741 = arith.addf %add3A_736, %get3A_740 : vector<16xf32>
      %add3A_742 = arith.constant 18432 : i32
      %add3A_743 = arith.addi %add3A_742, %mul3A_693 : i32
      %get3A_744 = arith.index_cast %add3A_743 : i32 to index
      %get3A_745 = tpu.vector_load %arg5[%get3A_744] {strides = array<i32>} : memref<19968xf32, #tpu.memory_space<vmem>>, vector<16xf32>,
      %add3A_746 = arith.addf %add3A_741, %get3A_745 : vector<16xf32>
      %add3A_747 = arith.constant 18944 : i32
      %add3A_748 = arith.addi %add3A_747, %mul3A_693 : i32
      %get3A_749 = arith.index_cast %add3A_748 : i32 to index
      %get3A_750 = tpu.vector_load %arg5[%get3A_749] {strides = array<i32>} : memref<19968xf32, #tpu.memory_space<vmem>>, vector<16xf32>,
      %add3A_751 = arith.addf %add3A_746, %get3A_750 : vector<16xf32>
      %add3A_752 = arith.constant 19456 : i32
      %add3A_753 = arith.addi %add3A_752, %mul3A_693 : i32
      %get3A_754 = arith.index_cast %add3A_753 : i32 to index
      %get3A_755 = tpu.vector_load %arg5[%get3A_754] {strides = array<i32>} : memref<19968xf32, #tpu.memory_space<vmem>>, vector<16xf32>,
      %add3A_756 = arith.addf %add3A_751, %get3A_755 : vector<16xf32>
      %swap3A = arith.index_cast %mul3A_693 : i32 to index
      %swap3A_757 = tpu.vector_load %arg8[%swap3A] {strides = array<i32>} : memref<512xf32, #tpu.memory_space<vmem>>, vector<16xf32>,
      tpu.vector_store %arg8[%swap3A], %add3A_756 {strides = array<i32>} : memref<512xf32, #tpu.memory_space<vmem>>, vector<16xf32>,
      %scan3A_758 = arith.constant 0 : i32
      scf.yield %scan3A_758 : i32
    }
    %scan3A_637 = arith.constant 32 : i32
    %dma_wait3A_638 = arith.constant 0 : i32
    %dma_wait3A_639 = tpu.memref_slice %arg7[%dma_wait3A_638] : memref<13312xf32, #tpu.memory_space<vmem>> -> memref<3328xf32, #tpu.memory_space<vmem>>
    %dma_wait3A_640 = arith.constant 0 : i32
    %dma_wait3A_641 = tpu.memref_slice %arg6[%dma_wait3A_640] : memref<13312xi32, #tpu.memory_space<vmem>> -> memref<3328xi32, #tpu.memory_space<vmem>>
    %dma_wait3A_642 = arith.constant 0 : i32
    %dma_wait3A_643 = tpu.memref_slice %arg3[%dma_wait3A_642] : memref<2602496xf32, #tpu.memory_space<hbm>> -> memref<2602496xf32, #tpu.memory_space<hbm>>
    tpu.wait_indirect_dma semaphore(%arg9 : memref<!tpu.dma_semaphore, #tpu.memory_space<semaphore_mem>>) src(%dma_wait3A_643 : memref<2602496xf32, #tpu.memory_space<hbm>>) dst(%dma_wait3A_639 : memref<3328xf32, #tpu.memory_space<vmem>>)
    %scan3A_644 = arith.constant 0 : i32
    %scan3A_645 = arith.constant 0 : i32
    %scan3A_646 = arith.constant 8 : i32
    %scan3A_647 = arith.addi %scan3A_645, %scan3A_646 : i32
    %scan3A_648 = arith.constant 1 : i32
    %scan3A_649 = scf.for %scan3A_690 = %scan3A_645 to %scan3A_647 step %scan3A_648 iter_args(%scan3A_691 = %scan3A_644) -> (i32)  : i32 {
      %mul3A_692 = arith.constant 16 : i32
      %mul3A_693 = arith.muli %scan3A_690, %mul3A_692 : i32
      %mul3A_694 = arith.constant 416 : i32
      %mul3A_695 = arith.muli %scan3A_690, %mul3A_694 : i32
      %get3A = arith.index_cast %mul3A_693 : i32 to index
      %get3A_696 = tpu.vector_load %arg8[%get3A] {strides = array<i32>} : memref<512xf32, #tpu.memory_space<vmem>>, vector<16xf32>,
      %add3A_697 = arith.constant 0 : i32
      %add3A_698 = arith.addi %mul3A_695, %add3A_697 : i32
      %get3A_699 = arith.index_cast %add3A_698 : i32 to index
      %get3A_700 = tpu.vector_load %arg7[%get3A_699] {strides = array<i32>} : memref<13312xf32, #tpu.memory_space<vmem>>, vector<16xf32>,
      %add3A_701 = arith.addf %get3A_696, %get3A_700 : vector<16xf32>
      %add3A_702 = arith.constant 16 : i32
      %add3A_703 = arith.addi %mul3A_695, %add3A_702 : i32
      %get3A_704 = arith.index_cast %add3A_703 : i32 to index
      %get3A_705 = tpu.vector_load %arg7[%get3A_704] {strides = array<i32>} : memref<13312xf32, #tpu.memory_space<vmem>>, vector<16xf32>,
      %add3A_706 = arith.addf %add3A_701, %get3A_705 : vector<16xf32>
      %add3A_707 = arith.constant 32 : i32
      %add3A_708 = arith.addi %mul3A_695, %add3A_707 : i32
      %get3A_709 = arith.index_cast %add3A_708 : i32 to index
      %get3A_710 = tpu.vector_load %arg7[%get3A_709] {strides = array<i32>} : memref<13312xf32, #tpu.memory_space<vmem>>, vector<16xf32>,
      %add3A_711 = arith.addf %add3A_706, %get3A_710 : vector<16xf32>
      %add3A_712 = arith.constant 48 : i32
      %add3A_713 = arith.addi %mul3A_695, %add3A_712 : i32
      %get3A_714 = arith.index_cast %add3A_713 : i32 to index
      %get3A_715 = tpu.vector_load %arg7[%get3A_714] {strides = array<i32>} : memref<13312xf32, #tpu.memory_space<vmem>>, vector<16xf32>,
      %add3A_716 = arith.addf %add3A_711, %get3A_715 : vector<16xf32>
      %add3A_717 = arith.constant 64 : i32
      %add3A_718 = arith.addi %mul3A_695, %add3A_717 : i32
      %get3A_719 = arith.index_cast %add3A_718 : i32 to index
      %get3A_720 = tpu.vector_load %arg7[%get3A_719] {strides = array<i32>} : memref<13312xf32, #tpu.memory_space<vmem>>, vector<16xf32>,
      %add3A_721 = arith.addf %add3A_716, %get3A_720 : vector<16xf32>
      %add3A_722 = arith.constant 80 : i32
      %add3A_723 = arith.addi %mul3A_695, %add3A_722 : i32
      %get3A_724 = arith.index_cast %add3A_723 : i32 to index
      %get3A_725 = tpu.vector_load %arg7[%get3A_724] {strides = array<i32>} : memref<13312xf32, #tpu.memory_space<vmem>>, vector<16xf32>,
      %add3A_726 = arith.addf %add3A_721, %get3A_725 : vector<16xf32>
      %add3A_727 = arith.constant 96 : i32
      %add3A_728 = arith.addi %mul3A_695, %add3A_727 : i32
      %get3A_729 = arith.index_cast %add3A_728 : i32 to index
      %get3A_730 = tpu.vector_load %arg7[%get3A_729] {strides = array<i32>} : memref<13312xf32, #tpu.memory_space<vmem>>, vector<16xf32>,
      %add3A_731 = arith.addf %add3A_726, %get3A_730 : vector<16xf32>
      %add3A_732 = arith.constant 112 : i32
      %add3A_733 = arith.addi %mul3A_695, %add3A_732 : i32
      %get3A_734 = arith.index_cast %add3A_733 : i32 to index
      %get3A_735 = tpu.vector_load %arg7[%get3A_734] {strides = array<i32>} : memref<13312xf32, #tpu.memory_space<vmem>>, vector<16xf32>,
      %add3A_736 = arith.addf %add3A_731, %get3A_735 : vector<16xf32>
      %add3A_737 = arith.constant 128 : i32
      %add3A_738 = arith.addi %mul3A_695, %add3A_737 : i32
      %get3A_739 = arith.index_cast %add3A_738 : i32 to index
      %get3A_740 = tpu.vector_load %arg7[%get3A_739] {strides = array<i32>} : memref<13312xf32, #tpu.memory_space<vmem>>, vector<16xf32>,
      %add3A_741 = arith.addf %add3A_736, %get3A_740 : vector<16xf32>
      %add3A_742 = arith.constant 144 : i32
      %add3A_743 = arith.addi %mul3A_695, %add3A_742 : i32
      %get3A_744 = arith.index_cast %add3A_743 : i32 to index
      %get3A_745 = tpu.vector_load %arg7[%get3A_744] {strides = array<i32>} : memref<13312xf32, #tpu.memory_space<vmem>>, vector<16xf32>,
      %add3A_746 = arith.addf %add3A_741, %get3A_745 : vector<16xf32>
      %add3A_747 = arith.constant 160 : i32
      %add3A_748 = arith.addi %mul3A_695, %add3A_747 : i32
      %get3A_749 = arith.index_cast %add3A_748 : i32 to index
      %get3A_750 = tpu.vector_load %arg7[%get3A_749] {strides = array<i32>} : memref<13312xf32, #tpu.memory_space<vmem>>, vector<16xf32>,
      %add3A_751 = arith.addf %add3A_746, %get3A_750 : vector<16xf32>
      %add3A_752 = arith.constant 176 : i32
      %add3A_753 = arith.addi %mul3A_695, %add3A_752 : i32
      %get3A_754 = arith.index_cast %add3A_753 : i32 to index
      %get3A_755 = tpu.vector_load %arg7[%get3A_754] {strides = array<i32>} : memref<13312xf32, #tpu.memory_space<vmem>>, vector<16xf32>,
      %add3A_756 = arith.addf %add3A_751, %get3A_755 : vector<16xf32>
      %add3A_757 = arith.constant 192 : i32
      %add3A_758 = arith.addi %mul3A_695, %add3A_757 : i32
      %get3A_759 = arith.index_cast %add3A_758 : i32 to index
      %get3A_760 = tpu.vector_load %arg7[%get3A_759] {strides = array<i32>} : memref<13312xf32, #tpu.memory_space<vmem>>, vector<16xf32>,
      %add3A_761 = arith.addf %add3A_756, %get3A_760 : vector<16xf32>
      %add3A_762 = arith.constant 208 : i32
      %add3A_763 = arith.addi %mul3A_695, %add3A_762 : i32
      %get3A_764 = arith.index_cast %add3A_763 : i32 to index
      %get3A_765 = tpu.vector_load %arg7[%get3A_764] {strides = array<i32>} : memref<13312xf32, #tpu.memory_space<vmem>>, vector<16xf32>,
      %add3A_766 = arith.addf %add3A_761, %get3A_765 : vector<16xf32>
      %add3A_767 = arith.constant 224 : i32
      %add3A_768 = arith.addi %mul3A_695, %add3A_767 : i32
      %get3A_769 = arith.index_cast %add3A_768 : i32 to index
      %get3A_770 = tpu.vector_load %arg7[%get3A_769] {strides = array<i32>} : memref<13312xf32, #tpu.memory_space<vmem>>, vector<16xf32>,
      %add3A_771 = arith.addf %add3A_766, %get3A_770 : vector<16xf32>
      %add3A_772 = arith.constant 240 : i32
      %add3A_773 = arith.addi %mul3A_695, %add3A_772 : i32
      %get3A_774 = arith.index_cast %add3A_773 : i32 to index
      %get3A_775 = tpu.vector_load %arg7[%get3A_774] {strides = array<i32>} : memref<13312xf32, #tpu.memory_space<vmem>>, vector<16xf32>,
      %add3A_776 = arith.addf %add3A_771, %get3A_775 : vector<16xf32>
      %add3A_777 = arith.constant 256 : i32
      %add3A_778 = arith.addi %mul3A_695, %add3A_777 : i32
      %get3A_779 = arith.index_cast %add3A_778 : i32 to index
      %get3A_780 = tpu.vector_load %arg7[%get3A_779] {strides = array<i32>} : memref<13312xf32, #tpu.memory_space<vmem>>, vector<16xf32>,
      %add3A_781 = arith.addf %add3A_776, %get3A_780 : vector<16xf32>
      %add3A_782 = arith.constant 272 : i32
      %add3A_783 = arith.addi %mul3A_695, %add3A_782 : i32
      %get3A_784 = arith.index_cast %add3A_783 : i32 to index
      %get3A_785 = tpu.vector_load %arg7[%get3A_784] {strides = array<i32>} : memref<13312xf32, #tpu.memory_space<vmem>>, vector<16xf32>,
      %add3A_786 = arith.addf %add3A_781, %get3A_785 : vector<16xf32>
      %add3A_787 = arith.constant 288 : i32
      %add3A_788 = arith.addi %mul3A_695, %add3A_787 : i32
      %get3A_789 = arith.index_cast %add3A_788 : i32 to index
      %get3A_790 = tpu.vector_load %arg7[%get3A_789] {strides = array<i32>} : memref<13312xf32, #tpu.memory_space<vmem>>, vector<16xf32>,
      %add3A_791 = arith.addf %add3A_786, %get3A_790 : vector<16xf32>
      %add3A_792 = arith.constant 304 : i32
      %add3A_793 = arith.addi %mul3A_695, %add3A_792 : i32
      %get3A_794 = arith.index_cast %add3A_793 : i32 to index
      %get3A_795 = tpu.vector_load %arg7[%get3A_794] {strides = array<i32>} : memref<13312xf32, #tpu.memory_space<vmem>>, vector<16xf32>,
      %add3A_796 = arith.addf %add3A_791, %get3A_795 : vector<16xf32>
      %add3A_797 = arith.constant 320 : i32
      %add3A_798 = arith.addi %mul3A_695, %add3A_797 : i32
      %get3A_799 = arith.index_cast %add3A_798 : i32 to index
      %get3A_800 = tpu.vector_load %arg7[%get3A_799] {strides = array<i32>} : memref<13312xf32, #tpu.memory_space<vmem>>, vector<16xf32>,
      %add3A_801 = arith.addf %add3A_796, %get3A_800 : vector<16xf32>
      %add3A_802 = arith.constant 336 : i32
      %add3A_803 = arith.addi %mul3A_695, %add3A_802 : i32
      %get3A_804 = arith.index_cast %add3A_803 : i32 to index
      %get3A_805 = tpu.vector_load %arg7[%get3A_804] {strides = array<i32>} : memref<13312xf32, #tpu.memory_space<vmem>>, vector<16xf32>,
      %add3A_806 = arith.addf %add3A_801, %get3A_805 : vector<16xf32>
      %add3A_807 = arith.constant 352 : i32
      %add3A_808 = arith.addi %mul3A_695, %add3A_807 : i32
      %get3A_809 = arith.index_cast %add3A_808 : i32 to index
      %get3A_810 = tpu.vector_load %arg7[%get3A_809] {strides = array<i32>} : memref<13312xf32, #tpu.memory_space<vmem>>, vector<16xf32>,
      %add3A_811 = arith.addf %add3A_806, %get3A_810 : vector<16xf32>
      %add3A_812 = arith.constant 368 : i32
      %add3A_813 = arith.addi %mul3A_695, %add3A_812 : i32
      %get3A_814 = arith.index_cast %add3A_813 : i32 to index
      %get3A_815 = tpu.vector_load %arg7[%get3A_814] {strides = array<i32>} : memref<13312xf32, #tpu.memory_space<vmem>>, vector<16xf32>,
      %add3A_816 = arith.addf %add3A_811, %get3A_815 : vector<16xf32>
      %add3A_817 = arith.constant 384 : i32
      %add3A_818 = arith.addi %mul3A_695, %add3A_817 : i32
      %get3A_819 = arith.index_cast %add3A_818 : i32 to index
      %get3A_820 = tpu.vector_load %arg7[%get3A_819] {strides = array<i32>} : memref<13312xf32, #tpu.memory_space<vmem>>, vector<16xf32>,
      %add3A_821 = arith.addf %add3A_816, %get3A_820 : vector<16xf32>
      %add3A_822 = arith.constant 400 : i32
      %add3A_823 = arith.addi %mul3A_695, %add3A_822 : i32
      %get3A_824 = arith.index_cast %add3A_823 : i32 to index
      %get3A_825 = tpu.vector_load %arg7[%get3A_824] {strides = array<i32>} : memref<13312xf32, #tpu.memory_space<vmem>>, vector<16xf32>,
      %add3A_826 = arith.addf %add3A_821, %get3A_825 : vector<16xf32>
      %neg3A = arith.constant 0.000000e+00 : f32
      %neg3A_827 = vector.broadcast %neg3A : f32 to vector<16xf32>
      %neg3A_828 = arith.subf %neg3A_827, %add3A_826 : vector<16xf32>
      %exp3A = math.exp %neg3A_828 : vector<16xf32>
      %add3A_829 = arith.constant 1.000000e+00 : f32
      %add3A_830 = vector.broadcast %add3A_829 : f32 to vector<16xf32>
      %add3A_831 = arith.addf %add3A_830, %exp3A : vector<16xf32>
      %div3A = arith.constant 1.000000e+00 : f32
      %div3A_832 = vector.broadcast %div3A : f32 to vector<16xf32>
      %div3A_833 = arith.divf %div3A_832, %add3A_831 : vector<16xf32>
      %swap3A = arith.index_cast %mul3A_693 : i32 to index
      %swap3A_834 = tpu.vector_load %arg8[%swap3A] {strides = array<i32>} : memref<512xf32, #tpu.memory_space<vmem>>, vector<16xf32>,
      tpu.vector_store %arg8[%swap3A], %div3A_833 {strides = array<i32>} : memref<512xf32, #tpu.memory_space<vmem>>, vector<16xf32>,
      %scan3A_835 = arith.constant 0 : i32
      scf.yield %scan3A_835 : i32
    }
    %scan3A_650 = arith.constant 8 : i32
    %dma_wait3A_651 = arith.constant 3328 : i32
    %dma_wait3A_652 = tpu.memref_slice %arg7[%dma_wait3A_651] : memref<13312xf32, #tpu.memory_space<vmem>> -> memref<3328xf32, #tpu.memory_space<vmem>>
    %dma_wait3A_653 = arith.constant 3328 : i32
    %dma_wait3A_654 = tpu.memref_slice %arg6[%dma_wait3A_653] : memref<13312xi32, #tpu.memory_space<vmem>> -> memref<3328xi32, #tpu.memory_space<vmem>>
    %dma_wait3A_655 = arith.constant 0 : i32
    %dma_wait3A_656 = tpu.memref_slice %arg3[%dma_wait3A_655] : memref<2602496xf32, #tpu.memory_space<hbm>> -> memref<2602496xf32, #tpu.memory_space<hbm>>
    tpu.wait_indirect_dma semaphore(%arg9 : memref<!tpu.dma_semaphore, #tpu.memory_space<semaphore_mem>>) src(%dma_wait3A_656 : memref<2602496xf32, #tpu.memory_space<hbm>>) dst(%dma_wait3A_652 : memref<3328xf32, #tpu.memory_space<vmem>>)
    %scan3A_657 = arith.constant 0 : i32
    %scan3A_658 = arith.constant 8 : i32
    %scan3A_659 = arith.constant 8 : i32
    %scan3A_660 = arith.addi %scan3A_658, %scan3A_659 : i32
    %scan3A_661 = arith.constant 1 : i32
    %scan3A_662 = scf.for %scan3A_690 = %scan3A_658 to %scan3A_660 step %scan3A_661 iter_args(%scan3A_691 = %scan3A_657) -> (i32)  : i32 {
      %mul3A_692 = arith.constant 16 : i32
      %mul3A_693 = arith.muli %scan3A_690, %mul3A_692 : i32
      %mul3A_694 = arith.constant 416 : i32
      %mul3A_695 = arith.muli %scan3A_690, %mul3A_694 : i32
      %get3A = arith.index_cast %mul3A_693 : i32 to index
      %get3A_696 = tpu.vector_load %arg8[%get3A] {strides = array<i32>} : memref<512xf32, #tpu.memory_space<vmem>>, vector<16xf32>,
      %add3A_697 = arith.constant 0 : i32
      %add3A_698 = arith.addi %mul3A_695, %add3A_697 : i32
      %get3A_699 = arith.index_cast %add3A_698 : i32 to index
      %get3A_700 = tpu.vector_load %arg7[%get3A_699] {strides = array<i32>} : memref<13312xf32, #tpu.memory_space<vmem>>, vector<16xf32>,
      %add3A_701 = arith.addf %get3A_696, %get3A_700 : vector<16xf32>
      %add3A_702 = arith.constant 16 : i32
      %add3A_703 = arith.addi %mul3A_695, %add3A_702 : i32
      %get3A_704 = arith.index_cast %add3A_703 : i32 to index
      %get3A_705 = tpu.vector_load %arg7[%get3A_704] {strides = array<i32>} : memref<13312xf32, #tpu.memory_space<vmem>>, vector<16xf32>,
      %add3A_706 = arith.addf %add3A_701, %get3A_705 : vector<16xf32>
      %add3A_707 = arith.constant 32 : i32
      %add3A_708 = arith.addi %mul3A_695, %add3A_707 : i32
      %get3A_709 = arith.index_cast %add3A_708 : i32 to index
      %get3A_710 = tpu.vector_load %arg7[%get3A_709] {strides = array<i32>} : memref<13312xf32, #tpu.memory_space<vmem>>, vector<16xf32>,
      %add3A_711 = arith.addf %add3A_706, %get3A_710 : vector<16xf32>
      %add3A_712 = arith.constant 48 : i32
      %add3A_713 = arith.addi %mul3A_695, %add3A_712 : i32
      %get3A_714 = arith.index_cast %add3A_713 : i32 to index
      %get3A_715 = tpu.vector_load %arg7[%get3A_714] {strides = array<i32>} : memref<13312xf32, #tpu.memory_space<vmem>>, vector<16xf32>,
      %add3A_716 = arith.addf %add3A_711, %get3A_715 : vector<16xf32>
      %add3A_717 = arith.constant 64 : i32
      %add3A_718 = arith.addi %mul3A_695, %add3A_717 : i32
      %get3A_719 = arith.index_cast %add3A_718 : i32 to index
      %get3A_720 = tpu.vector_load %arg7[%get3A_719] {strides = array<i32>} : memref<13312xf32, #tpu.memory_space<vmem>>, vector<16xf32>,
      %add3A_721 = arith.addf %add3A_716, %get3A_720 : vector<16xf32>
      %add3A_722 = arith.constant 80 : i32
      %add3A_723 = arith.addi %mul3A_695, %add3A_722 : i32
      %get3A_724 = arith.index_cast %add3A_723 : i32 to index
      %get3A_725 = tpu.vector_load %arg7[%get3A_724] {strides = array<i32>} : memref<13312xf32, #tpu.memory_space<vmem>>, vector<16xf32>,
      %add3A_726 = arith.addf %add3A_721, %get3A_725 : vector<16xf32>
      %add3A_727 = arith.constant 96 : i32
      %add3A_728 = arith.addi %mul3A_695, %add3A_727 : i32
      %get3A_729 = arith.index_cast %add3A_728 : i32 to index
      %get3A_730 = tpu.vector_load %arg7[%get3A_729] {strides = array<i32>} : memref<13312xf32, #tpu.memory_space<vmem>>, vector<16xf32>,
      %add3A_731 = arith.addf %add3A_726, %get3A_730 : vector<16xf32>
      %add3A_732 = arith.constant 112 : i32
      %add3A_733 = arith.addi %mul3A_695, %add3A_732 : i32
      %get3A_734 = arith.index_cast %add3A_733 : i32 to index
      %get3A_735 = tpu.vector_load %arg7[%get3A_734] {strides = array<i32>} : memref<13312xf32, #tpu.memory_space<vmem>>, vector<16xf32>,
      %add3A_736 = arith.addf %add3A_731, %get3A_735 : vector<16xf32>
      %add3A_737 = arith.constant 128 : i32
      %add3A_738 = arith.addi %mul3A_695, %add3A_737 : i32
      %get3A_739 = arith.index_cast %add3A_738 : i32 to index
      %get3A_740 = tpu.vector_load %arg7[%get3A_739] {strides = array<i32>} : memref<13312xf32, #tpu.memory_space<vmem>>, vector<16xf32>,
      %add3A_741 = arith.addf %add3A_736, %get3A_740 : vector<16xf32>
      %add3A_742 = arith.constant 144 : i32
      %add3A_743 = arith.addi %mul3A_695, %add3A_742 : i32
      %get3A_744 = arith.index_cast %add3A_743 : i32 to index
      %get3A_745 = tpu.vector_load %arg7[%get3A_744] {strides = array<i32>} : memref<13312xf32, #tpu.memory_space<vmem>>, vector<16xf32>,
      %add3A_746 = arith.addf %add3A_741, %get3A_745 : vector<16xf32>
      %add3A_747 = arith.constant 160 : i32
      %add3A_748 = arith.addi %mul3A_695, %add3A_747 : i32
      %get3A_749 = arith.index_cast %add3A_748 : i32 to index
      %get3A_750 = tpu.vector_load %arg7[%get3A_749] {strides = array<i32>} : memref<13312xf32, #tpu.memory_space<vmem>>, vector<16xf32>,
      %add3A_751 = arith.addf %add3A_746, %get3A_750 : vector<16xf32>
      %add3A_752 = arith.constant 176 : i32
      %add3A_753 = arith.addi %mul3A_695, %add3A_752 : i32
      %get3A_754 = arith.index_cast %add3A_753 : i32 to index
      %get3A_755 = tpu.vector_load %arg7[%get3A_754] {strides = array<i32>} : memref<13312xf32, #tpu.memory_space<vmem>>, vector<16xf32>,
      %add3A_756 = arith.addf %add3A_751, %get3A_755 : vector<16xf32>
      %add3A_757 = arith.constant 192 : i32
      %add3A_758 = arith.addi %mul3A_695, %add3A_757 : i32
      %get3A_759 = arith.index_cast %add3A_758 : i32 to index
      %get3A_760 = tpu.vector_load %arg7[%get3A_759] {strides = array<i32>} : memref<13312xf32, #tpu.memory_space<vmem>>, vector<16xf32>,
      %add3A_761 = arith.addf %add3A_756, %get3A_760 : vector<16xf32>
      %add3A_762 = arith.constant 208 : i32
      %add3A_763 = arith.addi %mul3A_695, %add3A_762 : i32
      %get3A_764 = arith.index_cast %add3A_763 : i32 to index
      %get3A_765 = tpu.vector_load %arg7[%get3A_764] {strides = array<i32>} : memref<13312xf32, #tpu.memory_space<vmem>>, vector<16xf32>,
      %add3A_766 = arith.addf %add3A_761, %get3A_765 : vector<16xf32>
      %add3A_767 = arith.constant 224 : i32
      %add3A_768 = arith.addi %mul3A_695, %add3A_767 : i32
      %get3A_769 = arith.index_cast %add3A_768 : i32 to index
      %get3A_770 = tpu.vector_load %arg7[%get3A_769] {strides = array<i32>} : memref<13312xf32, #tpu.memory_space<vmem>>, vector<16xf32>,
      %add3A_771 = arith.addf %add3A_766, %get3A_770 : vector<16xf32>
      %add3A_772 = arith.constant 240 : i32
      %add3A_773 = arith.addi %mul3A_695, %add3A_772 : i32
      %get3A_774 = arith.index_cast %add3A_773 : i32 to index
      %get3A_775 = tpu.vector_load %arg7[%get3A_774] {strides = array<i32>} : memref<13312xf32, #tpu.memory_space<vmem>>, vector<16xf32>,
      %add3A_776 = arith.addf %add3A_771, %get3A_775 : vector<16xf32>
      %add3A_777 = arith.constant 256 : i32
      %add3A_778 = arith.addi %mul3A_695, %add3A_777 : i32
      %get3A_779 = arith.index_cast %add3A_778 : i32 to index
      %get3A_780 = tpu.vector_load %arg7[%get3A_779] {strides = array<i32>} : memref<13312xf32, #tpu.memory_space<vmem>>, vector<16xf32>,
      %add3A_781 = arith.addf %add3A_776, %get3A_780 : vector<16xf32>
      %add3A_782 = arith.constant 272 : i32
      %add3A_783 = arith.addi %mul3A_695, %add3A_782 : i32
      %get3A_784 = arith.index_cast %add3A_783 : i32 to index
      %get3A_785 = tpu.vector_load %arg7[%get3A_784] {strides = array<i32>} : memref<13312xf32, #tpu.memory_space<vmem>>, vector<16xf32>,
      %add3A_786 = arith.addf %add3A_781, %get3A_785 : vector<16xf32>
      %add3A_787 = arith.constant 288 : i32
      %add3A_788 = arith.addi %mul3A_695, %add3A_787 : i32
      %get3A_789 = arith.index_cast %add3A_788 : i32 to index
      %get3A_790 = tpu.vector_load %arg7[%get3A_789] {strides = array<i32>} : memref<13312xf32, #tpu.memory_space<vmem>>, vector<16xf32>,
      %add3A_791 = arith.addf %add3A_786, %get3A_790 : vector<16xf32>
      %add3A_792 = arith.constant 304 : i32
      %add3A_793 = arith.addi %mul3A_695, %add3A_792 : i32
      %get3A_794 = arith.index_cast %add3A_793 : i32 to index
      %get3A_795 = tpu.vector_load %arg7[%get3A_794] {strides = array<i32>} : memref<13312xf32, #tpu.memory_space<vmem>>, vector<16xf32>,
      %add3A_796 = arith.addf %add3A_791, %get3A_795 : vector<16xf32>
      %add3A_797 = arith.constant 320 : i32
      %add3A_798 = arith.addi %mul3A_695, %add3A_797 : i32
      %get3A_799 = arith.index_cast %add3A_798 : i32 to index
      %get3A_800 = tpu.vector_load %arg7[%get3A_799] {strides = array<i32>} : memref<13312xf32, #tpu.memory_space<vmem>>, vector<16xf32>,
      %add3A_801 = arith.addf %add3A_796, %get3A_800 : vector<16xf32>
      %add3A_802 = arith.constant 336 : i32
      %add3A_803 = arith.addi %mul3A_695, %add3A_802 : i32
      %get3A_804 = arith.index_cast %add3A_803 : i32 to index
      %get3A_805 = tpu.vector_load %arg7[%get3A_804] {strides = array<i32>} : memref<13312xf32, #tpu.memory_space<vmem>>, vector<16xf32>,
      %add3A_806 = arith.addf %add3A_801, %get3A_805 : vector<16xf32>
      %add3A_807 = arith.constant 352 : i32
      %add3A_808 = arith.addi %mul3A_695, %add3A_807 : i32
      %get3A_809 = arith.index_cast %add3A_808 : i32 to index
      %get3A_810 = tpu.vector_load %arg7[%get3A_809] {strides = array<i32>} : memref<13312xf32, #tpu.memory_space<vmem>>, vector<16xf32>,
      %add3A_811 = arith.addf %add3A_806, %get3A_810 : vector<16xf32>
      %add3A_812 = arith.constant 368 : i32
      %add3A_813 = arith.addi %mul3A_695, %add3A_812 : i32
      %get3A_814 = arith.index_cast %add3A_813 : i32 to index
      %get3A_815 = tpu.vector_load %arg7[%get3A_814] {strides = array<i32>} : memref<13312xf32, #tpu.memory_space<vmem>>, vector<16xf32>,
      %add3A_816 = arith.addf %add3A_811, %get3A_815 : vector<16xf32>
      %add3A_817 = arith.constant 384 : i32
      %add3A_818 = arith.addi %mul3A_695, %add3A_817 : i32
      %get3A_819 = arith.index_cast %add3A_818 : i32 to index
      %get3A_820 = tpu.vector_load %arg7[%get3A_819] {strides = array<i32>} : memref<13312xf32, #tpu.memory_space<vmem>>, vector<16xf32>,
      %add3A_821 = arith.addf %add3A_816, %get3A_820 : vector<16xf32>
      %add3A_822 = arith.constant 400 : i32
      %add3A_823 = arith.addi %mul3A_695, %add3A_822 : i32
      %get3A_824 = arith.index_cast %add3A_823 : i32 to index
      %get3A_825 = tpu.vector_load %arg7[%get3A_824] {strides = array<i32>} : memref<13312xf32, #tpu.memory_space<vmem>>, vector<16xf32>,
      %add3A_826 = arith.addf %add3A_821, %get3A_825 : vector<16xf32>
      %neg3A = arith.constant 0.000000e+00 : f32
      %neg3A_827 = vector.broadcast %neg3A : f32 to vector<16xf32>
      %neg3A_828 = arith.subf %neg3A_827, %add3A_826 : vector<16xf32>
      %exp3A = math.exp %neg3A_828 : vector<16xf32>
      %add3A_829 = arith.constant 1.000000e+00 : f32
      %add3A_830 = vector.broadcast %add3A_829 : f32 to vector<16xf32>
      %add3A_831 = arith.addf %add3A_830, %exp3A : vector<16xf32>
      %div3A = arith.constant 1.000000e+00 : f32
      %div3A_832 = vector.broadcast %div3A : f32 to vector<16xf32>
      %div3A_833 = arith.divf %div3A_832, %add3A_831 : vector<16xf32>
      %swap3A = arith.index_cast %mul3A_693 : i32 to index
      %swap3A_834 = tpu.vector_load %arg8[%swap3A] {strides = array<i32>} : memref<512xf32, #tpu.memory_space<vmem>>, vector<16xf32>,
      tpu.vector_store %arg8[%swap3A], %div3A_833 {strides = array<i32>} : memref<512xf32, #tpu.memory_space<vmem>>, vector<16xf32>,
      %scan3A_835 = arith.constant 0 : i32
      scf.yield %scan3A_835 : i32
    }
    %scan3A_663 = arith.constant 8 : i32
    %dma_wait3A_664 = arith.constant 6656 : i32
    %dma_wait3A_665 = tpu.memref_slice %arg7[%dma_wait3A_664] : memref<13312xf32, #tpu.memory_space<vmem>> -> memref<3328xf32, #tpu.memory_space<vmem>>
    %dma_wait3A_666 = arith.constant 6656 : i32
    %dma_wait3A_667 = tpu.memref_slice %arg6[%dma_wait3A_666] : memref<13312xi32, #tpu.memory_space<vmem>> -> memref<3328xi32, #tpu.memory_space<vmem>>
    %dma_wait3A_668 = arith.constant 0 : i32
    %dma_wait3A_669 = tpu.memref_slice %arg3[%dma_wait3A_668] : memref<2602496xf32, #tpu.memory_space<hbm>> -> memref<2602496xf32, #tpu.memory_space<hbm>>
    tpu.wait_indirect_dma semaphore(%arg9 : memref<!tpu.dma_semaphore, #tpu.memory_space<semaphore_mem>>) src(%dma_wait3A_669 : memref<2602496xf32, #tpu.memory_space<hbm>>) dst(%dma_wait3A_665 : memref<3328xf32, #tpu.memory_space<vmem>>)
    %scan3A_670 = arith.constant 0 : i32
    %scan3A_671 = arith.constant 16 : i32
    %scan3A_672 = arith.constant 8 : i32
    %scan3A_673 = arith.addi %scan3A_671, %scan3A_672 : i32
    %scan3A_674 = arith.constant 1 : i32
    %scan3A_675 = scf.for %scan3A_690 = %scan3A_671 to %scan3A_673 step %scan3A_674 iter_args(%scan3A_691 = %scan3A_670) -> (i32)  : i32 {
      %mul3A_692 = arith.constant 16 : i32
      %mul3A_693 = arith.muli %scan3A_690, %mul3A_692 : i32
      %mul3A_694 = arith.constant 416 : i32
      %mul3A_695 = arith.muli %scan3A_690, %mul3A_694 : i32
      %get3A = arith.index_cast %mul3A_693 : i32 to index
      %get3A_696 = tpu.vector_load %arg8[%get3A] {strides = array<i32>} : memref<512xf32, #tpu.memory_space<vmem>>, vector<16xf32>,
      %add3A_697 = arith.constant 0 : i32
      %add3A_698 = arith.addi %mul3A_695, %add3A_697 : i32
      %get3A_699 = arith.index_cast %add3A_698 : i32 to index
      %get3A_700 = tpu.vector_load %arg7[%get3A_699] {strides = array<i32>} : memref<13312xf32, #tpu.memory_space<vmem>>, vector<16xf32>,
      %add3A_701 = arith.addf %get3A_696, %get3A_700 : vector<16xf32>
      %add3A_702 = arith.constant 16 : i32
      %add3A_703 = arith.addi %mul3A_695, %add3A_702 : i32
      %get3A_704 = arith.index_cast %add3A_703 : i32 to index
      %get3A_705 = tpu.vector_load %arg7[%get3A_704] {strides = array<i32>} : memref<13312xf32, #tpu.memory_space<vmem>>, vector<16xf32>,
      %add3A_706 = arith.addf %add3A_701, %get3A_705 : vector<16xf32>
      %add3A_707 = arith.constant 32 : i32
      %add3A_708 = arith.addi %mul3A_695, %add3A_707 : i32
      %get3A_709 = arith.index_cast %add3A_708 : i32 to index
      %get3A_710 = tpu.vector_load %arg7[%get3A_709] {strides = array<i32>} : memref<13312xf32, #tpu.memory_space<vmem>>, vector<16xf32>,
      %add3A_711 = arith.addf %add3A_706, %get3A_710 : vector<16xf32>
      %add3A_712 = arith.constant 48 : i32
      %add3A_713 = arith.addi %mul3A_695, %add3A_712 : i32
      %get3A_714 = arith.index_cast %add3A_713 : i32 to index
      %get3A_715 = tpu.vector_load %arg7[%get3A_714] {strides = array<i32>} : memref<13312xf32, #tpu.memory_space<vmem>>, vector<16xf32>,
      %add3A_716 = arith.addf %add3A_711, %get3A_715 : vector<16xf32>
      %add3A_717 = arith.constant 64 : i32
      %add3A_718 = arith.addi %mul3A_695, %add3A_717 : i32
      %get3A_719 = arith.index_cast %add3A_718 : i32 to index
      %get3A_720 = tpu.vector_load %arg7[%get3A_719] {strides = array<i32>} : memref<13312xf32, #tpu.memory_space<vmem>>, vector<16xf32>,
      %add3A_721 = arith.addf %add3A_716, %get3A_720 : vector<16xf32>
      %add3A_722 = arith.constant 80 : i32
      %add3A_723 = arith.addi %mul3A_695, %add3A_722 : i32
      %get3A_724 = arith.index_cast %add3A_723 : i32 to index
      %get3A_725 = tpu.vector_load %arg7[%get3A_724] {strides = array<i32>} : memref<13312xf32, #tpu.memory_space<vmem>>, vector<16xf32>,
      %add3A_726 = arith.addf %add3A_721, %get3A_725 : vector<16xf32>
      %add3A_727 = arith.constant 96 : i32
      %add3A_728 = arith.addi %mul3A_695, %add3A_727 : i32
      %get3A_729 = arith.index_cast %add3A_728 : i32 to index
      %get3A_730 = tpu.vector_load %arg7[%get3A_729] {strides = array<i32>} : memref<13312xf32, #tpu.memory_space<vmem>>, vector<16xf32>,
      %add3A_731 = arith.addf %add3A_726, %get3A_730 : vector<16xf32>
      %add3A_732 = arith.constant 112 : i32
      %add3A_733 = arith.addi %mul3A_695, %add3A_732 : i32
      %get3A_734 = arith.index_cast %add3A_733 : i32 to index
      %get3A_735 = tpu.vector_load %arg7[%get3A_734] {strides = array<i32>} : memref<13312xf32, #tpu.memory_space<vmem>>, vector<16xf32>,
      %add3A_736 = arith.addf %add3A_731, %get3A_735 : vector<16xf32>
      %add3A_737 = arith.constant 128 : i32
      %add3A_738 = arith.addi %mul3A_695, %add3A_737 : i32
      %get3A_739 = arith.index_cast %add3A_738 : i32 to index
      %get3A_740 = tpu.vector_load %arg7[%get3A_739] {strides = array<i32>} : memref<13312xf32, #tpu.memory_space<vmem>>, vector<16xf32>,
      %add3A_741 = arith.addf %add3A_736, %get3A_740 : vector<16xf32>
      %add3A_742 = arith.constant 144 : i32
      %add3A_743 = arith.addi %mul3A_695, %add3A_742 : i32
      %get3A_744 = arith.index_cast %add3A_743 : i32 to index
      %get3A_745 = tpu.vector_load %arg7[%get3A_744] {strides = array<i32>} : memref<13312xf32, #tpu.memory_space<vmem>>, vector<16xf32>,
      %add3A_746 = arith.addf %add3A_741, %get3A_745 : vector<16xf32>
      %add3A_747 = arith.constant 160 : i32
      %add3A_748 = arith.addi %mul3A_695, %add3A_747 : i32
      %get3A_749 = arith.index_cast %add3A_748 : i32 to index
      %get3A_750 = tpu.vector_load %arg7[%get3A_749] {strides = array<i32>} : memref<13312xf32, #tpu.memory_space<vmem>>, vector<16xf32>,
      %add3A_751 = arith.addf %add3A_746, %get3A_750 : vector<16xf32>
      %add3A_752 = arith.constant 176 : i32
      %add3A_753 = arith.addi %mul3A_695, %add3A_752 : i32
      %get3A_754 = arith.index_cast %add3A_753 : i32 to index
      %get3A_755 = tpu.vector_load %arg7[%get3A_754] {strides = array<i32>} : memref<13312xf32, #tpu.memory_space<vmem>>, vector<16xf32>,
      %add3A_756 = arith.addf %add3A_751, %get3A_755 : vector<16xf32>
      %add3A_757 = arith.constant 192 : i32
      %add3A_758 = arith.addi %mul3A_695, %add3A_757 : i32
      %get3A_759 = arith.index_cast %add3A_758 : i32 to index
      %get3A_760 = tpu.vector_load %arg7[%get3A_759] {strides = array<i32>} : memref<13312xf32, #tpu.memory_space<vmem>>, vector<16xf32>,
      %add3A_761 = arith.addf %add3A_756, %get3A_760 : vector<16xf32>
      %add3A_762 = arith.constant 208 : i32
      %add3A_763 = arith.addi %mul3A_695, %add3A_762 : i32
      %get3A_764 = arith.index_cast %add3A_763 : i32 to index
      %get3A_765 = tpu.vector_load %arg7[%get3A_764] {strides = array<i32>} : memref<13312xf32, #tpu.memory_space<vmem>>, vector<16xf32>,
      %add3A_766 = arith.addf %add3A_761, %get3A_765 : vector<16xf32>
      %add3A_767 = arith.constant 224 : i32
      %add3A_768 = arith.addi %mul3A_695, %add3A_767 : i32
      %get3A_769 = arith.index_cast %add3A_768 : i32 to index
      %get3A_770 = tpu.vector_load %arg7[%get3A_769] {strides = array<i32>} : memref<13312xf32, #tpu.memory_space<vmem>>, vector<16xf32>,
      %add3A_771 = arith.addf %add3A_766, %get3A_770 : vector<16xf32>
      %add3A_772 = arith.constant 240 : i32
      %add3A_773 = arith.addi %mul3A_695, %add3A_772 : i32
      %get3A_774 = arith.index_cast %add3A_773 : i32 to index
      %get3A_775 = tpu.vector_load %arg7[%get3A_774] {strides = array<i32>} : memref<13312xf32, #tpu.memory_space<vmem>>, vector<16xf32>,
      %add3A_776 = arith.addf %add3A_771, %get3A_775 : vector<16xf32>
      %add3A_777 = arith.constant 256 : i32
      %add3A_778 = arith.addi %mul3A_695, %add3A_777 : i32
      %get3A_779 = arith.index_cast %add3A_778 : i32 to index
      %get3A_780 = tpu.vector_load %arg7[%get3A_779] {strides = array<i32>} : memref<13312xf32, #tpu.memory_space<vmem>>, vector<16xf32>,
      %add3A_781 = arith.addf %add3A_776, %get3A_780 : vector<16xf32>
      %add3A_782 = arith.constant 272 : i32
      %add3A_783 = arith.addi %mul3A_695, %add3A_782 : i32
      %get3A_784 = arith.index_cast %add3A_783 : i32 to index
      %get3A_785 = tpu.vector_load %arg7[%get3A_784] {strides = array<i32>} : memref<13312xf32, #tpu.memory_space<vmem>>, vector<16xf32>,
      %add3A_786 = arith.addf %add3A_781, %get3A_785 : vector<16xf32>
      %add3A_787 = arith.constant 288 : i32
      %add3A_788 = arith.addi %mul3A_695, %add3A_787 : i32
      %get3A_789 = arith.index_cast %add3A_788 : i32 to index
      %get3A_790 = tpu.vector_load %arg7[%get3A_789] {strides = array<i32>} : memref<13312xf32, #tpu.memory_space<vmem>>, vector<16xf32>,
      %add3A_791 = arith.addf %add3A_786, %get3A_790 : vector<16xf32>
      %add3A_792 = arith.constant 304 : i32
      %add3A_793 = arith.addi %mul3A_695, %add3A_792 : i32
      %get3A_794 = arith.index_cast %add3A_793 : i32 to index
      %get3A_795 = tpu.vector_load %arg7[%get3A_794] {strides = array<i32>} : memref<13312xf32, #tpu.memory_space<vmem>>, vector<16xf32>,
      %add3A_796 = arith.addf %add3A_791, %get3A_795 : vector<16xf32>
      %add3A_797 = arith.constant 320 : i32
      %add3A_798 = arith.addi %mul3A_695, %add3A_797 : i32
      %get3A_799 = arith.index_cast %add3A_798 : i32 to index
      %get3A_800 = tpu.vector_load %arg7[%get3A_799] {strides = array<i32>} : memref<13312xf32, #tpu.memory_space<vmem>>, vector<16xf32>,
      %add3A_801 = arith.addf %add3A_796, %get3A_800 : vector<16xf32>
      %add3A_802 = arith.constant 336 : i32
      %add3A_803 = arith.addi %mul3A_695, %add3A_802 : i32
      %get3A_804 = arith.index_cast %add3A_803 : i32 to index
      %get3A_805 = tpu.vector_load %arg7[%get3A_804] {strides = array<i32>} : memref<13312xf32, #tpu.memory_space<vmem>>, vector<16xf32>,
      %add3A_806 = arith.addf %add3A_801, %get3A_805 : vector<16xf32>
      %add3A_807 = arith.constant 352 : i32
      %add3A_808 = arith.addi %mul3A_695, %add3A_807 : i32
      %get3A_809 = arith.index_cast %add3A_808 : i32 to index
      %get3A_810 = tpu.vector_load %arg7[%get3A_809] {strides = array<i32>} : memref<13312xf32, #tpu.memory_space<vmem>>, vector<16xf32>,
      %add3A_811 = arith.addf %add3A_806, %get3A_810 : vector<16xf32>
      %add3A_812 = arith.constant 368 : i32
      %add3A_813 = arith.addi %mul3A_695, %add3A_812 : i32
      %get3A_814 = arith.index_cast %add3A_813 : i32 to index
      %get3A_815 = tpu.vector_load %arg7[%get3A_814] {strides = array<i32>} : memref<13312xf32, #tpu.memory_space<vmem>>, vector<16xf32>,
      %add3A_816 = arith.addf %add3A_811, %get3A_815 : vector<16xf32>
      %add3A_817 = arith.constant 384 : i32
      %add3A_818 = arith.addi %mul3A_695, %add3A_817 : i32
      %get3A_819 = arith.index_cast %add3A_818 : i32 to index
      %get3A_820 = tpu.vector_load %arg7[%get3A_819] {strides = array<i32>} : memref<13312xf32, #tpu.memory_space<vmem>>, vector<16xf32>,
      %add3A_821 = arith.addf %add3A_816, %get3A_820 : vector<16xf32>
      %add3A_822 = arith.constant 400 : i32
      %add3A_823 = arith.addi %mul3A_695, %add3A_822 : i32
      %get3A_824 = arith.index_cast %add3A_823 : i32 to index
      %get3A_825 = tpu.vector_load %arg7[%get3A_824] {strides = array<i32>} : memref<13312xf32, #tpu.memory_space<vmem>>, vector<16xf32>,
      %add3A_826 = arith.addf %add3A_821, %get3A_825 : vector<16xf32>
      %neg3A = arith.constant 0.000000e+00 : f32
      %neg3A_827 = vector.broadcast %neg3A : f32 to vector<16xf32>
      %neg3A_828 = arith.subf %neg3A_827, %add3A_826 : vector<16xf32>
      %exp3A = math.exp %neg3A_828 : vector<16xf32>
      %add3A_829 = arith.constant 1.000000e+00 : f32
      %add3A_830 = vector.broadcast %add3A_829 : f32 to vector<16xf32>
      %add3A_831 = arith.addf %add3A_830, %exp3A : vector<16xf32>
      %div3A = arith.constant 1.000000e+00 : f32
      %div3A_832 = vector.broadcast %div3A : f32 to vector<16xf32>
      %div3A_833 = arith.divf %div3A_832, %add3A_831 : vector<16xf32>
      %swap3A = arith.index_cast %mul3A_693 : i32 to index
      %swap3A_834 = tpu.vector_load %arg8[%swap3A] {strides = array<i32>} : memref<512xf32, #tpu.memory_space<vmem>>, vector<16xf32>,
      tpu.vector_store %arg8[%swap3A], %div3A_833 {strides = array<i32>} : memref<512xf32, #tpu.memory_space<vmem>>, vector<16xf32>,
      %scan3A_835 = arith.constant 0 : i32
      scf.yield %scan3A_835 : i32
    }
    %scan3A_676 = arith.constant 8 : i32
    %dma_wait3A_677 = arith.constant 9984 : i32
    %dma_wait3A_678 = tpu.memref_slice %arg7[%dma_wait3A_677] : memref<13312xf32, #tpu.memory_space<vmem>> -> memref<3328xf32, #tpu.memory_space<vmem>>
    %dma_wait3A_679 = arith.constant 9984 : i32
    %dma_wait3A_680 = tpu.memref_slice %arg6[%dma_wait3A_679] : memref<13312xi32, #tpu.memory_space<vmem>> -> memref<3328xi32, #tpu.memory_space<vmem>>
    %dma_wait3A_681 = arith.constant 0 : i32
    %dma_wait3A_682 = tpu.memref_slice %arg3[%dma_wait3A_681] : memref<2602496xf32, #tpu.memory_space<hbm>> -> memref<2602496xf32, #tpu.memory_space<hbm>>
    tpu.wait_indirect_dma semaphore(%arg9 : memref<!tpu.dma_semaphore, #tpu.memory_space<semaphore_mem>>) src(%dma_wait3A_682 : memref<2602496xf32, #tpu.memory_space<hbm>>) dst(%dma_wait3A_678 : memref<3328xf32, #tpu.memory_space<vmem>>)
    %scan3A_683 = arith.constant 0 : i32
    %scan3A_684 = arith.constant 24 : i32
    %scan3A_685 = arith.constant 8 : i32
    %scan3A_686 = arith.addi %scan3A_684, %scan3A_685 : i32
    %scan3A_687 = arith.constant 1 : i32
    %scan3A_688 = scf.for %scan3A_690 = %scan3A_684 to %scan3A_686 step %scan3A_687 iter_args(%scan3A_691 = %scan3A_683) -> (i32)  : i32 {
      %mul3A_692 = arith.constant 16 : i32
      %mul3A_693 = arith.muli %scan3A_690, %mul3A_692 : i32
      %mul3A_694 = arith.constant 416 : i32
      %mul3A_695 = arith.muli %scan3A_690, %mul3A_694 : i32
      %get3A = arith.index_cast %mul3A_693 : i32 to index
      %get3A_696 = tpu.vector_load %arg8[%get3A] {strides = array<i32>} : memref<512xf32, #tpu.memory_space<vmem>>, vector<16xf32>,
      %add3A_697 = arith.constant 0 : i32
      %add3A_698 = arith.addi %mul3A_695, %add3A_697 : i32
      %get3A_699 = arith.index_cast %add3A_698 : i32 to index
      %get3A_700 = tpu.vector_load %arg7[%get3A_699] {strides = array<i32>} : memref<13312xf32, #tpu.memory_space<vmem>>, vector<16xf32>,
      %add3A_701 = arith.addf %get3A_696, %get3A_700 : vector<16xf32>
      %add3A_702 = arith.constant 16 : i32
      %add3A_703 = arith.addi %mul3A_695, %add3A_702 : i32
      %get3A_704 = arith.index_cast %add3A_703 : i32 to index
      %get3A_705 = tpu.vector_load %arg7[%get3A_704] {strides = array<i32>} : memref<13312xf32, #tpu.memory_space<vmem>>, vector<16xf32>,
      %add3A_706 = arith.addf %add3A_701, %get3A_705 : vector<16xf32>
      %add3A_707 = arith.constant 32 : i32
      %add3A_708 = arith.addi %mul3A_695, %add3A_707 : i32
      %get3A_709 = arith.index_cast %add3A_708 : i32 to index
      %get3A_710 = tpu.vector_load %arg7[%get3A_709] {strides = array<i32>} : memref<13312xf32, #tpu.memory_space<vmem>>, vector<16xf32>,
      %add3A_711 = arith.addf %add3A_706, %get3A_710 : vector<16xf32>
      %add3A_712 = arith.constant 48 : i32
      %add3A_713 = arith.addi %mul3A_695, %add3A_712 : i32
      %get3A_714 = arith.index_cast %add3A_713 : i32 to index
      %get3A_715 = tpu.vector_load %arg7[%get3A_714] {strides = array<i32>} : memref<13312xf32, #tpu.memory_space<vmem>>, vector<16xf32>,
      %add3A_716 = arith.addf %add3A_711, %get3A_715 : vector<16xf32>
      %add3A_717 = arith.constant 64 : i32
      %add3A_718 = arith.addi %mul3A_695, %add3A_717 : i32
      %get3A_719 = arith.index_cast %add3A_718 : i32 to index
      %get3A_720 = tpu.vector_load %arg7[%get3A_719] {strides = array<i32>} : memref<13312xf32, #tpu.memory_space<vmem>>, vector<16xf32>,
      %add3A_721 = arith.addf %add3A_716, %get3A_720 : vector<16xf32>
      %add3A_722 = arith.constant 80 : i32
      %add3A_723 = arith.addi %mul3A_695, %add3A_722 : i32
      %get3A_724 = arith.index_cast %add3A_723 : i32 to index
      %get3A_725 = tpu.vector_load %arg7[%get3A_724] {strides = array<i32>} : memref<13312xf32, #tpu.memory_space<vmem>>, vector<16xf32>,
      %add3A_726 = arith.addf %add3A_721, %get3A_725 : vector<16xf32>
      %add3A_727 = arith.constant 96 : i32
      %add3A_728 = arith.addi %mul3A_695, %add3A_727 : i32
      %get3A_729 = arith.index_cast %add3A_728 : i32 to index
      %get3A_730 = tpu.vector_load %arg7[%get3A_729] {strides = array<i32>} : memref<13312xf32, #tpu.memory_space<vmem>>, vector<16xf32>,
      %add3A_731 = arith.addf %add3A_726, %get3A_730 : vector<16xf32>
      %add3A_732 = arith.constant 112 : i32
      %add3A_733 = arith.addi %mul3A_695, %add3A_732 : i32
      %get3A_734 = arith.index_cast %add3A_733 : i32 to index
      %get3A_735 = tpu.vector_load %arg7[%get3A_734] {strides = array<i32>} : memref<13312xf32, #tpu.memory_space<vmem>>, vector<16xf32>,
      %add3A_736 = arith.addf %add3A_731, %get3A_735 : vector<16xf32>
      %add3A_737 = arith.constant 128 : i32
      %add3A_738 = arith.addi %mul3A_695, %add3A_737 : i32
      %get3A_739 = arith.index_cast %add3A_738 : i32 to index
      %get3A_740 = tpu.vector_load %arg7[%get3A_739] {strides = array<i32>} : memref<13312xf32, #tpu.memory_space<vmem>>, vector<16xf32>,
      %add3A_741 = arith.addf %add3A_736, %get3A_740 : vector<16xf32>
      %add3A_742 = arith.constant 144 : i32
      %add3A_743 = arith.addi %mul3A_695, %add3A_742 : i32
      %get3A_744 = arith.index_cast %add3A_743 : i32 to index
      %get3A_745 = tpu.vector_load %arg7[%get3A_744] {strides = array<i32>} : memref<13312xf32, #tpu.memory_space<vmem>>, vector<16xf32>,
      %add3A_746 = arith.addf %add3A_741, %get3A_745 : vector<16xf32>
      %add3A_747 = arith.constant 160 : i32
      %add3A_748 = arith.addi %mul3A_695, %add3A_747 : i32
      %get3A_749 = arith.index_cast %add3A_748 : i32 to index
      %get3A_750 = tpu.vector_load %arg7[%get3A_749] {strides = array<i32>} : memref<13312xf32, #tpu.memory_space<vmem>>, vector<16xf32>,
      %add3A_751 = arith.addf %add3A_746, %get3A_750 : vector<16xf32>
      %add3A_752 = arith.constant 176 : i32
      %add3A_753 = arith.addi %mul3A_695, %add3A_752 : i32
      %get3A_754 = arith.index_cast %add3A_753 : i32 to index
      %get3A_755 = tpu.vector_load %arg7[%get3A_754] {strides = array<i32>} : memref<13312xf32, #tpu.memory_space<vmem>>, vector<16xf32>,
      %add3A_756 = arith.addf %add3A_751, %get3A_755 : vector<16xf32>
      %add3A_757 = arith.constant 192 : i32
      %add3A_758 = arith.addi %mul3A_695, %add3A_757 : i32
      %get3A_759 = arith.index_cast %add3A_758 : i32 to index
      %get3A_760 = tpu.vector_load %arg7[%get3A_759] {strides = array<i32>} : memref<13312xf32, #tpu.memory_space<vmem>>, vector<16xf32>,
      %add3A_761 = arith.addf %add3A_756, %get3A_760 : vector<16xf32>
      %add3A_762 = arith.constant 208 : i32
      %add3A_763 = arith.addi %mul3A_695, %add3A_762 : i32
      %get3A_764 = arith.index_cast %add3A_763 : i32 to index
      %get3A_765 = tpu.vector_load %arg7[%get3A_764] {strides = array<i32>} : memref<13312xf32, #tpu.memory_space<vmem>>, vector<16xf32>,
      %add3A_766 = arith.addf %add3A_761, %get3A_765 : vector<16xf32>
      %add3A_767 = arith.constant 224 : i32
      %add3A_768 = arith.addi %mul3A_695, %add3A_767 : i32
      %get3A_769 = arith.index_cast %add3A_768 : i32 to index
      %get3A_770 = tpu.vector_load %arg7[%get3A_769] {strides = array<i32>} : memref<13312xf32, #tpu.memory_space<vmem>>, vector<16xf32>,
      %add3A_771 = arith.addf %add3A_766, %get3A_770 : vector<16xf32>
      %add3A_772 = arith.constant 240 : i32
      %add3A_773 = arith.addi %mul3A_695, %add3A_772 : i32
      %get3A_774 = arith.index_cast %add3A_773 : i32 to index
      %get3A_775 = tpu.vector_load %arg7[%get3A_774] {strides = array<i32>} : memref<13312xf32, #tpu.memory_space<vmem>>, vector<16xf32>,
      %add3A_776 = arith.addf %add3A_771, %get3A_775 : vector<16xf32>
      %add3A_777 = arith.constant 256 : i32
      %add3A_778 = arith.addi %mul3A_695, %add3A_777 : i32
      %get3A_779 = arith.index_cast %add3A_778 : i32 to index
      %get3A_780 = tpu.vector_load %arg7[%get3A_779] {strides = array<i32>} : memref<13312xf32, #tpu.memory_space<vmem>>, vector<16xf32>,
      %add3A_781 = arith.addf %add3A_776, %get3A_780 : vector<16xf32>
      %add3A_782 = arith.constant 272 : i32
      %add3A_783 = arith.addi %mul3A_695, %add3A_782 : i32
      %get3A_784 = arith.index_cast %add3A_783 : i32 to index
      %get3A_785 = tpu.vector_load %arg7[%get3A_784] {strides = array<i32>} : memref<13312xf32, #tpu.memory_space<vmem>>, vector<16xf32>,
      %add3A_786 = arith.addf %add3A_781, %get3A_785 : vector<16xf32>
      %add3A_787 = arith.constant 288 : i32
      %add3A_788 = arith.addi %mul3A_695, %add3A_787 : i32
      %get3A_789 = arith.index_cast %add3A_788 : i32 to index
      %get3A_790 = tpu.vector_load %arg7[%get3A_789] {strides = array<i32>} : memref<13312xf32, #tpu.memory_space<vmem>>, vector<16xf32>,
      %add3A_791 = arith.addf %add3A_786, %get3A_790 : vector<16xf32>
      %add3A_792 = arith.constant 304 : i32
      %add3A_793 = arith.addi %mul3A_695, %add3A_792 : i32
      %get3A_794 = arith.index_cast %add3A_793 : i32 to index
      %get3A_795 = tpu.vector_load %arg7[%get3A_794] {strides = array<i32>} : memref<13312xf32, #tpu.memory_space<vmem>>, vector<16xf32>,
      %add3A_796 = arith.addf %add3A_791, %get3A_795 : vector<16xf32>
      %add3A_797 = arith.constant 320 : i32
      %add3A_798 = arith.addi %mul3A_695, %add3A_797 : i32
      %get3A_799 = arith.index_cast %add3A_798 : i32 to index
      %get3A_800 = tpu.vector_load %arg7[%get3A_799] {strides = array<i32>} : memref<13312xf32, #tpu.memory_space<vmem>>, vector<16xf32>,
      %add3A_801 = arith.addf %add3A_796, %get3A_800 : vector<16xf32>
      %add3A_802 = arith.constant 336 : i32
      %add3A_803 = arith.addi %mul3A_695, %add3A_802 : i32
      %get3A_804 = arith.index_cast %add3A_803 : i32 to index
      %get3A_805 = tpu.vector_load %arg7[%get3A_804] {strides = array<i32>} : memref<13312xf32, #tpu.memory_space<vmem>>, vector<16xf32>,
      %add3A_806 = arith.addf %add3A_801, %get3A_805 : vector<16xf32>
      %add3A_807 = arith.constant 352 : i32
      %add3A_808 = arith.addi %mul3A_695, %add3A_807 : i32
      %get3A_809 = arith.index_cast %add3A_808 : i32 to index
      %get3A_810 = tpu.vector_load %arg7[%get3A_809] {strides = array<i32>} : memref<13312xf32, #tpu.memory_space<vmem>>, vector<16xf32>,
      %add3A_811 = arith.addf %add3A_806, %get3A_810 : vector<16xf32>
      %add3A_812 = arith.constant 368 : i32
      %add3A_813 = arith.addi %mul3A_695, %add3A_812 : i32
      %get3A_814 = arith.index_cast %add3A_813 : i32 to index
      %get3A_815 = tpu.vector_load %arg7[%get3A_814] {strides = array<i32>} : memref<13312xf32, #tpu.memory_space<vmem>>, vector<16xf32>,
      %add3A_816 = arith.addf %add3A_811, %get3A_815 : vector<16xf32>
      %add3A_817 = arith.constant 384 : i32
      %add3A_818 = arith.addi %mul3A_695, %add3A_817 : i32
      %get3A_819 = arith.index_cast %add3A_818 : i32 to index
      %get3A_820 = tpu.vector_load %arg7[%get3A_819] {strides = array<i32>} : memref<13312xf32, #tpu.memory_space<vmem>>, vector<16xf32>,
      %add3A_821 = arith.addf %add3A_816, %get3A_820 : vector<16xf32>
      %add3A_822 = arith.constant 400 : i32
      %add3A_823 = arith.addi %mul3A_695, %add3A_822 : i32
      %get3A_824 = arith.index_cast %add3A_823 : i32 to index
      %get3A_825 = tpu.vector_load %arg7[%get3A_824] {strides = array<i32>} : memref<13312xf32, #tpu.memory_space<vmem>>, vector<16xf32>,
      %add3A_826 = arith.addf %add3A_821, %get3A_825 : vector<16xf32>
      %neg3A = arith.constant 0.000000e+00 : f32
      %neg3A_827 = vector.broadcast %neg3A : f32 to vector<16xf32>
      %neg3A_828 = arith.subf %neg3A_827, %add3A_826 : vector<16xf32>
      %exp3A = math.exp %neg3A_828 : vector<16xf32>
      %add3A_829 = arith.constant 1.000000e+00 : f32
      %add3A_830 = vector.broadcast %add3A_829 : f32 to vector<16xf32>
      %add3A_831 = arith.addf %add3A_830, %exp3A : vector<16xf32>
      %div3A = arith.constant 1.000000e+00 : f32
      %div3A_832 = vector.broadcast %div3A : f32 to vector<16xf32>
      %div3A_833 = arith.divf %div3A_832, %add3A_831 : vector<16xf32>
      %swap3A = arith.index_cast %mul3A_693 : i32 to index
      %swap3A_834 = tpu.vector_load %arg8[%swap3A] {strides = array<i32>} : memref<512xf32, #tpu.memory_space<vmem>>, vector<16xf32>,
      tpu.vector_store %arg8[%swap3A], %div3A_833 {strides = array<i32>} : memref<512xf32, #tpu.memory_space<vmem>>, vector<16xf32>,
      %scan3A_835 = arith.constant 0 : i32
      scf.yield %scan3A_835 : i32
    }
    %scan3A_689 = arith.constant 8 : i32
    "tpu.region"() ({
      %run_scoped3A = tpu.sem_alloc : memref<!tpu.dma_semaphore, #tpu.memory_space<semaphore_mem>>
      %dma_start3A_690 = tpu.memref_slice %arg4[%mul3A_2] : memref<16384xf32, #tpu.memory_space<hbm>> -> memref<512xf32, #tpu.memory_space<hbm>>
      %dma_start3A_691 = tpu.memref_slice %arg4[%mul3A_2] : memref<16384xf32, #tpu.memory_space<hbm>> -> memref<512xf32, #tpu.memory_space<hbm>>
      tpu.enqueue_dma source(%arg8 : memref<512xf32, #tpu.memory_space<vmem>>) target(%dma_start3A_691 : memref<512xf32, #tpu.memory_space<hbm>>) target_semaphore(%run_scoped3A : memref<!tpu.dma_semaphore, #tpu.memory_space<semaphore_mem>>)
      %dma_wait3A_692 = tpu.memref_slice %arg4[%mul3A_2] : memref<16384xf32, #tpu.memory_space<hbm>> -> memref<512xf32, #tpu.memory_space<hbm>>
      %dma_wait3A_693 = tpu.memref_slice %arg4[%mul3A_2] : memref<16384xf32, #tpu.memory_space<hbm>> -> memref<512xf32, #tpu.memory_space<hbm>>
      tpu.wait_dma2 semaphore(%run_scoped3A : memref<!tpu.dma_semaphore, #tpu.memory_space<semaphore_mem>>) src(%arg8 : memref<512xf32, #tpu.memory_space<vmem>>) dst(%dma_wait3A_693 : memref<512xf32, #tpu.memory_space<hbm>>)
      tpu.yield
    }) : () -> ()
    return
  }
}

</mosaic_0001>

<sc_bundles>
// kernel: kernel.3.cloned.1.call-start
scs
__scs_entry_jumppad:
0x0: {  	(pc) =	sbr.rel $0x88, $3  }
0x1: {  	(tag) =	ssettag $0x0;
	lr =	simm.s32 $0x1  }
0x2: {  	[smem:$0x3F9F] =	sst lr;
	_ =	strace $0xD0000000  }
0x3: {  	_ = 	snop  }
0x4: {  	_ = 	snop  }
0x5: {  	_ = 	snop  }
0x6: {  	_ = 	snop  }
0x7: {  	_ = 	snop  }
__scs_overlays_trampoline_lowered:
0x8: {  	[smem:$0x3FAE] =	sst s0  }
0x9: {  	[smem:$0x3FAF] =	sst s1  }
0xa: {  	[smem:$0x3FB0] =	sst s2  }
0xb: {  	[smem:$0x3FB1] =	sst s3  }
0xc: {  	[smem:$0x3FB2] =	sst s4  }
0xd: {  	[smem:$0x3FB3] =	sst s5  }
0xe: {  	[smem:$0x3FB4] =	sst s6  }
0xf: {  	[smem:$0x3FB5] =	sst s7  }
0x10: {  	[smem:$0x3FB6] =	sst s8  }
0x11: {  	[smem:$0x3FB7] =	sst s9;
	s0 =	simm.s32 @!p0 $0x0  }
0x12: {  	s1 =	sld [smem:$0x3F9D];
	s0 =	simm.s32 @p0 $0x1  }
0x13: {  	[smem:$0x3FB8] =	sst s0;
	s0 =	simm.s32 @!p1 $0x0  }
0x14: {  	s2 =	sld [smem:$0x3F9C];
	s0 =	simm.s32 @p1 $0x1  }
0x15: {  	[smem:$0x3FB9] =	sst s0;
	s0 =	simm.s32 @!p2 $0x0  }
0x16: {  	s3 =	sld [smem:$0x3FDB];
	s0 =	simm.s32 @p2 $0x1  }
0x17: {  	s4 =	simm.s32 $0x1BF5;
	[smem:$0x3FBB] =	sst s0  }
0x18: {  	s0 =	sld [smem:$0x3F9E];
	_ =	swait.ge [sflag:s4], $0x0  }
0x19: {  	s7 =	sld [smem:$0x3F9F]  }
0x1a: {  	s8 =	sadd.s32 $0xFFFFE003, lr  }
0x1b: {  	s9 =	sadd.s32 $0xFFFFFEF7, lr;
	s5 =	simm.s32 $0xFFFFFFFF;
	p2 =	slt.u32 s8, $0xFFFFF086  }
0x1c: {  	p1 =	slt.u32 s9, $0xF7A;
	s5 =	simm.s32 @!p2 $0x0  }
0x1d: {  	s5 =	simm.s32 @p1 $0x1;
	p0 =	seq.s32 s7, s2  }
0x1e: {  	s7 =	smul.u32 @!p0 $0xF7A, s2;
	p2 =	seq.s32 @!p0 s5, $0x0  }
0x1f: {  	s9 =	smul.u32 $0xF7A, s1;
	s8 =	simm.s32 @!p0 $0x1BF5;
	p2 =	por !p2, p0  }
0x20: {  	[sflag:s8] =	ssyncset.s32 @!p0 $0xFFFFF086;
	s6 =	sadd.s32 @!p0 s3, s7;
	s7 =	simm.s32 @!p0 $0x108  }
0x21: {  	s3 =	sadd.s32 s3, s9;
	s6 =	sadd.s32 @!p0 $0x88, s6;
	s7 =	simm.s32 @p2 $0x1082  }
0x22: {  	[simem:s7], [sflag:s8] =	dma.local @!p0 [hbm:s6], $0xF7A  }
0x23: {  	s9 =	sor.u32 $0xD0000000, s2;
	s6 =	simm.s32 $0x108;
	_ =	swait.ge @!p0 [sflag:s8], $0x0  }
0x24: {  	s3 =	sadd.s32 $0x88, s3;
	s6 =	simm.s32 @!p1 $0x1082;
	[sflag:s4] =	ssyncset.s32 $0xFFFFF086  }
0x25: {  	[simem:s6], [sflag:s4] =	dma.local [hbm:s3], $0xF7A  }
0x26: {  	[smem:$0x3F9F] =	sst s1;
	(tag) =	ssettag s2;
	_ =	strace s9  }
0x27: {  	s1 =	sld [smem:$0x3FAF]  }
0x28: {  	s2 =	sld [smem:$0x3FB0]  }
0x29: {  	s4 =	sld [smem:$0x3FB2]  }
0x2a: {  	p0 =	seq.s32 s5, $0x0;
	s5 =	sld [smem:$0x3FB3]  }
0x2b: {  	s6 =	sld [smem:$0x3FB4]  }
0x2c: {  	s7 =	sld [smem:$0x3FB5]  }
0x2d: {  	s3 =	simm.s32 $0x108;
	s8 =	sld [smem:$0x3FB6]  }
0x2e: {  	s3 =	simm.s32 @!p0 $0x1082;
	s9 =	sld [smem:$0x3FB7]  }
0x2f: {  	lr =	sadd.s32 s0, s3;
	s0 =	sld [smem:$0x3FAE]  }
0x30: {  	s3 =	sld [smem:$0x3FB1]  }
0x31: {  	[smem:$0x3FBA] =	sst s10  }
0x32: {  	s10 =	sld [smem:$0x3FB8];
	_ =	sdelay $0x3  }
0x33: {  	p0 =	seq.s32 s10, $0x1;
	s10 =	sld [smem:$0x3FBA];
	_ =	sdelay $0x3  }
0x34: {  	[smem:$0x3FBA] =	sst s10  }
0x35: {  	s10 =	sld [smem:$0x3FB9];
	_ =	sdelay $0x3  }
0x36: {  	p1 =	seq.s32 s10, $0x1;
	s10 =	sld [smem:$0x3FBA];
	_ =	sdelay $0x3  }
0x37: {  	[smem:$0x3FBA] =	sst s10  }
0x38: {  	s10 =	sld [smem:$0x3FBB]  }
0x39: {  	_ = 	snop;
	(pc) =	sbr.ind lr, $3  }
0x3a: {  	_ = 	snop  }
0x3b: {  	_ = 	snop  }
0x3c: {  	p2 =	seq.s32 s10, $0x1;
	s10 =	sld [smem:$0x3FBA]  }
0x3d: {  	_ =	shalt  }
0x3e: {  	_ =	shalt  }
0x3f: {  	_ =	shalt  }
0x40: {  	_ =	shalt  }
0x41: {  	_ =	shalt  }
0x42: {  	_ =	shalt  }
0x43: {  	_ =	shalt  }
0x44: {  	_ =	shalt  }
0x45: {  	_ =	shalt  }
0x46: {  	_ =	shalt  }
0x47: {  	_ =	shalt  }
0x48: {  	_ =	shalt  }
0x49: {  	_ =	shalt  }
0x4a: {  	_ =	shalt  }
0x4b: {  	_ =	shalt  }
0x4c: {  	_ =	shalt  }
0x4d: {  	_ =	shalt  }
0x4e: {  	_ =	shalt  }
0x4f: {  	_ =	shalt  }
0x50: {  	_ =	shalt  }
0x51: {  	_ =	shalt  }
0x52: {  	_ =	shalt  }
0x53: {  	_ =	shalt  }
0x54: {  	_ =	shalt  }
0x55: {  	_ =	shalt  }
0x56: {  	_ =	shalt  }
0x57: {  	_ =	shalt  }
0x58: {  	_ =	shalt  }
0x59: {  	_ =	shalt  }
0x5a: {  	_ =	shalt  }
0x5b: {  	_ =	shalt  }
0x5c: {  	_ =	shalt  }
0x5d: {  	_ =	shalt  }
0x5e: {  	_ =	shalt  }
0x5f: {  	_ =	shalt  }
0x60: {  	_ =	shalt  }
0x61: {  	_ =	shalt  }
0x62: {  	_ =	shalt  }
0x63: {  	_ =	shalt  }
0x64: {  	_ =	shalt  }
0x65: {  	_ =	shalt  }
0x66: {  	_ =	shalt  }
0x67: {  	_ =	shalt  }
0x68: {  	_ =	shalt  }
0x69: {  	_ =	shalt  }
0x6a: {  	_ =	shalt  }
0x6b: {  	_ =	shalt  }
0x6c: {  	_ =	shalt  }
0x6d: {  	_ =	shalt  }
0x6e: {  	_ =	shalt  }
0x6f: {  	_ =	shalt  }
0x70: {  	_ =	shalt  }
0x71: {  	_ =	shalt  }
0x72: {  	_ =	shalt  }
0x73: {  	_ =	shalt  }
0x74: {  	_ =	shalt  }
0x75: {  	_ =	shalt  }
0x76: {  	_ =	shalt  }
0x77: {  	_ =	shalt  }
0x78: {  	_ =	shalt  }
0x79: {  	_ =	shalt  }
0x7a: {  	_ =	shalt  }
0x7b: {  	_ =	shalt  }
0x7c: {  	_ =	shalt  }
0x7d: {  	_ =	shalt  }
0x7e: {  	_ =	shalt  }
0x7f: {  	_ =	shalt  }
0x80: {  	_ =	shalt  }
0x81: {  	_ =	shalt  }
0x82: {  	_ =	shalt  }
0x83: {  	_ =	shalt  }
0x84: {  	_ =	shalt  }
0x85: {  	_ =	shalt  }
0x86: {  	_ =	shalt  }
0x87: {  	_ =	shalt  }
.Lfunc_end0:
.L_simem_size_0:
called_computation_lowered:
.L_overlay_start_0:
0x88: {  	s2 =	sld [smem:$0x3FD9]  }
0x89: {  	s3 =	sld [smem:$0x3FFE];
	_ =	sdelay $0x1  }
0x8a: {  	s1 =	srdreg.scid  }
0x8b: {  	s0 =	sand.u32 $0x1, s1  }
0x8c: {  	s17 =	sshll.u32 s0, $0xA;
	s2 =	sadd.s32 s3, s2  }
0x8d: {  	s2 =	sadd.s32 s2, s17  }
0x8e: {  	[smem:$0x3FC6] =	sst s2  }
0x8f: {  	_ = 	snop  }
0x90: {  	s2 =	sld [smem:$0x3FD0];
	(tm) =	ssettm $0x1  }
0x91: {  	s18 =	sld [smem:$0x3FFB];
	_ =	sdelay $0x3  }
0x92: {  	_ =	strace s18  }
0x93: {  	s3 =	sld [smem:$0x3FFC];
	_ =	sdelay $0x3  }
0x94: {  	_ =	strace s3  }
0x95: {  	s3 =	sld [smem:$0x3FFD];
	_ =	sdelay $0x3  }
0x96: {  	_ =	strace s3  }
0x97: {  	_ =	strace $0x8FFFFFFF  }
0x98: {  	s19 =	sld [smem:$0x3FDB];
	_ =	sdelay $0x1  }
0x99: {  	s4 =	simm.s32 $_scs_section_size  }
0x9a: {  	s5 =	simm.s32 $_size__tile_overlayer_lowered;
	s6 =	simm.s32 $_tile_overlayer_lowered  }
0x9b: {  	s22 =	simm.s32 $0x1BFF;
	s21 =	sshll.u32 s6, $0x1;
	s3 =	sadd.s32 s4, s19  }
0x9c: {  	s7 =	simm.s32 $0x0;
	s20 =	sshll.u32 s5, $0x1;
	s5 =	sadd.s32 s21, s3  }
0x9d: {  	[timem:s7], [sflag:s22] =	dma.local [hbm:s5], s20  }
0x9e: {  	_ =	swait.ge [sflag:s22], s20  }
0x9f: {  	s4 =	ssub.s32 $0x0, s20;
	[sflag:s22] =	ssyncset.done $0x0  }
0xa0: {  	[sflag:s22] =	ssyncadd.s32 s4;
	_ =	sdelay $0x1  }
0xa1: {  	s23 =	simm.s32 $0x1B8B  }
0xa2: {  	_ =	swait.ge [sflag:s23], $0x1  }
0xa3: {  	[sflag:s23] =	ssyncset.done $0x0  }
0xa4: {  	s25 =	simm.s32 $0x1B8E;
	s24 =	sld [smem:$0x3FFE];
	[sflag:s23] =	ssyncadd.s32 $0xFFFFFFFF  }
0xa5: {  	s26 =	simm.s32 $execute0_lowered;
	[smem:$0x3FD2] =	sst s25  }
0xa6: {  	s5 =	sshll.u32 s26, $0x1;
	_ =	strace $0x80000046;
	[dreg:$0x1] =	wrdreg $0xFFFFFFFF  }
0xa7: {  	s28 =	simm.s32 $_size_execute0_lowered;
	s3 =	sadd.s32 s3, s5;
	[dreg:$0x0] =	wrdreg $0x0  }
0xa8: {  	s5 =	sshll.u32 s28, $0x1;
	[dreg:$0x2] =	wrdreg s3  }
0xa9: {  	[dreg:$0x3] =	wrdreg s5  }
0xaa: {  	[dreg:$0x4] =	wrdreg $0xC0  }
0xab: {  	_ =	task [dreg:s7], $0x5FFFF  }
0xac: {  	[dreg:$0x1] =	wrdreg $0xFFFFFFFF  }
0xad: {  	[dreg:$0x0] =	wrdreg $0x60  }
0xae: {  	[dreg:$0x2] =	wrdreg s24  }
0xaf: {  	[dreg:$0x3] =	wrdreg s2  }
0xb0: {  	[dreg:$0x4] =	wrdreg $0x9  }
0xb1: {  	_ =	task.clear_ibuf [dreg:s7], $0x5FFFF;
	_ =	strace $0x90000046  }
0xb2: {  	s29 =	simm.s32 $0x9;
	_ =	strace $0x80000048  }
0xb3: {  	_ =	swait.ge [sflag:s29], $0x1  }
0xb4: {  	[sflag:s29] =	ssyncadd.s32 $0xFFFFFFFF  }
0xb5: {  	_ =	strace $0x90000048  }
0xb6: {  	_ =	sfence  }
0xb7: {  	s30 =	sld [smem:$0x0];
	_ =	sdelay $0x2  }
0xb8: {  	s31 =	sshll.u32 s1, $0xD;
	s1 =	sshrl.u32 s1, $0x2  }
0xb9: {  	s3 =	sand.u32 $0x4000, s31;
	s1 =	sadd.s32 s1, s30  }
0xba: {  	s0 =	sor.u32 s3, s0;
	s1 =	sshll.u32 s1, $0x11  }
0xbb: {  	s0 =	sor.u32 s1, s0  }
0xbc: {  	s0 =	sadd.s32 $0x8F2B, s0  }
0xbd: {  	[sflag:s0] =	ssyncadd.remote.s32 $0x1  }
0xbe: {  	_ =	sfence.sel $0xFFFF  }
0xbf: {  	[dreg:$0x0] =	wrdreg $0xFFFFFFFF;
	(pc) =	sbr.abs _section_cstart, $3  }
0xc0: {  	[dreg:$0x1] =	wrdreg $0xFFFFFFFF  }
0xc1: {  	_ =	task.clear_ibuf [dreg:s7], $0x2FFFF;
	_ =	strace $0x9FFFFFFF  }
0xc2: {  	(tm) =	ssettm $0x7FFFFFFF  }
0xc3: {  	_ =	shalt  }
tec
execute0_lowered:
.L_overlay_start_1:
0x0: {  	(tag) =	ssettag $0x1  }
0x1: {  	s3 =	srdreg.scid  }
0x2: {  	s4 =	stileid.u32;
	s3 =	sand.u32 $0x1, s3  }
0x3: {  	s0 =	rddreg [dreg:$0x0];
	s4 =	sshll.u32 s4, $0x7;
	s5 =	sshll.u32 s3, $0x6  }
0x4: {  	s1 =	rddreg [dreg:$0x1];
	s2 =	simm.s32 $0x0;
	s4 =	sor.u32 s5, s4  }
0x5: {  	[smem:$0x7FF] =	sst s2;
	s14 =	sadd.s32 s4, s0;
	s22 =	sadd.s32 s1, s4  }
0x6: {  	_ =	strace $0x80000047;
	s25 =	sadd.s32 $0x4FE00, s14;
	[dreg:$0x15] =	wrdreg s22  }
0x7: {  	s26 =	sadd.s32 $0x50600, s14;
	[dreg:$0x3] =	wrdreg s25  }
0x8: {  	s28 =	sadd.s32 $0x50E00, s14;
	[dreg:$0x4] =	wrdreg s26  }
0x9: {  	s5 =	sadd.s32 $0x51600, s14;
	[dreg:$0x5] =	wrdreg s28  }
0xa: {  	s6 =	sadd.s32 $0x51E00, s14;
	[dreg:$0x6] =	wrdreg s5  }
0xb: {  	s7 =	sadd.s32 $0x52600, s14;
	[dreg:$0x7] =	wrdreg s6  }
0xc: {  	s8 =	sadd.s32 $0x52E00, s14;
	[dreg:$0x8] =	wrdreg s7  }
0xd: {  	s9 =	sadd.s32 $0x53600, s14;
	[dreg:$0x9] =	wrdreg s8  }
0xe: {  	s10 =	sadd.s32 $0x53E00, s14;
	[dreg:$0xa] =	wrdreg s9  }
0xf: {  	s11 =	sadd.s32 $0x54600, s14;
	[dreg:$0xb] =	wrdreg s10  }
0x10: {  	s23 =	ssub.s32 $0x2, s3;
	s12 =	sadd.s32 $0x54E00, s14;
	[dreg:$0xc] =	wrdreg s11  }
0x11: {  	s3 =	sadd.s32 $0x600, s0;
	s13 =	sadd.s32 $0x55600, s14;
	[dreg:$0xd] =	wrdreg s12  }
0x12: {  	s24 =	sshrl.u32 s23, $0x1;
	s16 =	sadd.s32 $0x55E00, s14;
	[dreg:$0xe] =	wrdreg s13  }
0x13: {  	s15 =	ssub.s32 s23, s24;
	s17 =	sadd.s32 $0x56600, s14;
	[dreg:$0xf] =	wrdreg s16  }
0x14: {  	s18 =	sadd.s32 $0x56E00, s14;
	s19 =	sadd.s32 $0x57600, s14;
	[dreg:$0x10] =	wrdreg s17  }
0x15: {  	s20 =	sadd.s32 $0x57E00, s14;
	s21 =	sadd.s32 $0x58600, s14;
	[dreg:$0x11] =	wrdreg s18  }
0x16: {  	s23 =	sadd.s32 $0x58E00, s14;
	s24 =	sadd.s32 $0x59600, s14;
	[dreg:$0x12] =	wrdreg s19  }
0x17: {  	s29 =	sadd.s32 $0x5B600, s14;
	s30 =	sadd.s32 $0x5BE00, s14;
	[dreg:$0x13] =	wrdreg s20  }
0x18: {  	s31 =	sadd.s32 $0x5C600, s14;
	s0 =	sadd.s32 $0x5CE00, s14;
	[dreg:$0x14] =	wrdreg s21  }
0x19: {  	s1 =	sadd.s32 $0x5D600, s14;
	s4 =	sadd.s32 $0x5DE00, s14;
	[dreg:$0x16] =	wrdreg s23  }
0x1a: {  	s15 =	smax.u32 s15, $0x1;
	[dreg:$0x17] =	wrdreg s24;
	s25 =	sadd.s32 $0x59E00, s14  }
0x1b: {  	s26 =	sadd.s32 $0x5A600, s14;
	s28 =	sadd.s32 $0x5AE00, s14;
	s5 =	sadd.s32 $0x5E600, s14  }
0x1c: {  	s6 =	sadd.s32 $0x5EE00, s14;
	s7 =	sadd.s32 $0x5F600, s14;
	s8 =	sadd.s32 $0x5FE00, s14  }
0x1d: {  	s9 =	sadd.s32 $0x60600, s14;
	s10 =	sadd.s32 $0x60E00, s14;
	s11 =	sadd.s32 $0x61600, s14  }
0x1e: {  	s12 =	sadd.s32 $0x61E00, s14;
	s13 =	sadd.s32 $0x62600, s14;
	[dreg:$0x18] =	wrdreg s25  }
0x1f: {  	s14 =	sadd.s32 $0x62E00, s14;
	s16 =	simm.s32 $0x1;
	[dreg:$0x19] =	wrdreg s26  }
0x20: {  	s17 =	simm.s32 $0x2;
	s18 =	simm.s32 $0x0;
	[dreg:$0x1a] =	wrdreg s28  }
.LBB2_1:
0x21: {  	s19 =	rddreg [dreg:$0x3]  }
0x22: {  	[tilespmem:s2], [sflag:$0x1] =	stream.linear.gather [hbm4b:s19+s2], $0x200, $0x38;
	[tilespmem:$0xB800] =	vst v63  }
0x23: {  	s21 =	rddreg [dreg:$0x4];
	s20 =	simm.s32 $0x200  }
0x24: {  	[tilespmem:s20], [sflag:$0x1] =	stream.linear.gather [hbm4b:s21+s2], $0x200, $0x38;
	[tilespmem:$0xB800] =	vst v63  }
0x25: {  	s22 =	rddreg [dreg:$0x5];
	s23 =	simm.s32 $0x400  }
0x26: {  	[tilespmem:s23], [sflag:$0x1] =	stream.linear.gather [hbm4b:s22+s2], $0x200, $0x38;
	[tilespmem:$0xB800] =	vst v63  }
0x27: {  	s24 =	rddreg [dreg:$0x6];
	s25 =	simm.s32 $0x600  }
0x28: {  	[tilespmem:s25], [sflag:$0x1] =	stream.linear.gather [hbm4b:s24+s2], $0x200, $0x38;
	[tilespmem:$0xB800] =	vst v63  }
0x29: {  	s26 =	rddreg [dreg:$0x7];
	s28 =	simm.s32 $0x800  }
0x2a: {  	[tilespmem:s28], [sflag:$0x1] =	stream.linear.gather [hbm4b:s26+s2], $0x200, $0x38;
	[tilespmem:$0xB800] =	vst v63  }
0x2b: {  	s20 =	rddreg [dreg:$0x8];
	s21 =	simm.s32 $0xA00  }
0x2c: {  	[tilespmem:s21], [sflag:$0x1] =	stream.linear.gather [hbm4b:s20+s2], $0x200, $0x38;
	[tilespmem:$0xB800] =	vst v63  }
0x2d: {  	s22 =	rddreg [dreg:$0x9];
	s23 =	simm.s32 $0xC00  }
0x2e: {  	[tilespmem:s23], [sflag:$0x1] =	stream.linear.gather [hbm4b:s22+s2], $0x200, $0x38;
	[tilespmem:$0xB800] =	vst v63  }
0x2f: {  	s24 =	rddreg [dreg:$0xa];
	s25 =	simm.s32 $0xE00  }
0x30: {  	[tilespmem:s25], [sflag:$0x1] =	stream.linear.gather [hbm4b:s24+s2], $0x200, $0x38;
	[tilespmem:$0xB800] =	vst v63  }
0x31: {  	s26 =	rddreg [dreg:$0xb];
	s28 =	simm.s32 $0x1000  }
0x32: {  	[tilespmem:s28], [sflag:$0x1] =	stream.linear.gather [hbm4b:s26+s2], $0x200, $0x38;
	[tilespmem:$0xB800] =	vst v63  }
0x33: {  	s20 =	rddreg [dreg:$0xc];
	s21 =	simm.s32 $0x1200  }
0x34: {  	[tilespmem:s21], [sflag:$0x1] =	stream.linear.gather [hbm4b:s20+s2], $0x200, $0x38;
	[tilespmem:$0xB800] =	vst v63  }
0x35: {  	s22 =	rddreg [dreg:$0xd];
	s23 =	simm.s32 $0x1400  }
0x36: {  	[tilespmem:s23], [sflag:$0x1] =	stream.linear.gather [hbm4b:s22+s2], $0x200, $0x38;
	[tilespmem:$0xB800] =	vst v63  }
0x37: {  	s24 =	rddreg [dreg:$0xe];
	s25 =	simm.s32 $0x1600  }
0x38: {  	[tilespmem:s25], [sflag:$0x1] =	stream.linear.gather [hbm4b:s24+s2], $0x200, $0x38;
	[tilespmem:$0xB800] =	vst v63  }
0x39: {  	s26 =	rddreg [dreg:$0xf];
	s28 =	simm.s32 $0x1800  }
0x3a: {  	[tilespmem:s28], [sflag:$0x1] =	stream.linear.gather [hbm4b:s26+s2], $0x200, $0x38;
	[tilespmem:$0xB800] =	vst v63  }
0x3b: {  	s20 =	rddreg [dreg:$0x10];
	s21 =	simm.s32 $0x1A00  }
0x3c: {  	[tilespmem:s21], [sflag:$0x1] =	stream.linear.gather [hbm4b:s20+s2], $0x200, $0x38;
	[tilespmem:$0xB800] =	vst v63  }
0x3d: {  	s22 =	rddreg [dreg:$0x11];
	s23 =	simm.s32 $0x1C00  }
0x3e: {  	[tilespmem:s23], [sflag:$0x1] =	stream.linear.gather [hbm4b:s22+s2], $0x200, $0x38;
	[tilespmem:$0xB800] =	vst v63  }
0x3f: {  	s24 =	rddreg [dreg:$0x12];
	s25 =	simm.s32 $0x1E00  }
0x40: {  	[tilespmem:s25], [sflag:$0x1] =	stream.linear.gather [hbm4b:s24+s2], $0x200, $0x38;
	[tilespmem:$0xB800] =	vst v63  }
0x41: {  	s26 =	rddreg [dreg:$0x13];
	s28 =	simm.s32 $0x2000  }
0x42: {  	[tilespmem:s28], [sflag:$0x1] =	stream.linear.gather [hbm4b:s26+s2], $0x200, $0x38;
	[tilespmem:$0xB800] =	vst v63  }
0x43: {  	s20 =	rddreg [dreg:$0x14];
	s21 =	simm.s32 $0x2200  }
0x44: {  	[tilespmem:s21], [sflag:$0x1] =	stream.linear.gather [hbm4b:s20+s2], $0x200, $0x38;
	[tilespmem:$0xB800] =	vst v63  }
0x45: {  	s22 =	rddreg [dreg:$0x16];
	s23 =	simm.s32 $0x2400  }
0x46: {  	[tilespmem:s23], [sflag:$0x1] =	stream.linear.gather [hbm4b:s22+s2], $0x200, $0x38;
	[tilespmem:$0xB800] =	vst v63  }
0x47: {  	s24 =	rddreg [dreg:$0x17];
	s25 =	simm.s32 $0x2600  }
0x48: {  	[tilespmem:s25], [sflag:$0x1] =	stream.linear.gather [hbm4b:s24+s2], $0x200, $0x38;
	[tilespmem:$0xB800] =	vst v63  }
0x49: {  	s26 =	rddreg [dreg:$0x18];
	s28 =	simm.s32 $0x2800  }
0x4a: {  	[tilespmem:s28], [sflag:$0x1] =	stream.linear.gather [hbm4b:s26+s2], $0x200, $0x38;
	[tilespmem:$0xB800] =	vst v63  }
0x4b: {  	s21 =	rddreg [dreg:$0x19];
	s22 =	simm.s32 $0x2A00  }
0x4c: {  	[tilespmem:s22], [sflag:$0x1] =	stream.linear.gather [hbm4b:s21+s2], $0x200, $0x38;
	[tilespmem:$0xB800] =	vst v63  }
0x4d: {  	s23 =	rddreg [dreg:$0x1a];
	s24 =	simm.s32 $0x2C00  }
0x4e: {  	[tilespmem:s24], [sflag:$0x1] =	stream.linear.gather [hbm4b:s23+s2], $0x200, $0x38;
	[tilespmem:$0xB800] =	vst v63  }
0x4f: {  	s25 =	simm.s32 $0x2E00  }
0x50: {  	[tilespmem:s25], [sflag:$0x1] =	stream.linear.gather [hbm4b:s29+s2], $0x200, $0x38;
	[tilespmem:$0xB800] =	vst v63  }
0x51: {  	s26 =	simm.s32 $0x3000  }
0x52: {  	[tilespmem:s26], [sflag:$0x1] =	stream.linear.gather [hbm4b:s30+s2], $0x200, $0x38;
	[tilespmem:$0xB800] =	vst v63  }
0x53: {  	s28 =	simm.s32 $0x3200  }
0x54: {  	[tilespmem:s28], [sflag:$0x1] =	stream.linear.gather [hbm4b:s31+s2], $0x200, $0x38;
	[tilespmem:$0xB800] =	vst v63  }
0x55: {  	s20 =	simm.s32 $0x3400  }
0x56: {  	[tilespmem:s20], [sflag:$0x1] =	stream.linear.gather [hbm4b:s0+s2], $0x200, $0x38;
	[tilespmem:$0xB800] =	vst v63  }
0x57: {  	s21 =	simm.s32 $0x3600  }
0x58: {  	[tilespmem:s21], [sflag:$0x1] =	stream.linear.gather [hbm4b:s1+s2], $0x200, $0x38;
	[tilespmem:$0xB800] =	vst v63  }
0x59: {  	s22 =	simm.s32 $0x3800  }
0x5a: {  	[tilespmem:s22], [sflag:$0x1] =	stream.linear.gather [hbm4b:s4+s2], $0x200, $0x38;
	[tilespmem:$0xB800] =	vst v63  }
0x5b: {  	s23 =	simm.s32 $0x3A00  }
0x5c: {  	[tilespmem:s23], [sflag:$0x1] =	stream.linear.gather [hbm4b:s5+s2], $0x200, $0x38;
	[tilespmem:$0xB800] =	vst v63  }
0x5d: {  	s24 =	simm.s32 $0x3C00  }
0x5e: {  	[tilespmem:s24], [sflag:$0x1] =	stream.linear.gather [hbm4b:s6+s2], $0x200, $0x38;
	[tilespmem:$0xB800] =	vst v63  }
0x5f: {  	s25 =	simm.s32 $0x3E00  }
0x60: {  	[tilespmem:s25], [sflag:$0x1] =	stream.linear.gather [hbm4b:s7+s2], $0x200, $0x38;
	[tilespmem:$0xB800] =	vst v63  }
0x61: {  	s26 =	simm.s32 $0x4000  }
0x62: {  	[tilespmem:s26], [sflag:$0x1] =	stream.linear.gather [hbm4b:s8+s2], $0x200, $0x38;
	[tilespmem:$0xB800] =	vst v63  }
0x63: {  	s28 =	simm.s32 $0x4200  }
0x64: {  	[tilespmem:s28], [sflag:$0x1] =	stream.linear.gather [hbm4b:s9+s2], $0x200, $0x38;
	[tilespmem:$0xB800] =	vst v63  }
0x65: {  	s20 =	simm.s32 $0x4400  }
0x66: {  	[tilespmem:s20], [sflag:$0x1] =	stream.linear.gather [hbm4b:s10+s2], $0x200, $0x38;
	[tilespmem:$0xB800] =	vst v63  }
0x67: {  	s21 =	simm.s32 $0x4600  }
0x68: {  	[tilespmem:s21], [sflag:$0x1] =	stream.linear.gather [hbm4b:s11+s2], $0x200, $0x38;
	[tilespmem:$0xB800] =	vst v63  }
0x69: {  	s22 =	simm.s32 $0x4800  }
0x6a: {  	[tilespmem:s22], [sflag:$0x1] =	stream.linear.gather [hbm4b:s12+s2], $0x200, $0x38;
	[tilespmem:$0xB800] =	vst v63  }
0x6b: {  	s23 =	simm.s32 $0x4A00  }
0x6c: {  	[tilespmem:s23], [sflag:$0x1] =	stream.linear.gather [hbm4b:s13+s2], $0x200, $0x38;
	[tilespmem:$0xB800] =	vst v63  }
0x6d: {  	s24 =	simm.s32 $0x4C00  }
0x6e: {  	[tilespmem:s24], [sflag:$0x1] =	stream.linear.gather [hbm4b:s14+s2], $0x200, $0x38;
	[tilespmem:$0xB800] =	vst v63  }
0x6f: {  	_ =	swait.ge [sflag:s16], $0x200  }
0x70: {  	[sflag:s16] =	ssyncset.done $0x0  }
0x71: {  	[sflag:s16] =	ssyncadd.s32 $0xFFFFFE00  }
0x72: {  	_ =	swait.ge [sflag:s16], $0x200  }
0x73: {  	[sflag:s16] =	ssyncset.done $0x0  }
0x74: {  	[sflag:s16] =	ssyncadd.s32 $0xFFFFFE00  }
0x75: {  	_ =	swait.ge [sflag:s16], $0x200  }
0x76: {  	[sflag:s16] =	ssyncset.done $0x0  }
0x77: {  	[sflag:s16] =	ssyncadd.s32 $0xFFFFFE00  }
0x78: {  	_ =	swait.ge [sflag:s16], $0x200  }
0x79: {  	[sflag:s16] =	ssyncset.done $0x0  }
0x7a: {  	[sflag:s16] =	ssyncadd.s32 $0xFFFFFE00  }
0x7b: {  	_ =	swait.ge [sflag:s16], $0x200  }
0x7c: {  	[sflag:s16] =	ssyncset.done $0x0  }
0x7d: {  	[sflag:s16] =	ssyncadd.s32 $0xFFFFFE00  }
0x7e: {  	_ =	swait.ge [sflag:s16], $0x200  }
0x7f: {  	[sflag:s16] =	ssyncset.done $0x0  }
0x80: {  	[sflag:s16] =	ssyncadd.s32 $0xFFFFFE00  }
0x81: {  	_ =	swait.ge [sflag:s16], $0x200  }
0x82: {  	[sflag:s16] =	ssyncset.done $0x0  }
0x83: {  	[sflag:s16] =	ssyncadd.s32 $0xFFFFFE00  }
0x84: {  	_ =	swait.ge [sflag:s16], $0x200  }
0x85: {  	[sflag:s16] =	ssyncset.done $0x0  }
0x86: {  	[sflag:s16] =	ssyncadd.s32 $0xFFFFFE00  }
0x87: {  	_ =	swait.ge [sflag:s16], $0x200  }
0x88: {  	[sflag:s16] =	ssyncset.done $0x0  }
0x89: {  	[sflag:s16] =	ssyncadd.s32 $0xFFFFFE00  }
0x8a: {  	_ =	swait.ge [sflag:s16], $0x200  }
0x8b: {  	[sflag:s16] =	ssyncset.done $0x0  }
0x8c: {  	[sflag:s16] =	ssyncadd.s32 $0xFFFFFE00  }
0x8d: {  	_ =	swait.ge [sflag:s16], $0x200  }
0x8e: {  	[sflag:s16] =	ssyncset.done $0x0  }
0x8f: {  	[sflag:s16] =	ssyncadd.s32 $0xFFFFFE00  }
0x90: {  	_ =	swait.ge [sflag:s16], $0x200  }
0x91: {  	[sflag:s16] =	ssyncset.done $0x0  }
0x92: {  	[sflag:s16] =	ssyncadd.s32 $0xFFFFFE00  }
0x93: {  	_ =	swait.ge [sflag:s16], $0x200  }
0x94: {  	[sflag:s16] =	ssyncset.done $0x0  }
0x95: {  	[sflag:s16] =	ssyncadd.s32 $0xFFFFFE00  }
0x96: {  	_ =	swait.ge [sflag:s16], $0x200  }
0x97: {  	[sflag:s16] =	ssyncset.done $0x0  }
0x98: {  	[sflag:s16] =	ssyncadd.s32 $0xFFFFFE00  }
0x99: {  	_ =	swait.ge [sflag:s16], $0x200  }
0x9a: {  	[sflag:s16] =	ssyncset.done $0x0  }
0x9b: {  	[sflag:s16] =	ssyncadd.s32 $0xFFFFFE00  }
0x9c: {  	_ =	swait.ge [sflag:s16], $0x200  }
0x9d: {  	[sflag:s16] =	ssyncset.done $0x0  }
0x9e: {  	[sflag:s16] =	ssyncadd.s32 $0xFFFFFE00  }
0x9f: {  	_ =	swait.ge [sflag:s16], $0x200  }
0xa0: {  	[sflag:s16] =	ssyncset.done $0x0  }
0xa1: {  	[sflag:s16] =	ssyncadd.s32 $0xFFFFFE00  }
0xa2: {  	_ =	swait.ge [sflag:s16], $0x200  }
0xa3: {  	[sflag:s16] =	ssyncset.done $0x0  }
0xa4: {  	[sflag:s16] =	ssyncadd.s32 $0xFFFFFE00  }
0xa5: {  	_ =	swait.ge [sflag:s16], $0x200  }
0xa6: {  	[sflag:s16] =	ssyncset.done $0x0  }
0xa7: {  	[sflag:s16] =	ssyncadd.s32 $0xFFFFFE00  }
0xa8: {  	_ =	swait.ge [sflag:s16], $0x200  }
0xa9: {  	[sflag:s16] =	ssyncset.done $0x0  }
0xaa: {  	[sflag:s16] =	ssyncadd.s32 $0xFFFFFE00  }
0xab: {  	_ =	swait.ge [sflag:s16], $0x200  }
0xac: {  	[sflag:s16] =	ssyncset.done $0x0  }
0xad: {  	[sflag:s16] =	ssyncadd.s32 $0xFFFFFE00  }
0xae: {  	_ =	swait.ge [sflag:s16], $0x200  }
0xaf: {  	[sflag:s16] =	ssyncset.done $0x0  }
0xb0: {  	[sflag:s16] =	ssyncadd.s32 $0xFFFFFE00  }
0xb1: {  	_ =	swait.ge [sflag:s16], $0x200  }
0xb2: {  	[sflag:s16] =	ssyncset.done $0x0  }
0xb3: {  	[sflag:s16] =	ssyncadd.s32 $0xFFFFFE00  }
0xb4: {  	_ =	swait.ge [sflag:s16], $0x200  }
0xb5: {  	[sflag:s16] =	ssyncset.done $0x0  }
0xb6: {  	[sflag:s16] =	ssyncadd.s32 $0xFFFFFE00  }
0xb7: {  	_ =	swait.ge [sflag:s16], $0x200  }
0xb8: {  	[sflag:s16] =	ssyncset.done $0x0  }
0xb9: {  	[sflag:s16] =	ssyncadd.s32 $0xFFFFFE00  }
0xba: {  	_ =	swait.ge [sflag:s16], $0x200  }
0xbb: {  	[sflag:s16] =	ssyncset.done $0x0  }
0xbc: {  	[sflag:s16] =	ssyncadd.s32 $0xFFFFFE00  }
0xbd: {  	_ =	swait.ge [sflag:s16], $0x200  }
0xbe: {  	[sflag:s16] =	ssyncset.done $0x0  }
0xbf: {  	[sflag:s16] =	ssyncadd.s32 $0xFFFFFE00  }
0xc0: {  	_ =	swait.ge [sflag:s16], $0x200  }
0xc1: {  	[sflag:s16] =	ssyncset.done $0x0  }
0xc2: {  	[sflag:s16] =	ssyncadd.s32 $0xFFFFFE00  }
0xc3: {  	_ =	swait.ge [sflag:s16], $0x200  }
0xc4: {  	[sflag:s16] =	ssyncset.done $0x0  }
0xc5: {  	[sflag:s16] =	ssyncadd.s32 $0xFFFFFE00  }
0xc6: {  	_ =	swait.ge [sflag:s16], $0x200  }
0xc7: {  	[sflag:s16] =	ssyncset.done $0x0  }
0xc8: {  	[sflag:s16] =	ssyncadd.s32 $0xFFFFFE00  }
0xc9: {  	_ =	swait.ge [sflag:s16], $0x200  }
0xca: {  	[sflag:s16] =	ssyncset.done $0x0  }
0xcb: {  	[sflag:s16] =	ssyncadd.s32 $0xFFFFFE00  }
0xcc: {  	_ =	swait.ge [sflag:s16], $0x200  }
0xcd: {  	[sflag:s16] =	ssyncset.done $0x0  }
0xce: {  	[sflag:s16] =	ssyncadd.s32 $0xFFFFFE00  }
0xcf: {  	_ =	swait.ge [sflag:s16], $0x200  }
0xd0: {  	[sflag:s16] =	ssyncset.done $0x0  }
0xd1: {  	[sflag:s16] =	ssyncadd.s32 $0xFFFFFE00  }
0xd2: {  	_ =	swait.ge [sflag:s16], $0x200  }
0xd3: {  	[sflag:s16] =	ssyncset.done $0x0  }
0xd4: {  	[sflag:s16] =	ssyncadd.s32 $0xFFFFFE00  }
0xd5: {  	_ =	swait.ge [sflag:s16], $0x200  }
0xd6: {  	[sflag:s16] =	ssyncset.done $0x0  }
0xd7: {  	[sflag:s16] =	ssyncadd.s32 $0xFFFFFE00  }
0xd8: {  	_ =	swait.ge [sflag:s16], $0x200  }
0xd9: {  	[sflag:s16] =	ssyncset.done $0x0  }
0xda: {  	[sflag:s16] =	ssyncadd.s32 $0xFFFFFE00  }
0xdb: {  	_ =	swait.ge [sflag:s16], $0x200  }
0xdc: {  	[sflag:s16] =	ssyncset.done $0x0  }
0xdd: {  	[sflag:s16] =	ssyncadd.s32 $0xFFFFFE00  }
0xde: {  	_ =	swait.ge [sflag:s16], $0x200  }
0xdf: {  	[sflag:s16] =	ssyncset.done $0x0  }
0xe0: {  	[sflag:s16] =	ssyncadd.s32 $0xFFFFFE00  }
0xe1: {  	_ =	swait.ge [sflag:s16], $0x200  }
0xe2: {  	[sflag:s16] =	ssyncset.done $0x0  }
0xe3: {  	[sflag:s16] =	ssyncadd.s32 $0xFFFFFE00  }
0xe4: {  	v0 =	vld [tilespmem:s2+$0x0];
	_ =	sdelay $0x4  }
0xe5: {  	v0 =	vtrunc.f32 v0  }
0xe6: {  	v0 =	vcvt.f32.s32 v0  }
0xe7: {  	s24 =	simm.s32 $0x4ED0  }
0xe8: {  	s25 =	sand.u32 $0x1F0, s2;
	[tilespmem:s24+$0xFFFFFF30] =	vst v0  }
0xe9: {  	v0 =	vld [tilespmem:s25+$0x200];
	_ =	sdelay $0x4  }
0xea: {  	v0 =	vtrunc.f32 v0  }
0xeb: {  	v0 =	vcvt.f32.s32 v0;
	_ =	sdelay $0x1  }
0xec: {  	v0 =	vadd.s32 $0x18700, v0  }
0xed: {  	[tilespmem:s24+$0xFFFFFF40] =	vst v0  }
0xee: {  	v0 =	vld [tilespmem:s25+$0x400];
	_ =	sdelay $0x4  }
0xef: {  	v0 =	vtrunc.f32 v0  }
0xf0: {  	v0 =	vcvt.f32.s32 v0;
	_ =	sdelay $0x1  }
0xf1: {  	v0 =	vadd.s32 $0x30E00, v0  }
0xf2: {  	[tilespmem:s24+$0xFFFFFF50] =	vst v0  }
0xf3: {  	v0 =	vld [tilespmem:s25+$0x600];
	_ =	sdelay $0x4  }
0xf4: {  	v0 =	vtrunc.f32 v0  }
0xf5: {  	v0 =	vcvt.f32.s32 v0;
	_ =	sdelay $0x1  }
0xf6: {  	v0 =	vadd.s32 $0x49500, v0  }
0xf7: {  	[tilespmem:s24+$0xFFFFFF60] =	vst v0  }
0xf8: {  	v0 =	vld [tilespmem:s25+$0x800];
	_ =	sdelay $0x4  }
0xf9: {  	v0 =	vtrunc.f32 v0  }
0xfa: {  	v0 =	vcvt.f32.s32 v0;
	_ =	sdelay $0x1  }
0xfb: {  	v0 =	vadd.s32 $0x61C00, v0  }
0xfc: {  	[tilespmem:s24+$0xFFFFFF70] =	vst v0  }
0xfd: {  	v0 =	vld [tilespmem:s25+$0xA00];
	_ =	sdelay $0x4  }
0xfe: {  	v0 =	vtrunc.f32 v0  }
0xff: {  	v0 =	vcvt.f32.s32 v0;
	_ =	sdelay $0x1  }
0x100: {  	v0 =	vadd.s32 $0x7A300, v0  }
0x101: {  	[tilespmem:s24+$0xFFFFFF80] =	vst v0  }
0x102: {  	v0 =	vld [tilespmem:s25+$0xC00];
	_ =	sdelay $0x4  }
0x103: {  	v0 =	vtrunc.f32 v0  }
0x104: {  	v0 =	vcvt.f32.s32 v0;
	_ =	sdelay $0x1  }
0x105: {  	v0 =	vadd.s32 $0x92A00, v0  }
0x106: {  	[tilespmem:s24+$0xFFFFFF90] =	vst v0  }
0x107: {  	v0 =	vld [tilespmem:s25+$0xE00];
	_ =	sdelay $0x4  }
0x108: {  	v0 =	vtrunc.f32 v0  }
0x109: {  	v0 =	vcvt.f32.s32 v0;
	_ =	sdelay $0x1  }
0x10a: {  	v0 =	vadd.s32 $0xAB100, v0  }
0x10b: {  	[tilespmem:s24+$0xFFFFFFA0] =	vst v0  }
0x10c: {  	v0 =	vld [tilespmem:s25+$0x1000];
	_ =	sdelay $0x4  }
0x10d: {  	v0 =	vtrunc.f32 v0  }
0x10e: {  	v0 =	vcvt.f32.s32 v0;
	_ =	sdelay $0x1  }
0x10f: {  	s26 =	sand.u32 $0x3FE0, s2;
	v0 =	vadd.s32 $0xC3800, v0  }
0x110: {  	[tilespmem:s26+$0x4E80] =	vst v0  }
0x111: {  	v0 =	vld [tilespmem:s25+$0x1200];
	_ =	sdelay $0x4  }
0x112: {  	v0 =	vtrunc.f32 v0  }
0x113: {  	v0 =	vcvt.f32.s32 v0;
	_ =	sdelay $0x1  }
0x114: {  	v0 =	vadd.s32 $0xDBF00, v0  }
0x115: {  	[tilespmem:s24+$0xFFFFFFC0] =	vst v0  }
0x116: {  	v0 =	vld [tilespmem:s25+$0x1400];
	_ =	sdelay $0x4  }
0x117: {  	v0 =	vtrunc.f32 v0  }
0x118: {  	v0 =	vcvt.f32.s32 v0;
	_ =	sdelay $0x1  }
0x119: {  	v0 =	vadd.s32 $0xF4600, v0  }
0x11a: {  	[tilespmem:s24+$0xFFFFFFD0] =	vst v0  }
0x11b: {  	v0 =	vld [tilespmem:s25+$0x1600];
	_ =	sdelay $0x4  }
0x11c: {  	v0 =	vtrunc.f32 v0  }
0x11d: {  	v0 =	vcvt.f32.s32 v0;
	_ =	sdelay $0x1  }
0x11e: {  	v0 =	vadd.s32 $0x10CD00, v0  }
0x11f: {  	[tilespmem:s24+$0xFFFFFFE0] =	vst v0  }
0x120: {  	v0 =	vld [tilespmem:s25+$0x1800];
	_ =	sdelay $0x4  }
0x121: {  	v0 =	vtrunc.f32 v0  }
0x122: {  	v0 =	vcvt.f32.s32 v0;
	_ =	sdelay $0x1  }
0x123: {  	v0 =	vadd.s32 $0x125400, v0  }
0x124: {  	[tilespmem:s24+$0xFFFFFFF0] =	vst v0  }
0x125: {  	v0 =	vld [tilespmem:s25+$0x1A00];
	_ =	sdelay $0x4  }
0x126: {  	v0 =	vtrunc.f32 v0  }
0x127: {  	v0 =	vcvt.f32.s32 v0;
	_ =	sdelay $0x1  }
0x128: {  	v0 =	vadd.s32 $0x13DB00, v0  }
0x129: {  	[tilespmem:s24+$0x0] =	vst v0  }
0x12a: {  	v0 =	vld [tilespmem:s25+$0x1C00];
	_ =	sdelay $0x4  }
0x12b: {  	v0 =	vtrunc.f32 v0  }
0x12c: {  	v0 =	vcvt.f32.s32 v0;
	_ =	sdelay $0x1  }
0x12d: {  	v0 =	vadd.s32 $0x156200, v0  }
0x12e: {  	[tilespmem:s24+$0x10] =	vst v0  }
0x12f: {  	v0 =	vld [tilespmem:s25+$0x1E00];
	_ =	sdelay $0x4  }
0x130: {  	v0 =	vtrunc.f32 v0  }
0x131: {  	v0 =	vcvt.f32.s32 v0;
	_ =	sdelay $0x1  }
0x132: {  	v0 =	vadd.s32 $0x16E900, v0  }
0x133: {  	[tilespmem:s24+$0x20] =	vst v0  }
0x134: {  	v0 =	vld [tilespmem:s25+$0x2000];
	_ =	sdelay $0x4  }
0x135: {  	v0 =	vtrunc.f32 v0  }
0x136: {  	v0 =	vcvt.f32.s32 v0;
	_ =	sdelay $0x1  }
0x137: {  	v0 =	vadd.s32 $0x187000, v0  }
0x138: {  	[tilespmem:s26+$0x4F00] =	vst v0  }
0x139: {  	v0 =	vld [tilespmem:s25+$0x2200];
	_ =	sdelay $0x4  }
0x13a: {  	v0 =	vtrunc.f32 v0  }
0x13b: {  	v0 =	vcvt.f32.s32 v0;
	_ =	sdelay $0x1  }
0x13c: {  	v0 =	vadd.s32 $0x19F700, v0  }
0x13d: {  	[tilespmem:s24+$0x40] =	vst v0  }
0x13e: {  	v0 =	vld [tilespmem:s25+$0x2400];
	_ =	sdelay $0x4  }
0x13f: {  	v0 =	vtrunc.f32 v0  }
0x140: {  	v0 =	vcvt.f32.s32 v0;
	_ =	sdelay $0x1  }
0x141: {  	v0 =	vadd.s32 $0x1B7E00, v0  }
0x142: {  	[tilespmem:s24+$0x50] =	vst v0  }
0x143: {  	v0 =	vld [tilespmem:s25+$0x2600];
	_ =	sdelay $0x4  }
0x144: {  	v0 =	vtrunc.f32 v0  }
0x145: {  	v0 =	vcvt.f32.s32 v0;
	_ =	sdelay $0x1  }
0x146: {  	v0 =	vadd.s32 $0x1D0500, v0  }
0x147: {  	[tilespmem:s24+$0x60] =	vst v0  }
0x148: {  	v0 =	vld [tilespmem:s25+$0x2800];
	_ =	sdelay $0x4  }
0x149: {  	v0 =	vtrunc.f32 v0  }
0x14a: {  	v0 =	vcvt.f32.s32 v0;
	_ =	sdelay $0x1  }
0x14b: {  	v0 =	vadd.s32 $0x1E8C00, v0  }
0x14c: {  	[tilespmem:s24+$0x70] =	vst v0  }
0x14d: {  	v0 =	vld [tilespmem:s25+$0x2A00];
	_ =	sdelay $0x4  }
0x14e: {  	v0 =	vtrunc.f32 v0  }
0x14f: {  	v0 =	vcvt.f32.s32 v0;
	_ =	sdelay $0x1  }
0x150: {  	v0 =	vadd.s32 $0x201300, v0  }
0x151: {  	[tilespmem:s24+$0x80] =	vst v0  }
0x152: {  	v0 =	vld [tilespmem:s25+$0x2C00];
	_ =	sdelay $0x4  }
0x153: {  	v0 =	vtrunc.f32 v0  }
0x154: {  	v0 =	vcvt.f32.s32 v0;
	_ =	sdelay $0x1  }
0x155: {  	v0 =	vadd.s32 $0x219A00, v0  }
0x156: {  	[tilespmem:s24+$0x90] =	vst v0  }
0x157: {  	v0 =	vld [tilespmem:s25+$0x2E00];
	_ =	sdelay $0x4  }
0x158: {  	v0 =	vtrunc.f32 v0  }
0x159: {  	v0 =	vcvt.f32.s32 v0;
	_ =	sdelay $0x1  }
0x15a: {  	v0 =	vadd.s32 $0x232100, v0  }
0x15b: {  	[tilespmem:s24+$0xA0] =	vst v0  }
0x15c: {  	v0 =	vld [tilespmem:s25+$0x3000];
	_ =	sdelay $0x4  }
0x15d: {  	v0 =	vtrunc.f32 v0  }
0x15e: {  	v0 =	vcvt.f32.s32 v0;
	_ =	sdelay $0x1  }
0x15f: {  	v0 =	vadd.s32 $0x24A800, v0  }
0x160: {  	[tilespmem:s26+$0x4F80] =	vst v0  }
0x161: {  	v0 =	vld [tilespmem:s25+$0x3200];
	_ =	sdelay $0x3  }
0x162: {  	s28 =	sand.u32 $0x7, s2  }
0x163: {  	p1 =	sne.s32 s28, $0x7;
	v0 =	vtrunc.f32 v0  }
0x164: {  	s20 =	simm.s32 @!p1 $0x0;
	v0 =	vcvt.f32.s32 v0  }
0x165: {  	s19 =	simm.s32 $0x1;
	s21 =	simm.s32 $0x1A0;
	s25 =	smul.u32 @!p1 $0xD00, s20  }
0x166: {  	s22 =	simm.s32 $0x10;
	s23 =	simm.s32 $0x10;
	s26 =	simm.s32 @!p1 $0xD00;
	v0 =	vadd.s32 $0x262F00, v0  }
0x167: {  	s20 =	simm.s32 $0x5070;
	[tilespmem:s24+$0xC0] =	vst v0;
	s24 =	sadd.s32 @!p1 $0x8200, s25;
	s25 =	sadd.s32 @!p1 $0x4E00, s25  }
.LBB2_2:
0x168: {  	[tilespmem:s24], [sflag:$0x1] =	stream.indirect.gather @!p1 [hbm4b:s3+s26], $0x1, s25, s26, $0xb8;
	[tilespmem:$0xB800] =	vst v63  }
0x169: {  	s25 =	smov.u32 s19;
	s19 =	sadd.s32 $0x1, s19;
	s24 =	smov.u32 s20;
	v0 =	vld [tilespmem:s22+$0x0]  }
0x16a: {  	p0 =	sne.s32 s19, $0x20;
	_ =	sdelay $0x3  }
0x16b: {  	v0 =	vtrunc.f32 v0  }
0x16c: {  	v0 =	vcvt.f32.s32 v0;
	_ =	sdelay $0x1  }
0x16d: {  	s26 =	sand.u32 $0x1F0, s23;
	[tilespmem:s20+$0xFFFFFF30] =	vst v0  }
0x16e: {  	v0 =	vld [tilespmem:s26+$0x200];
	_ =	sdelay $0x4  }
0x16f: {  	v0 =	vtrunc.f32 v0  }
0x170: {  	v0 =	vcvt.f32.s32 v0;
	_ =	sdelay $0x1  }
0x171: {  	v0 =	vadd.s32 $0x18700, v0  }
0x172: {  	[tilespmem:s20+$0xFFFFFF40] =	vst v0  }
0x173: {  	v0 =	vld [tilespmem:s26+$0x400];
	_ =	sdelay $0x4  }
0x174: {  	v0 =	vtrunc.f32 v0  }
0x175: {  	v0 =	vcvt.f32.s32 v0;
	_ =	sdelay $0x1  }
0x176: {  	v0 =	vadd.s32 $0x30E00, v0  }
0x177: {  	[tilespmem:s20+$0xFFFFFF50] =	vst v0  }
0x178: {  	v0 =	vld [tilespmem:s26+$0x600];
	_ =	sdelay $0x4  }
0x179: {  	v0 =	vtrunc.f32 v0  }
0x17a: {  	v0 =	vcvt.f32.s32 v0;
	_ =	sdelay $0x1  }
0x17b: {  	v0 =	vadd.s32 $0x49500, v0  }
0x17c: {  	[tilespmem:s20+$0xFFFFFF60] =	vst v0  }
0x17d: {  	v0 =	vld [tilespmem:s26+$0x800];
	_ =	sdelay $0x4  }
0x17e: {  	v0 =	vtrunc.f32 v0  }
0x17f: {  	v0 =	vcvt.f32.s32 v0;
	_ =	sdelay $0x1  }
0x180: {  	v0 =	vadd.s32 $0x61C00, v0  }
0x181: {  	[tilespmem:s20+$0xFFFFFF70] =	vst v0  }
0x182: {  	v0 =	vld [tilespmem:s26+$0xA00];
	_ =	sdelay $0x4  }
0x183: {  	v0 =	vtrunc.f32 v0  }
0x184: {  	v0 =	vcvt.f32.s32 v0;
	_ =	sdelay $0x1  }
0x185: {  	v0 =	vadd.s32 $0x7A300, v0  }
0x186: {  	[tilespmem:s20+$0xFFFFFF80] =	vst v0  }
0x187: {  	v0 =	vld [tilespmem:s26+$0xC00];
	_ =	sdelay $0x4  }
0x188: {  	v0 =	vtrunc.f32 v0  }
0x189: {  	v0 =	vcvt.f32.s32 v0;
	_ =	sdelay $0x1  }
0x18a: {  	v0 =	vadd.s32 $0x92A00, v0  }
0x18b: {  	[tilespmem:s20+$0xFFFFFF90] =	vst v0  }
0x18c: {  	v0 =	vld [tilespmem:s26+$0xE00];
	_ =	sdelay $0x4  }
0x18d: {  	v0 =	vtrunc.f32 v0  }
0x18e: {  	v0 =	vcvt.f32.s32 v0;
	_ =	sdelay $0x1  }
0x18f: {  	v0 =	vadd.s32 $0xAB100, v0  }
0x190: {  	[tilespmem:s20+$0xFFFFFFA0] =	vst v0  }
0x191: {  	v0 =	vld [tilespmem:s26+$0x1000];
	_ =	sdelay $0x4  }
0x192: {  	v0 =	vtrunc.f32 v0  }
0x193: {  	v0 =	vcvt.f32.s32 v0;
	_ =	sdelay $0x1  }
0x194: {  	s28 =	sand.u32 $0x3FE0, s21;
	v0 =	vadd.s32 $0xC3800, v0  }
0x195: {  	[tilespmem:s28+$0x4E80] =	vst v0  }
0x196: {  	v0 =	vld [tilespmem:s26+$0x1200];
	_ =	sdelay $0x4  }
0x197: {  	v0 =	vtrunc.f32 v0  }
0x198: {  	v0 =	vcvt.f32.s32 v0;
	_ =	sdelay $0x1  }
0x199: {  	v0 =	vadd.s32 $0xDBF00, v0  }
0x19a: {  	[tilespmem:s20+$0xFFFFFFC0] =	vst v0  }
0x19b: {  	v0 =	vld [tilespmem:s26+$0x1400];
	_ =	sdelay $0x4  }
0x19c: {  	v0 =	vtrunc.f32 v0  }
0x19d: {  	v0 =	vcvt.f32.s32 v0;
	_ =	sdelay $0x1  }
0x19e: {  	v0 =	vadd.s32 $0xF4600, v0  }
0x19f: {  	[tilespmem:s20+$0xFFFFFFD0] =	vst v0  }
0x1a0: {  	v0 =	vld [tilespmem:s26+$0x1600];
	_ =	sdelay $0x4  }
0x1a1: {  	v0 =	vtrunc.f32 v0  }
0x1a2: {  	v0 =	vcvt.f32.s32 v0;
	_ =	sdelay $0x1  }
0x1a3: {  	v0 =	vadd.s32 $0x10CD00, v0  }
0x1a4: {  	[tilespmem:s20+$0xFFFFFFE0] =	vst v0  }
0x1a5: {  	v0 =	vld [tilespmem:s26+$0x1800];
	_ =	sdelay $0x4  }
0x1a6: {  	v0 =	vtrunc.f32 v0  }
0x1a7: {  	v0 =	vcvt.f32.s32 v0;
	_ =	sdelay $0x1  }
0x1a8: {  	v0 =	vadd.s32 $0x125400, v0  }
0x1a9: {  	[tilespmem:s20+$0xFFFFFFF0] =	vst v0  }
0x1aa: {  	v0 =	vld [tilespmem:s26+$0x1A00];
	_ =	sdelay $0x4  }
0x1ab: {  	v0 =	vtrunc.f32 v0  }
0x1ac: {  	v0 =	vcvt.f32.s32 v0;
	_ =	sdelay $0x1  }
0x1ad: {  	v0 =	vadd.s32 $0x13DB00, v0  }
0x1ae: {  	[tilespmem:s20+$0x0] =	vst v0  }
0x1af: {  	v0 =	vld [tilespmem:s26+$0x1C00];
	_ =	sdelay $0x4  }
0x1b0: {  	v0 =	vtrunc.f32 v0  }
0x1b1: {  	v0 =	vcvt.f32.s32 v0;
	_ =	sdelay $0x1  }
0x1b2: {  	v0 =	vadd.s32 $0x156200, v0  }
0x1b3: {  	[tilespmem:s20+$0x10] =	vst v0  }
0x1b4: {  	v0 =	vld [tilespmem:s26+$0x1E00];
	_ =	sdelay $0x4  }
0x1b5: {  	v0 =	vtrunc.f32 v0  }
0x1b6: {  	v0 =	vcvt.f32.s32 v0;
	_ =	sdelay $0x1  }
0x1b7: {  	v0 =	vadd.s32 $0x16E900, v0  }
0x1b8: {  	[tilespmem:s20+$0x20] =	vst v0  }
0x1b9: {  	v0 =	vld [tilespmem:s26+$0x2000];
	_ =	sdelay $0x4  }
0x1ba: {  	v0 =	vtrunc.f32 v0  }
0x1bb: {  	v0 =	vcvt.f32.s32 v0;
	_ =	sdelay $0x1  }
0x1bc: {  	v0 =	vadd.s32 $0x187000, v0  }
0x1bd: {  	[tilespmem:s28+$0x4F00] =	vst v0  }
0x1be: {  	v0 =	vld [tilespmem:s26+$0x2200];
	_ =	sdelay $0x4  }
0x1bf: {  	v0 =	vtrunc.f32 v0  }
0x1c0: {  	v0 =	vcvt.f32.s32 v0;
	_ =	sdelay $0x1  }
0x1c1: {  	v0 =	vadd.s32 $0x19F700, v0  }
0x1c2: {  	[tilespmem:s20+$0x40] =	vst v0  }
0x1c3: {  	v0 =	vld [tilespmem:s26+$0x2400];
	_ =	sdelay $0x4  }
0x1c4: {  	v0 =	vtrunc.f32 v0  }
0x1c5: {  	v0 =	vcvt.f32.s32 v0;
	_ =	sdelay $0x1  }
0x1c6: {  	v0 =	vadd.s32 $0x1B7E00, v0  }
0x1c7: {  	[tilespmem:s20+$0x50] =	vst v0  }
0x1c8: {  	v0 =	vld [tilespmem:s26+$0x2600];
	_ =	sdelay $0x4  }
0x1c9: {  	v0 =	vtrunc.f32 v0  }
0x1ca: {  	v0 =	vcvt.f32.s32 v0;
	_ =	sdelay $0x1  }
0x1cb: {  	v0 =	vadd.s32 $0x1D0500, v0  }
0x1cc: {  	[tilespmem:s20+$0x60] =	vst v0  }
0x1cd: {  	v0 =	vld [tilespmem:s26+$0x2800];
	_ =	sdelay $0x4  }
0x1ce: {  	v0 =	vtrunc.f32 v0  }
0x1cf: {  	v0 =	vcvt.f32.s32 v0;
	_ =	sdelay $0x1  }
0x1d0: {  	v0 =	vadd.s32 $0x1E8C00, v0  }
0x1d1: {  	[tilespmem:s20+$0x70] =	vst v0  }
0x1d2: {  	v0 =	vld [tilespmem:s26+$0x2A00];
	_ =	sdelay $0x4  }
0x1d3: {  	v0 =	vtrunc.f32 v0  }
0x1d4: {  	v0 =	vcvt.f32.s32 v0;
	_ =	sdelay $0x1  }
0x1d5: {  	v0 =	vadd.s32 $0x201300, v0  }
0x1d6: {  	[tilespmem:s20+$0x80] =	vst v0  }
0x1d7: {  	v0 =	vld [tilespmem:s26+$0x2C00];
	_ =	sdelay $0x4  }
0x1d8: {  	v0 =	vtrunc.f32 v0  }
0x1d9: {  	v0 =	vcvt.f32.s32 v0;
	_ =	sdelay $0x1  }
0x1da: {  	v0 =	vadd.s32 $0x219A00, v0  }
0x1db: {  	[tilespmem:s20+$0x90] =	vst v0  }
0x1dc: {  	v0 =	vld [tilespmem:s26+$0x2E00];
	_ =	sdelay $0x4  }
0x1dd: {  	v0 =	vtrunc.f32 v0  }
0x1de: {  	v0 =	vcvt.f32.s32 v0;
	_ =	sdelay $0x1  }
0x1df: {  	v0 =	vadd.s32 $0x232100, v0  }
0x1e0: {  	[tilespmem:s20+$0xA0] =	vst v0  }
0x1e1: {  	v0 =	vld [tilespmem:s26+$0x3000];
	_ =	sdelay $0x4  }
0x1e2: {  	v0 =	vtrunc.f32 v0  }
0x1e3: {  	v0 =	vcvt.f32.s32 v0;
	_ =	sdelay $0x1  }
0x1e4: {  	v0 =	vadd.s32 $0x24A800, v0  }
0x1e5: {  	[tilespmem:s28+$0x4F80] =	vst v0  }
0x1e6: {  	v0 =	vld [tilespmem:s26+$0x3200];
	_ =	sdelay $0x3  }
0x1e7: {  	s26 =	sand.u32 $0x7, s25  }
.Ltmp0:
0x1e8: {  	p1 =	sne.s32 s26, $0x7;
	v0 =	vtrunc.f32 v0;
	(pc) =	sbr.rel @p0 .LBB2_2-.Ltmp0, $4  }
0x1e9: {  	s25 =	sshrl.u32 @!p1 s25, $0x3;
	v0 =	vcvt.f32.s32 v0  }
0x1ea: {  	s20 =	sadd.s32 $0x1A0, s20;
	s25 =	smul.u32 @!p1 $0xD00, s25  }
0x1eb: {  	s21 =	sadd.s32 $0x1A0, s21;
	s23 =	sadd.s32 $0x10, s23;
	s22 =	sadd.s32 $0x10, s22;
	v0 =	vadd.s32 $0x262F00, v0  }
0x1ec: {  	s26 =	simm.s32 @!p1 $0xD00;
	[tilespmem:s24+$0xC0] =	vst v0;
	s24 =	sadd.s32 @!p1 $0x8200, s25;
	s25 =	sadd.s32 @!p1 $0x4E00, s25  }
0x1ed: {  	[tilespmem:s24], [sflag:$0x1] =	stream.indirect.gather @!p1 [hbm4b:s3+s26], $0x1, s25, s26, $0xb8;
	[tilespmem:$0xB800] =	vst v63  }
0x1ee: {  	s19 =	simm.s32 $0x0  }
0x1ef: {  	s19 =	sand.u32 $0x1F0, s19  }
0x1f0: {  	v0 =	vld [tilespmem:s19+$0x3600]  }
0x1f1: {  	v1 =	vld [tilespmem:s19+$0x3400];
	_ =	sdelay $0x1  }
0x1f2: {  	v2 =	vld [tilespmem:s19+$0x3800];
	_ =	sdelay $0x1  }
0x1f3: {  	v3 =	vld [tilespmem:s19+$0x3A00]  }
0x1f4: {  	v0 =	vadd.f32 v0, v1  }
0x1f5: {  	v1 =	vld [tilespmem:s19+$0x3C00]  }
0x1f6: {  	v0 =	vadd.f32 v2, v0  }
0x1f7: {  	v2 =	vld [tilespmem:s19+$0x3E00]  }
0x1f8: {  	v0 =	vadd.f32 v3, v0  }
0x1f9: {  	v3 =	vld [tilespmem:s19+$0x4000]  }
0x1fa: {  	v0 =	vadd.f32 v1, v0  }
0x1fb: {  	v1 =	vld [tilespmem:s19+$0x4200]  }
0x1fc: {  	v0 =	vadd.f32 v2, v0  }
0x1fd: {  	v2 =	vld [tilespmem:s19+$0x4400]  }
0x1fe: {  	v0 =	vadd.f32 v3, v0  }
0x1ff: {  	v3 =	vld [tilespmem:s19+$0x4600]  }
0x200: {  	v0 =	vadd.f32 v1, v0  }
0x201: {  	v1 =	vld [tilespmem:s19+$0x4800]  }
0x202: {  	v0 =	vadd.f32 v2, v0  }
0x203: {  	v2 =	vld [tilespmem:s19+$0x4A00]  }
0x204: {  	v0 =	vadd.f32 v3, v0  }
0x205: {  	v3 =	vld [tilespmem:s19+$0x4C00]  }
0x206: {  	v0 =	vadd.f32 v1, v0;
	_ =	sdelay $0x1  }
0x207: {  	v0 =	vadd.f32 v2, v0;
	_ =	sdelay $0x1  }
0x208: {  	v0 =	vadd.f32 v3, v0  }
0x209: {  	s20 =	simm.s32 $0x10;
	s19 =	simm.s32 $0xB600  }
0x20a: {  	s20 =	sand.u32 $0x1F0, s20;
	[tilespmem:s19+$0x0] =	vst v0  }
0x20b: {  	s21 =	simm.s32 $0x20;
	v0 =	vld [tilespmem:s20+$0x3600]  }
.LBB2_4:
0x20c: {  	p0 =	sne.s32 s21, $0x1F0;
	v1 =	vld [tilespmem:s20+$0x3400];
	_ =	sdelay $0x1  }
0x20d: {  	v2 =	vld [tilespmem:s20+$0x3800];
	_ =	sdelay $0x1  }
0x20e: {  	v3 =	vld [tilespmem:s20+$0x3A00]  }
0x20f: {  	v0 =	vadd.f32 v0, v1  }
0x210: {  	v1 =	vld [tilespmem:s20+$0x3C00]  }
0x211: {  	v0 =	vadd.f32 v2, v0  }
0x212: {  	v2 =	vld [tilespmem:s20+$0x3E00]  }
0x213: {  	v0 =	vadd.f32 v3, v0  }
0x214: {  	v3 =	vld [tilespmem:s20+$0x4000]  }
0x215: {  	v0 =	vadd.f32 v1, v0  }
0x216: {  	v1 =	vld [tilespmem:s20+$0x4200]  }
0x217: {  	v0 =	vadd.f32 v2, v0  }
0x218: {  	v2 =	vld [tilespmem:s20+$0x4400]  }
0x219: {  	v0 =	vadd.f32 v3, v0  }
0x21a: {  	v3 =	vld [tilespmem:s20+$0x4600]  }
0x21b: {  	v0 =	vadd.f32 v1, v0  }
0x21c: {  	v1 =	vld [tilespmem:s20+$0x4800]  }
0x21d: {  	v0 =	vadd.f32 v2, v0  }
0x21e: {  	v2 =	vld [tilespmem:s20+$0x4A00]  }
0x21f: {  	v0 =	vadd.f32 v3, v0  }
0x220: {  	v3 =	vld [tilespmem:s20+$0x4C00]  }
0x221: {  	v0 =	vadd.f32 v1, v0;
	_ =	sdelay $0x1  }
0x222: {  	v0 =	vadd.f32 v2, v0  }
.Ltmp1:
0x223: {  	(pc) =	sbr.rel @p0 .LBB2_4-.Ltmp1, $4  }
0x224: {  	v0 =	vadd.f32 v3, v0  }
0x225: {  	s19 =	sadd.s32 $0x10, s19  }
0x226: {  	s20 =	sand.u32 $0x1F0, s21;
	[tilespmem:s19+$0x0] =	vst v0  }
0x227: {  	s21 =	sadd.s32 $0x10, s21;
	v0 =	vld [tilespmem:s20+$0x3600]  }
0x228: {  	v1 =	vld [tilespmem:s20+$0x3400];
	_ =	sdelay $0x1  }
0x229: {  	v2 =	vld [tilespmem:s20+$0x3800];
	_ =	sdelay $0x1  }
0x22a: {  	v3 =	vld [tilespmem:s20+$0x3A00]  }
0x22b: {  	v0 =	vadd.f32 v0, v1  }
0x22c: {  	v1 =	vld [tilespmem:s20+$0x3C00]  }
0x22d: {  	v0 =	vadd.f32 v2, v0  }
0x22e: {  	v2 =	vld [tilespmem:s20+$0x3E00]  }
0x22f: {  	v0 =	vadd.f32 v3, v0  }
0x230: {  	v3 =	vld [tilespmem:s20+$0x4000]  }
0x231: {  	v0 =	vadd.f32 v1, v0  }
0x232: {  	v1 =	vld [tilespmem:s20+$0x4200]  }
0x233: {  	v0 =	vadd.f32 v2, v0  }
0x234: {  	v2 =	vld [tilespmem:s20+$0x4400]  }
0x235: {  	v0 =	vadd.f32 v3, v0  }
0x236: {  	v3 =	vld [tilespmem:s20+$0x4600]  }
0x237: {  	v0 =	vadd.f32 v1, v0  }
0x238: {  	v1 =	vld [tilespmem:s20+$0x4800]  }
0x239: {  	v0 =	vadd.f32 v2, v0  }
0x23a: {  	v2 =	vld [tilespmem:s20+$0x4A00]  }
0x23b: {  	v0 =	vadd.f32 v3, v0  }
0x23c: {  	v3 =	vld [tilespmem:s20+$0x4C00]  }
0x23d: {  	v0 =	vadd.f32 v1, v0;
	_ =	sdelay $0x1  }
0x23e: {  	v0 =	vadd.f32 v2, v0;
	_ =	sdelay $0x1  }
0x23f: {  	v0 =	vadd.f32 v3, v0  }
0x240: {  	s19 =	sadd.s32 $0x10, s19  }
0x241: {  	[tilespmem:s19+$0x0] =	vst v0  }
0x242: {  	_ =	swait.ge [sflag:s16], $0xD00  }
0x243: {  	[sflag:s16] =	ssyncset.done $0x0  }
0x244: {  	s20 =	simm.s32 $0x82D0;
	[sflag:s16] =	ssyncadd.s32 $0xFFFFF300  }
0x245: {  	s19 =	simm.s32 $0xB600;
	v0 =	vld [tilespmem:s20+$0xFFFFFF30]  }
0x246: {  	s21 =	simm.s32 $0x0;
	s22 =	simm.s32 $0x1A0;
	v1 =	vld [tilespmem:s19+$0x0]  }
.LBB2_6:
0x247: {  	p0 =	sne.s32 s22, $0xB60  }
0x248: {  	v2 =	vld [tilespmem:s20+$0xFFFFFF40];
	_ =	sdelay $0x1  }
0x249: {  	v3 =	vld [tilespmem:s20+$0xFFFFFF50]  }
0x24a: {  	v0 =	vadd.f32 v0, v1  }
0x24b: {  	v1 =	vld [tilespmem:s20+$0xFFFFFF60]  }
0x24c: {  	v0 =	vadd.f32 v2, v0  }
0x24d: {  	v2 =	vld [tilespmem:s20+$0xFFFFFF70]  }
0x24e: {  	v0 =	vadd.f32 v3, v0  }
0x24f: {  	v3 =	vld [tilespmem:s20+$0xFFFFFF80]  }
0x250: {  	v0 =	vadd.f32 v1, v0  }
0x251: {  	v1 =	vld [tilespmem:s20+$0xFFFFFF90]  }
0x252: {  	v0 =	vadd.f32 v2, v0  }
0x253: {  	v2 =	vld [tilespmem:s20+$0xFFFFFFA0]  }
0x254: {  	s23 =	sand.u32 $0xFE0, s21;
	s21 =	smov.u32 s22;
	v0 =	vadd.f32 v3, v0  }
0x255: {  	v3 =	vld [tilespmem:s23+$0x8280]  }
0x256: {  	v0 =	vadd.f32 v1, v0  }
0x257: {  	v1 =	vld [tilespmem:s20+$0xFFFFFFC0]  }
0x258: {  	v0 =	vadd.f32 v2, v0  }
0x259: {  	v2 =	vld [tilespmem:s20+$0xFFFFFFD0]  }
0x25a: {  	v0 =	vadd.f32 v3, v0  }
0x25b: {  	v3 =	vld [tilespmem:s20+$0xFFFFFFE0]  }
0x25c: {  	v0 =	vadd.f32 v1, v0  }
0x25d: {  	v1 =	vld [tilespmem:s20+$0xFFFFFFF0]  }
0x25e: {  	v0 =	vadd.f32 v2, v0  }
0x25f: {  	v2 =	vld [tilespmem:s20+$0x0]  }
0x260: {  	v0 =	vadd.f32 v3, v0  }
0x261: {  	v3 =	vld [tilespmem:s20+$0x10]  }
0x262: {  	v0 =	vadd.f32 v1, v0  }
0x263: {  	v1 =	vld [tilespmem:s20+$0x20]  }
0x264: {  	v0 =	vadd.f32 v2, v0  }
0x265: {  	v2 =	vld [tilespmem:s23+$0x8300]  }
0x266: {  	v0 =	vadd.f32 v3, v0  }
0x267: {  	v3 =	vld [tilespmem:s20+$0x40]  }
0x268: {  	v0 =	vadd.f32 v1, v0  }
0x269: {  	v1 =	vld [tilespmem:s20+$0x50]  }
0x26a: {  	v0 =	vadd.f32 v2, v0  }
0x26b: {  	v2 =	vld [tilespmem:s20+$0x60]  }
0x26c: {  	v0 =	vadd.f32 v3, v0  }
0x26d: {  	v3 =	vld [tilespmem:s20+$0x70]  }
0x26e: {  	v0 =	vadd.f32 v1, v0  }
0x26f: {  	v1 =	vld [tilespmem:s20+$0x80]  }
0x270: {  	v0 =	vadd.f32 v2, v0  }
0x271: {  	v2 =	vld [tilespmem:s20+$0x90]  }
0x272: {  	v0 =	vadd.f32 v3, v0  }
0x273: {  	v3 =	vld [tilespmem:s20+$0xA0]  }
0x274: {  	v0 =	vadd.f32 v1, v0  }
0x275: {  	v1 =	vld [tilespmem:s23+$0x8380]  }
0x276: {  	v0 =	vadd.f32 v2, v0  }
0x277: {  	v2 =	vld [tilespmem:s20+$0xC0]  }
0x278: {  	v0 =	vadd.f32 v3, v0;
	_ =	sdelay $0x1  }
0x279: {  	v0 =	vadd.f32 v1, v0;
	_ =	sdelay $0x1  }
0x27a: {  	v0 =	vadd.f32 v2, v0;
	_ =	sdelay $0x1  }
0x27b: {  	v0 =	vsub.f32 $0.0e+00, v0;
	_ =	sdelay $0x1  }
0x27c: {  	v0 =	vmul.f32 $1.442695020e+00, v0;
	_ =	sdelay $0x1  }
0x27d: {  	(erf) = vpow2.f32 v0;
	_ =	sdelay $0x8  }
0x27e: {  	v0 =	vpop (erf)  }
0x27f: {  	v0 =	vadd.f32 $1.000000000e+00, v0;
	_ =	sdelay $0x1  }
0x280: {  	(erf) = vrcp.f32 v0;
	_ =	sdelay $0x7  }
.Ltmp2:
0x281: {  	(pc) =	sbr.rel @p0 .LBB2_6-.Ltmp2, $4  }
0x282: {  	v0 =	vpop (erf)  }
0x283: {  	s20 =	sadd.s32 $0x1A0, s20;
	[tilespmem:s19+$0x0] =	vst v0  }
0x284: {  	s19 =	sadd.s32 $0x10, s19;
	v0 =	vld [tilespmem:s20+$0xFFFFFF30]  }
0x285: {  	s22 =	sadd.s32 $0x1A0, s22;
	v1 =	vld [tilespmem:s19+$0x0]  }
0x286: {  	_ = 	snop  }
0x287: {  	v2 =	vld [tilespmem:s20+$0xFFFFFF40];
	_ =	sdelay $0x1  }
0x288: {  	v3 =	vld [tilespmem:s20+$0xFFFFFF50]  }
0x289: {  	v0 =	vadd.f32 v0, v1  }
0x28a: {  	v1 =	vld [tilespmem:s20+$0xFFFFFF60]  }
0x28b: {  	v0 =	vadd.f32 v2, v0  }
0x28c: {  	v2 =	vld [tilespmem:s20+$0xFFFFFF70]  }
0x28d: {  	v0 =	vadd.f32 v3, v0  }
0x28e: {  	v3 =	vld [tilespmem:s20+$0xFFFFFF80]  }
0x28f: {  	v0 =	vadd.f32 v1, v0  }
0x290: {  	v1 =	vld [tilespmem:s20+$0xFFFFFF90]  }
0x291: {  	v0 =	vadd.f32 v2, v0  }
0x292: {  	v2 =	vld [tilespmem:s20+$0xFFFFFFA0]  }
0x293: {  	s21 =	sand.u32 $0xFE0, s21;
	v0 =	vadd.f32 v3, v0  }
0x294: {  	v3 =	vld [tilespmem:s21+$0x8280]  }
0x295: {  	v0 =	vadd.f32 v1, v0  }
0x296: {  	v1 =	vld [tilespmem:s20+$0xFFFFFFC0]  }
0x297: {  	v0 =	vadd.f32 v2, v0  }
0x298: {  	v2 =	vld [tilespmem:s20+$0xFFFFFFD0]  }
0x299: {  	v0 =	vadd.f32 v3, v0  }
0x29a: {  	v3 =	vld [tilespmem:s20+$0xFFFFFFE0]  }
0x29b: {  	v0 =	vadd.f32 v1, v0  }
0x29c: {  	v1 =	vld [tilespmem:s20+$0xFFFFFFF0]  }
0x29d: {  	v0 =	vadd.f32 v2, v0  }
0x29e: {  	v2 =	vld [tilespmem:s20+$0x0]  }
0x29f: {  	v0 =	vadd.f32 v3, v0  }
0x2a0: {  	v3 =	vld [tilespmem:s20+$0x10]  }
0x2a1: {  	v0 =	vadd.f32 v1, v0  }
0x2a2: {  	v1 =	vld [tilespmem:s20+$0x20]  }
0x2a3: {  	v0 =	vadd.f32 v2, v0  }
0x2a4: {  	v2 =	vld [tilespmem:s21+$0x8300]  }
0x2a5: {  	v0 =	vadd.f32 v3, v0  }
0x2a6: {  	v3 =	vld [tilespmem:s20+$0x40]  }
0x2a7: {  	v0 =	vadd.f32 v1, v0  }
0x2a8: {  	v1 =	vld [tilespmem:s20+$0x50]  }
0x2a9: {  	v0 =	vadd.f32 v2, v0  }
0x2aa: {  	v2 =	vld [tilespmem:s20+$0x60]  }
0x2ab: {  	v0 =	vadd.f32 v3, v0  }
0x2ac: {  	v3 =	vld [tilespmem:s20+$0x70]  }
0x2ad: {  	v0 =	vadd.f32 v1, v0  }
0x2ae: {  	v1 =	vld [tilespmem:s20+$0x80]  }
0x2af: {  	v0 =	vadd.f32 v2, v0  }
0x2b0: {  	v2 =	vld [tilespmem:s20+$0x90]  }
0x2b1: {  	v0 =	vadd.f32 v3, v0  }
0x2b2: {  	v3 =	vld [tilespmem:s20+$0xA0]  }
0x2b3: {  	v0 =	vadd.f32 v1, v0  }
0x2b4: {  	v1 =	vld [tilespmem:s21+$0x8380]  }
0x2b5: {  	v0 =	vadd.f32 v2, v0  }
0x2b6: {  	v2 =	vld [tilespmem:s20+$0xC0]  }
0x2b7: {  	v0 =	vadd.f32 v3, v0;
	_ =	sdelay $0x1  }
0x2b8: {  	v0 =	vadd.f32 v1, v0;
	_ =	sdelay $0x1  }
0x2b9: {  	v0 =	vadd.f32 v2, v0;
	_ =	sdelay $0x1  }
0x2ba: {  	v0 =	vsub.f32 $0.0e+00, v0;
	_ =	sdelay $0x1  }
0x2bb: {  	v0 =	vmul.f32 $1.442695020e+00, v0;
	_ =	sdelay $0x1  }
0x2bc: {  	(erf) = vpow2.f32 v0;
	_ =	sdelay $0x8  }
0x2bd: {  	v0 =	vpop (erf)  }
0x2be: {  	v0 =	vadd.f32 $1.000000000e+00, v0;
	_ =	sdelay $0x1  }
0x2bf: {  	(erf) = vrcp.f32 v0;
	_ =	sdelay $0x8  }
0x2c0: {  	v0 =	vpop (erf)  }
0x2c1: {  	[tilespmem:s19+$0x0] =	vst v0  }
0x2c2: {  	_ =	swait.ge [sflag:s16], $0xD00  }
0x2c3: {  	[sflag:s16] =	ssyncset.done $0x0  }
0x2c4: {  	s20 =	simm.s32 $0x8F00;
	[sflag:s16] =	ssyncadd.s32 $0xFFFFF300  }
0x2c5: {  	s19 =	simm.s32 $0xB680;
	v0 =	vld [tilespmem:s20+$0x0]  }
0x2c6: {  	s22 =	simm.s32 $0xEA0;
	s21 =	simm.s32 $0xD00;
	v1 =	vld [tilespmem:s19+$0x0]  }
.LBB2_8:
0x2c7: {  	p0 =	sne.s32 s22, $0x1860  }
0x2c8: {  	v2 =	vld [tilespmem:s20+$0x10];
	_ =	sdelay $0x1  }
0x2c9: {  	v3 =	vld [tilespmem:s20+$0x20]  }
0x2ca: {  	v0 =	vadd.f32 v0, v1  }
0x2cb: {  	v1 =	vld [tilespmem:s20+$0x30]  }
0x2cc: {  	v0 =	vadd.f32 v2, v0  }
0x2cd: {  	v2 =	vld [tilespmem:s20+$0x40]  }
0x2ce: {  	v0 =	vadd.f32 v3, v0  }
0x2cf: {  	v3 =	vld [tilespmem:s20+$0x50]  }
0x2d0: {  	v0 =	vadd.f32 v1, v0  }
0x2d1: {  	v1 =	vld [tilespmem:s20+$0x60]  }
0x2d2: {  	v0 =	vadd.f32 v2, v0  }
0x2d3: {  	v2 =	vld [tilespmem:s20+$0x70]  }
0x2d4: {  	s23 =	sand.u32 $0x1FE0, s21;
	s21 =	smov.u32 s22;
	v0 =	vadd.f32 v3, v0  }
0x2d5: {  	v3 =	vld [tilespmem:s23+$0x8280]  }
0x2d6: {  	v0 =	vadd.f32 v1, v0  }
0x2d7: {  	v1 =	vld [tilespmem:s20+$0x90]  }
0x2d8: {  	v0 =	vadd.f32 v2, v0  }
0x2d9: {  	v2 =	vld [tilespmem:s20+$0xA0]  }
0x2da: {  	v0 =	vadd.f32 v3, v0  }
0x2db: {  	v3 =	vld [tilespmem:s20+$0xB0]  }
0x2dc: {  	v0 =	vadd.f32 v1, v0  }
0x2dd: {  	v1 =	vld [tilespmem:s20+$0xC0]  }
0x2de: {  	v0 =	vadd.f32 v2, v0  }
0x2df: {  	v2 =	vld [tilespmem:s20+$0xD0]  }
0x2e0: {  	v0 =	vadd.f32 v3, v0  }
0x2e1: {  	v3 =	vld [tilespmem:s20+$0xE0]  }
0x2e2: {  	v0 =	vadd.f32 v1, v0  }
0x2e3: {  	v1 =	vld [tilespmem:s20+$0xF0]  }
0x2e4: {  	v0 =	vadd.f32 v2, v0  }
0x2e5: {  	v2 =	vld [tilespmem:s23+$0x8300]  }
0x2e6: {  	v0 =	vadd.f32 v3, v0  }
0x2e7: {  	v3 =	vld [tilespmem:s20+$0x110]  }
0x2e8: {  	v0 =	vadd.f32 v1, v0  }
0x2e9: {  	v1 =	vld [tilespmem:s20+$0x120]  }
0x2ea: {  	v0 =	vadd.f32 v2, v0  }
0x2eb: {  	v2 =	vld [tilespmem:s20+$0x130]  }
0x2ec: {  	v0 =	vadd.f32 v3, v0  }
0x2ed: {  	v3 =	vld [tilespmem:s20+$0x140]  }
0x2ee: {  	v0 =	vadd.f32 v1, v0  }
0x2ef: {  	v1 =	vld [tilespmem:s20+$0x150]  }
0x2f0: {  	v0 =	vadd.f32 v2, v0  }
0x2f1: {  	v2 =	vld [tilespmem:s20+$0x160]  }
0x2f2: {  	v0 =	vadd.f32 v3, v0  }
0x2f3: {  	v3 =	vld [tilespmem:s20+$0x170]  }
0x2f4: {  	v0 =	vadd.f32 v1, v0  }
0x2f5: {  	v1 =	vld [tilespmem:s23+$0x8380]  }
0x2f6: {  	v0 =	vadd.f32 v2, v0  }
0x2f7: {  	v2 =	vld [tilespmem:s20+$0x190]  }
0x2f8: {  	v0 =	vadd.f32 v3, v0;
	_ =	sdelay $0x1  }
0x2f9: {  	v0 =	vadd.f32 v1, v0;
	_ =	sdelay $0x1  }
0x2fa: {  	v0 =	vadd.f32 v2, v0;
	_ =	sdelay $0x1  }
0x2fb: {  	v0 =	vsub.f32 $0.0e+00, v0;
	_ =	sdelay $0x1  }
0x2fc: {  	v0 =	vmul.f32 $1.442695020e+00, v0;
	_ =	sdelay $0x1  }
0x2fd: {  	(erf) = vpow2.f32 v0;
	_ =	sdelay $0x8  }
0x2fe: {  	v0 =	vpop (erf)  }
0x2ff: {  	v0 =	vadd.f32 $1.000000000e+00, v0;
	_ =	sdelay $0x1  }
0x300: {  	(erf) = vrcp.f32 v0;
	_ =	sdelay $0x7  }
.Ltmp3:
0x301: {  	(pc) =	sbr.rel @p0 .LBB2_8-.Ltmp3, $4  }
0x302: {  	v0 =	vpop (erf)  }
0x303: {  	s20 =	sadd.s32 $0x1A0, s20;
	[tilespmem:s19+$0x0] =	vst v0  }
0x304: {  	s19 =	sadd.s32 $0x10, s19;
	v0 =	vld [tilespmem:s20+$0x0]  }
0x305: {  	s22 =	sadd.s32 $0x1A0, s22;
	v1 =	vld [tilespmem:s19+$0x0]  }
0x306: {  	_ = 	snop  }
0x307: {  	v2 =	vld [tilespmem:s20+$0x10];
	_ =	sdelay $0x1  }
0x308: {  	v3 =	vld [tilespmem:s20+$0x20]  }
0x309: {  	v0 =	vadd.f32 v0, v1  }
0x30a: {  	v1 =	vld [tilespmem:s20+$0x30]  }
0x30b: {  	v0 =	vadd.f32 v2, v0  }
0x30c: {  	v2 =	vld [tilespmem:s20+$0x40]  }
0x30d: {  	v0 =	vadd.f32 v3, v0  }
0x30e: {  	v3 =	vld [tilespmem:s20+$0x50]  }
0x30f: {  	v0 =	vadd.f32 v1, v0  }
0x310: {  	v1 =	vld [tilespmem:s20+$0x60]  }
0x311: {  	v0 =	vadd.f32 v2, v0  }
0x312: {  	v2 =	vld [tilespmem:s20+$0x70]  }
0x313: {  	s21 =	sand.u32 $0x1FE0, s21;
	v0 =	vadd.f32 v3, v0  }
0x314: {  	v3 =	vld [tilespmem:s21+$0x8280]  }
0x315: {  	v0 =	vadd.f32 v1, v0  }
0x316: {  	v1 =	vld [tilespmem:s20+$0x90]  }
0x317: {  	v0 =	vadd.f32 v2, v0  }
0x318: {  	v2 =	vld [tilespmem:s20+$0xA0]  }
0x319: {  	v0 =	vadd.f32 v3, v0  }
0x31a: {  	v3 =	vld [tilespmem:s20+$0xB0]  }
0x31b: {  	v0 =	vadd.f32 v1, v0  }
0x31c: {  	v1 =	vld [tilespmem:s20+$0xC0]  }
0x31d: {  	v0 =	vadd.f32 v2, v0  }
0x31e: {  	v2 =	vld [tilespmem:s20+$0xD0]  }
0x31f: {  	v0 =	vadd.f32 v3, v0  }
0x320: {  	v3 =	vld [tilespmem:s20+$0xE0]  }
0x321: {  	v0 =	vadd.f32 v1, v0  }
0x322: {  	v1 =	vld [tilespmem:s20+$0xF0]  }
0x323: {  	v0 =	vadd.f32 v2, v0  }
0x324: {  	v2 =	vld [tilespmem:s21+$0x8300]  }
0x325: {  	v0 =	vadd.f32 v3, v0  }
0x326: {  	v3 =	vld [tilespmem:s20+$0x110]  }
0x327: {  	v0 =	vadd.f32 v1, v0  }
0x328: {  	v1 =	vld [tilespmem:s20+$0x120]  }
0x329: {  	v0 =	vadd.f32 v2, v0  }
0x32a: {  	v2 =	vld [tilespmem:s20+$0x130]  }
0x32b: {  	v0 =	vadd.f32 v3, v0  }
0x32c: {  	v3 =	vld [tilespmem:s20+$0x140]  }
0x32d: {  	v0 =	vadd.f32 v1, v0  }
0x32e: {  	v1 =	vld [tilespmem:s20+$0x150]  }
0x32f: {  	v0 =	vadd.f32 v2, v0  }
0x330: {  	v2 =	vld [tilespmem:s20+$0x160]  }
0x331: {  	v0 =	vadd.f32 v3, v0  }
0x332: {  	v3 =	vld [tilespmem:s20+$0x170]  }
0x333: {  	v0 =	vadd.f32 v1, v0  }
0x334: {  	v1 =	vld [tilespmem:s21+$0x8380]  }
0x335: {  	v0 =	vadd.f32 v2, v0  }
0x336: {  	v2 =	vld [tilespmem:s20+$0x190]  }
0x337: {  	v0 =	vadd.f32 v3, v0;
	_ =	sdelay $0x1  }
0x338: {  	v0 =	vadd.f32 v1, v0;
	_ =	sdelay $0x1  }
0x339: {  	v0 =	vadd.f32 v2, v0;
	_ =	sdelay $0x1  }
0x33a: {  	v0 =	vsub.f32 $0.0e+00, v0;
	_ =	sdelay $0x1  }
0x33b: {  	v0 =	vmul.f32 $1.442695020e+00, v0;
	_ =	sdelay $0x1  }
0x33c: {  	(erf) = vpow2.f32 v0;
	_ =	sdelay $0x8  }
0x33d: {  	v0 =	vpop (erf)  }
0x33e: {  	v0 =	vadd.f32 $1.000000000e+00, v0;
	_ =	sdelay $0x1  }
0x33f: {  	(erf) = vrcp.f32 v0;
	_ =	sdelay $0x8  }
0x340: {  	v0 =	vpop (erf)  }
0x341: {  	[tilespmem:s19+$0x0] =	vst v0  }
0x342: {  	_ =	swait.ge [sflag:s16], $0xD00  }
0x343: {  	[sflag:s16] =	ssyncset.done $0x0  }
0x344: {  	s20 =	simm.s32 $0x9C00;
	[sflag:s16] =	ssyncadd.s32 $0xFFFFF300  }
0x345: {  	s19 =	simm.s32 $0xB700;
	v0 =	vld [tilespmem:s20+$0x0]  }
0x346: {  	s22 =	simm.s32 $0x1BA0;
	s21 =	simm.s32 $0x1A00;
	v1 =	vld [tilespmem:s19+$0x0]  }
.LBB2_10:
0x347: {  	p0 =	sne.s32 s22, $0x2560  }
0x348: {  	v2 =	vld [tilespmem:s20+$0x10];
	_ =	sdelay $0x1  }
0x349: {  	v3 =	vld [tilespmem:s20+$0x20]  }
0x34a: {  	v0 =	vadd.f32 v0, v1  }
0x34b: {  	v1 =	vld [tilespmem:s20+$0x30]  }
0x34c: {  	v0 =	vadd.f32 v2, v0  }
0x34d: {  	v2 =	vld [tilespmem:s20+$0x40]  }
0x34e: {  	v0 =	vadd.f32 v3, v0  }
0x34f: {  	v3 =	vld [tilespmem:s20+$0x50]  }
0x350: {  	v0 =	vadd.f32 v1, v0  }
0x351: {  	v1 =	vld [tilespmem:s20+$0x60]  }
0x352: {  	v0 =	vadd.f32 v2, v0  }
0x353: {  	v2 =	vld [tilespmem:s20+$0x70]  }
0x354: {  	s23 =	sand.u32 $0x3FE0, s21;
	s21 =	smov.u32 s22;
	v0 =	vadd.f32 v3, v0  }
0x355: {  	v3 =	vld [tilespmem:s23+$0x8280]  }
0x356: {  	v0 =	vadd.f32 v1, v0  }
0x357: {  	v1 =	vld [tilespmem:s20+$0x90]  }
0x358: {  	v0 =	vadd.f32 v2, v0  }
0x359: {  	v2 =	vld [tilespmem:s20+$0xA0]  }
0x35a: {  	v0 =	vadd.f32 v3, v0  }
0x35b: {  	v3 =	vld [tilespmem:s20+$0xB0]  }
0x35c: {  	v0 =	vadd.f32 v1, v0  }
0x35d: {  	v1 =	vld [tilespmem:s20+$0xC0]  }
0x35e: {  	v0 =	vadd.f32 v2, v0  }
0x35f: {  	v2 =	vld [tilespmem:s20+$0xD0]  }
0x360: {  	v0 =	vadd.f32 v3, v0  }
0x361: {  	v3 =	vld [tilespmem:s20+$0xE0]  }
0x362: {  	v0 =	vadd.f32 v1, v0  }
0x363: {  	v1 =	vld [tilespmem:s20+$0xF0]  }
0x364: {  	v0 =	vadd.f32 v2, v0  }
0x365: {  	v2 =	vld [tilespmem:s23+$0x8300]  }
0x366: {  	v0 =	vadd.f32 v3, v0  }
0x367: {  	v3 =	vld [tilespmem:s20+$0x110]  }
0x368: {  	v0 =	vadd.f32 v1, v0  }
0x369: {  	v1 =	vld [tilespmem:s20+$0x120]  }
0x36a: {  	v0 =	vadd.f32 v2, v0  }
0x36b: {  	v2 =	vld [tilespmem:s20+$0x130]  }
0x36c: {  	v0 =	vadd.f32 v3, v0  }
0x36d: {  	v3 =	vld [tilespmem:s20+$0x140]  }
0x36e: {  	v0 =	vadd.f32 v1, v0  }
0x36f: {  	v1 =	vld [tilespmem:s20+$0x150]  }
0x370: {  	v0 =	vadd.f32 v2, v0  }
0x371: {  	v2 =	vld [tilespmem:s20+$0x160]  }
0x372: {  	v0 =	vadd.f32 v3, v0  }
0x373: {  	v3 =	vld [tilespmem:s20+$0x170]  }
0x374: {  	v0 =	vadd.f32 v1, v0  }
0x375: {  	v1 =	vld [tilespmem:s23+$0x8380]  }
0x376: {  	v0 =	vadd.f32 v2, v0  }
0x377: {  	v2 =	vld [tilespmem:s20+$0x190]  }
0x378: {  	v0 =	vadd.f32 v3, v0;
	_ =	sdelay $0x1  }
0x379: {  	v0 =	vadd.f32 v1, v0;
	_ =	sdelay $0x1  }
0x37a: {  	v0 =	vadd.f32 v2, v0;
	_ =	sdelay $0x1  }
0x37b: {  	v0 =	vsub.f32 $0.0e+00, v0;
	_ =	sdelay $0x1  }
0x37c: {  	v0 =	vmul.f32 $1.442695020e+00, v0;
	_ =	sdelay $0x1  }
0x37d: {  	(erf) = vpow2.f32 v0;
	_ =	sdelay $0x8  }
0x37e: {  	v0 =	vpop (erf)  }
0x37f: {  	v0 =	vadd.f32 $1.000000000e+00, v0;
	_ =	sdelay $0x1  }
0x380: {  	(erf) = vrcp.f32 v0;
	_ =	sdelay $0x7  }
.Ltmp4:
0x381: {  	(pc) =	sbr.rel @p0 .LBB2_10-.Ltmp4, $4  }
0x382: {  	v0 =	vpop (erf)  }
0x383: {  	s20 =	sadd.s32 $0x1A0, s20;
	[tilespmem:s19+$0x0] =	vst v0  }
0x384: {  	s19 =	sadd.s32 $0x10, s19;
	v0 =	vld [tilespmem:s20+$0x0]  }
0x385: {  	s22 =	sadd.s32 $0x1A0, s22;
	v1 =	vld [tilespmem:s19+$0x0]  }
0x386: {  	_ = 	snop  }
0x387: {  	v2 =	vld [tilespmem:s20+$0x10];
	_ =	sdelay $0x1  }
0x388: {  	v3 =	vld [tilespmem:s20+$0x20]  }
0x389: {  	v0 =	vadd.f32 v0, v1  }
0x38a: {  	v1 =	vld [tilespmem:s20+$0x30]  }
0x38b: {  	v0 =	vadd.f32 v2, v0  }
0x38c: {  	v2 =	vld [tilespmem:s20+$0x40]  }
0x38d: {  	v0 =	vadd.f32 v3, v0  }
0x38e: {  	v3 =	vld [tilespmem:s20+$0x50]  }
0x38f: {  	v0 =	vadd.f32 v1, v0  }
0x390: {  	v1 =	vld [tilespmem:s20+$0x60]  }
0x391: {  	v0 =	vadd.f32 v2, v0  }
0x392: {  	v2 =	vld [tilespmem:s20+$0x70]  }
0x393: {  	s21 =	sand.u32 $0x3FE0, s21;
	v0 =	vadd.f32 v3, v0  }
0x394: {  	v3 =	vld [tilespmem:s21+$0x8280]  }
0x395: {  	v0 =	vadd.f32 v1, v0  }
0x396: {  	v1 =	vld [tilespmem:s20+$0x90]  }
0x397: {  	v0 =	vadd.f32 v2, v0  }
0x398: {  	v2 =	vld [tilespmem:s20+$0xA0]  }
0x399: {  	v0 =	vadd.f32 v3, v0  }
0x39a: {  	v3 =	vld [tilespmem:s20+$0xB0]  }
0x39b: {  	v0 =	vadd.f32 v1, v0  }
0x39c: {  	v1 =	vld [tilespmem:s20+$0xC0]  }
0x39d: {  	v0 =	vadd.f32 v2, v0  }
0x39e: {  	v2 =	vld [tilespmem:s20+$0xD0]  }
0x39f: {  	v0 =	vadd.f32 v3, v0  }
0x3a0: {  	v3 =	vld [tilespmem:s20+$0xE0]  }
0x3a1: {  	v0 =	vadd.f32 v1, v0  }
0x3a2: {  	v1 =	vld [tilespmem:s20+$0xF0]  }
0x3a3: {  	v0 =	vadd.f32 v2, v0  }
0x3a4: {  	v2 =	vld [tilespmem:s21+$0x8300]  }
0x3a5: {  	v0 =	vadd.f32 v3, v0  }
0x3a6: {  	v3 =	vld [tilespmem:s20+$0x110]  }
0x3a7: {  	v0 =	vadd.f32 v1, v0  }
0x3a8: {  	v1 =	vld [tilespmem:s20+$0x120]  }
0x3a9: {  	v0 =	vadd.f32 v2, v0  }
0x3aa: {  	v2 =	vld [tilespmem:s20+$0x130]  }
0x3ab: {  	v0 =	vadd.f32 v3, v0  }
0x3ac: {  	v3 =	vld [tilespmem:s20+$0x140]  }
0x3ad: {  	v0 =	vadd.f32 v1, v0  }
0x3ae: {  	v1 =	vld [tilespmem:s20+$0x150]  }
0x3af: {  	v0 =	vadd.f32 v2, v0  }
0x3b0: {  	v2 =	vld [tilespmem:s20+$0x160]  }
0x3b1: {  	v0 =	vadd.f32 v3, v0  }
0x3b2: {  	v3 =	vld [tilespmem:s20+$0x170]  }
0x3b3: {  	v0 =	vadd.f32 v1, v0  }
0x3b4: {  	v1 =	vld [tilespmem:s21+$0x8380]  }
0x3b5: {  	v0 =	vadd.f32 v2, v0  }
0x3b6: {  	v2 =	vld [tilespmem:s20+$0x190]  }
0x3b7: {  	v0 =	vadd.f32 v3, v0;
	_ =	sdelay $0x1  }
0x3b8: {  	v0 =	vadd.f32 v1, v0;
	_ =	sdelay $0x1  }
0x3b9: {  	v0 =	vadd.f32 v2, v0;
	_ =	sdelay $0x1  }
0x3ba: {  	v0 =	vsub.f32 $0.0e+00, v0;
	_ =	sdelay $0x1  }
0x3bb: {  	v0 =	vmul.f32 $1.442695020e+00, v0;
	_ =	sdelay $0x1  }
0x3bc: {  	(erf) = vpow2.f32 v0;
	_ =	sdelay $0x8  }
0x3bd: {  	v0 =	vpop (erf)  }
0x3be: {  	v0 =	vadd.f32 $1.000000000e+00, v0;
	_ =	sdelay $0x1  }
0x3bf: {  	(erf) = vrcp.f32 v0;
	_ =	sdelay $0x8  }
0x3c0: {  	v0 =	vpop (erf)  }
0x3c1: {  	[tilespmem:s19+$0x0] =	vst v0  }
0x3c2: {  	_ =	swait.ge [sflag:s16], $0xD00  }
0x3c3: {  	[sflag:s16] =	ssyncset.done $0x0  }
0x3c4: {  	s20 =	simm.s32 $0xA900;
	[sflag:s16] =	ssyncadd.s32 $0xFFFFF300  }
0x3c5: {  	s19 =	simm.s32 $0xB780;
	v0 =	vld [tilespmem:s20+$0x0]  }
0x3c6: {  	s22 =	simm.s32 $0x28A0;
	s21 =	simm.s32 $0x2700;
	v1 =	vld [tilespmem:s19+$0x0]  }
.LBB2_12:
0x3c7: {  	p0 =	sne.s32 s22, $0x3260  }
0x3c8: {  	v2 =	vld [tilespmem:s20+$0x10];
	_ =	sdelay $0x1  }
0x3c9: {  	v3 =	vld [tilespmem:s20+$0x20]  }
0x3ca: {  	v0 =	vadd.f32 v0, v1  }
0x3cb: {  	v1 =	vld [tilespmem:s20+$0x30]  }
0x3cc: {  	v0 =	vadd.f32 v2, v0  }
0x3cd: {  	v2 =	vld [tilespmem:s20+$0x40]  }
0x3ce: {  	v0 =	vadd.f32 v3, v0  }
0x3cf: {  	v3 =	vld [tilespmem:s20+$0x50]  }
0x3d0: {  	v0 =	vadd.f32 v1, v0  }
0x3d1: {  	v1 =	vld [tilespmem:s20+$0x60]  }
0x3d2: {  	v0 =	vadd.f32 v2, v0  }
0x3d3: {  	v2 =	vld [tilespmem:s20+$0x70]  }
0x3d4: {  	s23 =	sand.u32 $0x3FE0, s21;
	s21 =	smov.u32 s22;
	v0 =	vadd.f32 v3, v0  }
0x3d5: {  	v3 =	vld [tilespmem:s23+$0x8280]  }
0x3d6: {  	v0 =	vadd.f32 v1, v0  }
0x3d7: {  	v1 =	vld [tilespmem:s20+$0x90]  }
0x3d8: {  	v0 =	vadd.f32 v2, v0  }
0x3d9: {  	v2 =	vld [tilespmem:s20+$0xA0]  }
0x3da: {  	v0 =	vadd.f32 v3, v0  }
0x3db: {  	v3 =	vld [tilespmem:s20+$0xB0]  }
0x3dc: {  	v0 =	vadd.f32 v1, v0  }
0x3dd: {  	v1 =	vld [tilespmem:s20+$0xC0]  }
0x3de: {  	v0 =	vadd.f32 v2, v0  }
0x3df: {  	v2 =	vld [tilespmem:s20+$0xD0]  }
0x3e0: {  	v0 =	vadd.f32 v3, v0  }
0x3e1: {  	v3 =	vld [tilespmem:s20+$0xE0]  }
0x3e2: {  	v0 =	vadd.f32 v1, v0  }
0x3e3: {  	v1 =	vld [tilespmem:s20+$0xF0]  }
0x3e4: {  	v0 =	vadd.f32 v2, v0  }
0x3e5: {  	v2 =	vld [tilespmem:s23+$0x8300]  }
0x3e6: {  	v0 =	vadd.f32 v3, v0  }
0x3e7: {  	v3 =	vld [tilespmem:s20+$0x110]  }
0x3e8: {  	v0 =	vadd.f32 v1, v0  }
0x3e9: {  	v1 =	vld [tilespmem:s20+$0x120]  }
0x3ea: {  	v0 =	vadd.f32 v2, v0  }
0x3eb: {  	v2 =	vld [tilespmem:s20+$0x130]  }
0x3ec: {  	v0 =	vadd.f32 v3, v0  }
0x3ed: {  	v3 =	vld [tilespmem:s20+$0x140]  }
0x3ee: {  	v0 =	vadd.f32 v1, v0  }
0x3ef: {  	v1 =	vld [tilespmem:s20+$0x150]  }
0x3f0: {  	v0 =	vadd.f32 v2, v0  }
0x3f1: {  	v2 =	vld [tilespmem:s20+$0x160]  }
0x3f2: {  	v0 =	vadd.f32 v3, v0  }
0x3f3: {  	v3 =	vld [tilespmem:s20+$0x170]  }
0x3f4: {  	v0 =	vadd.f32 v1, v0  }
0x3f5: {  	v1 =	vld [tilespmem:s23+$0x8380]  }
0x3f6: {  	v0 =	vadd.f32 v2, v0  }
0x3f7: {  	v2 =	vld [tilespmem:s20+$0x190]  }
0x3f8: {  	v0 =	vadd.f32 v3, v0;
	_ =	sdelay $0x1  }
0x3f9: {  	v0 =	vadd.f32 v1, v0;
	_ =	sdelay $0x1  }
0x3fa: {  	v0 =	vadd.f32 v2, v0;
	_ =	sdelay $0x1  }
0x3fb: {  	v0 =	vsub.f32 $0.0e+00, v0;
	_ =	sdelay $0x1  }
0x3fc: {  	v0 =	vmul.f32 $1.442695020e+00, v0;
	_ =	sdelay $0x1  }
0x3fd: {  	(erf) = vpow2.f32 v0;
	_ =	sdelay $0x8  }
0x3fe: {  	v0 =	vpop (erf)  }
0x3ff: {  	v0 =	vadd.f32 $1.000000000e+00, v0;
	_ =	sdelay $0x1  }
0x400: {  	(erf) = vrcp.f32 v0;
	_ =	sdelay $0x7  }
.Ltmp5:
0x401: {  	(pc) =	sbr.rel @p0 .LBB2_12-.Ltmp5, $4  }
0x402: {  	v0 =	vpop (erf)  }
0x403: {  	s20 =	sadd.s32 $0x1A0, s20;
	[tilespmem:s19+$0x0] =	vst v0  }
0x404: {  	s19 =	sadd.s32 $0x10, s19;
	v0 =	vld [tilespmem:s20+$0x0]  }
0x405: {  	s22 =	sadd.s32 $0x1A0, s22;
	v1 =	vld [tilespmem:s19+$0x0]  }
0x406: {  	_ = 	snop  }
0x407: {  	v2 =	vld [tilespmem:s20+$0x10];
	_ =	sdelay $0x1  }
0x408: {  	v3 =	vld [tilespmem:s20+$0x20]  }
0x409: {  	v0 =	vadd.f32 v0, v1  }
0x40a: {  	v41 =	vld [tilespmem:s20+$0x30]  }
0x40b: {  	v0 =	vadd.f32 v2, v0  }
0x40c: {  	v42 =	vld [tilespmem:s20+$0x40]  }
0x40d: {  	v0 =	vadd.f32 v3, v0  }
0x40e: {  	v43 =	vld [tilespmem:s20+$0x50]  }
0x40f: {  	v0 =	vadd.f32 v41, v0  }
0x410: {  	v44 =	vld [tilespmem:s20+$0x60]  }
0x411: {  	v0 =	vadd.f32 v42, v0  }
0x412: {  	v45 =	vld [tilespmem:s20+$0x70]  }
0x413: {  	s21 =	sand.u32 $0x3FE0, s21;
	v0 =	vadd.f32 v43, v0  }
0x414: {  	v46 =	vld [tilespmem:s21+$0x8280]  }
0x415: {  	v0 =	vadd.f32 v44, v0  }
0x416: {  	v47 =	vld [tilespmem:s20+$0x90]  }
0x417: {  	v0 =	vadd.f32 v45, v0  }
0x418: {  	v48 =	vld [tilespmem:s20+$0xA0]  }
0x419: {  	v0 =	vadd.f32 v46, v0  }
0x41a: {  	v49 =	vld [tilespmem:s20+$0xB0]  }
0x41b: {  	v0 =	vadd.f32 v47, v0  }
0x41c: {  	v50 =	vld [tilespmem:s20+$0xC0]  }
0x41d: {  	v0 =	vadd.f32 v48, v0  }
0x41e: {  	v51 =	vld [tilespmem:s20+$0xD0]  }
0x41f: {  	v0 =	vadd.f32 v49, v0  }
0x420: {  	v52 =	vld [tilespmem:s20+$0xE0]  }
0x421: {  	v0 =	vadd.f32 v50, v0  }
0x422: {  	v53 =	vld [tilespmem:s20+$0xF0]  }
0x423: {  	v0 =	vadd.f32 v51, v0  }
0x424: {  	v54 =	vld [tilespmem:s21+$0x8300]  }
0x425: {  	v0 =	vadd.f32 v52, v0  }
0x426: {  	v55 =	vld [tilespmem:s20+$0x110]  }
0x427: {  	v0 =	vadd.f32 v53, v0  }
0x428: {  	v56 =	vld [tilespmem:s20+$0x120]  }
0x429: {  	v0 =	vadd.f32 v54, v0  }
0x42a: {  	v57 =	vld [tilespmem:s20+$0x130]  }
0x42b: {  	v0 =	vadd.f32 v55, v0  }
0x42c: {  	v58 =	vld [tilespmem:s20+$0x140]  }
0x42d: {  	v0 =	vadd.f32 v56, v0  }
0x42e: {  	v59 =	vld [tilespmem:s20+$0x150]  }
0x42f: {  	v0 =	vadd.f32 v57, v0  }
0x430: {  	v60 =	vld [tilespmem:s20+$0x160]  }
0x431: {  	v0 =	vadd.f32 v58, v0  }
0x432: {  	v61 =	vld [tilespmem:s20+$0x170]  }
0x433: {  	v0 =	vadd.f32 v59, v0  }
0x434: {  	v62 =	vld [tilespmem:s21+$0x8380]  }
0x435: {  	v0 =	vadd.f32 v60, v0  }
0x436: {  	v63 =	vld [tilespmem:s20+$0x190]  }
0x437: {  	v0 =	vadd.f32 v61, v0;
	_ =	sdelay $0x1  }
0x438: {  	v0 =	vadd.f32 v62, v0;
	_ =	sdelay $0x1  }
0x439: {  	v0 =	vadd.f32 v63, v0;
	_ =	sdelay $0x1  }
0x43a: {  	v0 =	vsub.f32 $0.0e+00, v0;
	_ =	sdelay $0x1  }
0x43b: {  	v0 =	vmul.f32 $1.442695020e+00, v0;
	_ =	sdelay $0x1  }
0x43c: {  	(erf) = vpow2.f32 v0;
	_ =	sdelay $0x8  }
0x43d: {  	v0 =	vpop (erf)  }
0x43e: {  	v0 =	vadd.f32 $1.000000000e+00, v0;
	_ =	sdelay $0x1  }
0x43f: {  	(erf) = vrcp.f32 v0;
	_ =	sdelay $0x7  }
0x440: {  	s18 =	sadd.s32 $0x1, s18  }
0x441: {  	p0 =	sne.s32 s18, s15;
	v0 =	vpop (erf)  }
.Ltmp6:
0x442: {  	s26 =	rddreg [dreg:$0x15];
	s28 =	simm.s32 $0xB600;
	[tilespmem:s19+$0x0] =	vst v0;
	(pc) =	sbr.rel @p0 .LBB2_1-.Ltmp6, $4  }
0x443: {  	[hbm4b:s26+s2] =	stream.linear.scatter [tilespmem:s28], [sflag:$0x2], $0x200, $0x38;
	[tilespmem:$0xB800] =	vst v63  }
0x444: {  	_ =	swait.ge [sflag:s17], $0x200  }
0x445: {  	[sflag:s17] =	ssyncset.done $0x0  }
0x446: {  	[sflag:s17] =	ssyncadd.s32 $0xFFFFFE00  }
0x447: {  	_ =	sfence.sel $0x180000  }
0x448: {  	[bflag:$0x0] =	sbarrier.arrive $0xFFFF  }
0x449: {  	_ =	strace $0x90000047  }
0x44a: {  	s0 =	stileid.u32;
	[bflag:$0x2] =	sbarrier.arrive $0xFFFF  }
0x44b: {  	p0 =	sne.s32 s0, $0x0;
	s0 =	rddreg [dreg:$0x2]  }
0x44c: {  	s0 =	sadd.s32 @!p0 $0x100000, s0  }
0x44d: {  	[sflag:s0] =	ssyncadd.tile.s32 @!p0 $0x1;
	_ =	shalt  }
.Lfunc_end2:
_tile_overlayer_lowered:
.L_overlay_start_2:
0x44e: {  	(tag) =	ssettag $0x2  }
0x44f: {  	s0 =	rddreg [dreg:$0x0];
	s2 =	stileid.u32  }
0x450: {  	s1 =	rddreg [dreg:$0x1];
	p0 =	sne.s32 s2, $0x0  }
0x451: {  	s3 =	rddreg [dreg:$0x2];
	[bflag:$0x3] =	sbarrier.arrive $0xFFFF;
	s2 =	simm.s32 @!p0 $0x1C02  }
0x452: {  	[timem:s3], [sflag:s2] =	dma.local @!p0 [hbm:s0], s1  }
0x453: {  	s0 =	simm.s32 @!p0 $0x2  }
0x454: {  	_ =	swait.ge @!p0 [sflag:s0], s1  }
0x455: {  	s1 =	ssub.s32 @!p0 $0x0, s1;
	[sflag:s0] =	ssyncset.done @!p0 $0x0  }
0x456: {  	[sflag:s0] =	ssyncadd.s32 @!p0 s1  }
0x457: {  	[bflag:$0x3] =	sbarrier.arrive $0xFFFF  }
0x458: {  	_ =	shalt  }

</sc_bundles>
